<compile_context>
chip_gen: v7x
topology: tpu7x:2x2x1
jax: 0.10.2.dev20260603
libtpu: 0.0.44.dev20260713+nightly
codegen_flags: <defaults>
</compile_context>

<pallas_src>
import functools

import jax
import jax.numpy as jnp
from jax import lax
from jax.experimental import pallas as pl
from jax.experimental.pallas import tpu as pltpu
from jax.experimental.pallas import tpu_sc as plsc

N = 10000
E = 320000
D = 128
DH = 64
DO = 64

NC = 2
NS = 16

CH = 125
EPT = E // NS
NCHUNK = EPT // CH
NBUF = 8

DNCHUNK = NCHUNK // NC

NP = 10240
SLAB = NP // NS

BLK = 2048
NBLK = NP // BLK


NR = NP // 128
RPT = NR // NS


def _sc_degree_body(ei_hbm, out_hbm, dst_v, cnt_v, rix_v, deg_sh):
    c = lax.axis_index("c")
    s = lax.axis_index("s")
    f32 = jnp.float32
    zeros16 = jnp.zeros((16,), f32)
    ones16 = jnp.ones((16,), f32)
    iota16 = lax.broadcasted_iota(jnp.int32, (16,), 0)

    def zrow(i, carry):
        for k in range(8):
            cnt_v[i, pl.ds(k * 16, 16)] = zeros16
        return carry

    lax.fori_loop(0, NR, zrow, 0)
    for k in range(NR // 16):
        rix_v[pl.ds(k * 16, 16)] = iota16 + (k * 16)
    pltpu.sync_copy(cnt_v.at[pl.ds(0, RPT)], deg_sh.at[pl.ds(s * RPT, RPT)])
    pltpu.sync_copy(ei_hbm.at[1, s, pl.ds(c * DNCHUNK, DNCHUNK)], dst_v)
    tailmask = iota16 >= 3

    def body(j, carry):
        for k in range(7):
            idx = dst_v[j, pl.ds(k * 16, 16)]
            plsc.addupdate_scatter(cnt_v, [idx >> 7, idx & 127], ones16)
        idx = dst_v[j, pl.ds(CH - 16, 16)]
        plsc.addupdate_scatter(cnt_v, [idx >> 7, idx & 127], ones16,
                               mask=tailmask)
        return carry

    lax.fori_loop(0, DNCHUNK, body, 0)
    plsc.subcore_barrier()
    pltpu.sync_copy(cnt_v, deg_sh.at[rix_v], add=True)
    plsc.subcore_barrier()
    pltpu.sync_copy(deg_sh.at[pl.ds(s * RPT, RPT)], out_hbm.at[c, pl.ds(s * RPT, RPT)])


def _sc_edge_body(g_hbm, ei_hbm, out_hbm, src_v, dst_v, rows, gsems, acc_sh):
    c = lax.axis_index("c")
    s = lax.axis_index("s")
    slab = s * SLAB
    zb = jnp.zeros((32,), jnp.bfloat16)

    def zbody(r, carry):
        rows[0][r, pl.ds(0, 32)] = zb
        rows[0][r, pl.ds(32, 32)] = zb
        return carry

    lax.fori_loop(0, CH, zbody, 0)
    for j in range(SLAB // CH):
        pltpu.sync_copy(rows[0], acc_sh.at[pl.ds(slab + j * CH, CH)])
    pltpu.sync_copy(rows[0].at[pl.ds(0, SLAB % CH)],
                    acc_sh.at[pl.ds(slab + (SLAB // CH) * CH, SLAB % CH)])
    pltpu.sync_copy(ei_hbm.at[0, s], src_v)
    pltpu.sync_copy(ei_hbm.at[1, s], dst_v)
    plsc.subcore_barrier()

    table = g_hbm.at[c]

    for b in range(NBUF):
        pltpu.async_copy(table.at[src_v.at[b]], rows[b], gsems[b])

    def body(grp, carry):
        for b in range(NBUF):
            ch = grp * NBUF + b
            pltpu.make_async_copy(table.at[src_v.at[ch]], rows[b],
                                  gsems[b]).wait()
            pltpu.sync_copy(rows[b], acc_sh.at[dst_v.at[ch]], add=True)

            @pl.when(ch + NBUF < NCHUNK)
            def _():
                pltpu.async_copy(table.at[src_v.at[ch + NBUF]], rows[b],
                                 gsems[b])
        return carry

    lax.fori_loop(0, NCHUNK // NBUF, body, 0)
    plsc.subcore_barrier()
    pltpu.sync_copy(acc_sh.at[pl.ds(slab, SLAB)],
                    out_hbm.at[pl.ds(slab, SLAB), pl.ds(c * DH, DH)])


@functools.lru_cache(maxsize=None)
def _sc_kernels():
    mesh = plsc.VectorSubcoreMesh(core_axis_name="c", subcore_axis_name="s",
                                  num_cores=NC, num_subcores=NS)
    params = pltpu.CompilerParams(use_tc_tiling_on_sc=False)
    sc_degree = pl.kernel(
        _sc_degree_body,
        out_type=jax.ShapeDtypeStruct((NC, NR, 128), jnp.float32),
        mesh=mesh,
        compiler_params=pltpu.CompilerParams(use_tc_tiling_on_sc=False,
                                             needs_layout_passes=False),
        scratch_types=[
            pltpu.VMEM((DNCHUNK, CH), jnp.int32),
            pltpu.VMEM((NR, 128), jnp.float32),
            pltpu.VMEM((NR,), jnp.int32),
            pltpu.VMEM_SHARED((NR, 128), jnp.float32),
        ],
    )
    sc_edge = pl.kernel(
        _sc_edge_body,
        out_type=jax.ShapeDtypeStruct((NP, D), jnp.bfloat16),
        mesh=mesh,
        compiler_params=params,
        scratch_types=[
            pltpu.VMEM((NCHUNK, CH), jnp.int32),
            pltpu.VMEM((NCHUNK, CH), jnp.int32),
            [pltpu.VMEM((CH, DH), jnp.bfloat16) for _ in range(NBUF)],
            [pltpu.SemaphoreType.DMA for _ in range(NBUF)],
            pltpu.VMEM_SHARED((NP, DH), jnp.bfloat16),
        ],
    )
    return sc_degree, sc_edge


def _tc1a_body(x_ref, w1_ref, h_ref):
    h_ref[...] = lax.dot_general(x_ref[...], w1_ref[...],
                                 (((1,), (1,)), ((), ())),
                                 preferred_element_type=jnp.float32)


_tc1a = pl.pallas_call(
    _tc1a_body,
    grid=(N // 1000,),
    in_specs=[
        pl.BlockSpec((1000, D), lambda i: (i, 0)),
        pl.BlockSpec((D, D), lambda i: (0, 0)),
    ],
    out_specs=pl.BlockSpec((1000, D), lambda i: (i, 0)),
    out_shape=jax.ShapeDtypeStruct((NP, D), jnp.float32),
)


def _tc1b_body(deg_ref, h_ref, g_ref, dinv_ref):
    deg = deg_ref[0] + deg_ref[1] + 1.0
    dv = lax.rsqrt(deg)
    g = (h_ref[...] * dv[:, None]).astype(jnp.bfloat16)
    g_ref[0] = g[:, :DH]
    g_ref[1] = g[:, DH:]
    dinv_ref[...] = dv


_tc1b = pl.pallas_call(
    _tc1b_body,
    grid=(NBLK,),
    in_specs=[
        pl.BlockSpec((NC, BLK), lambda i: (0, i)),
        pl.BlockSpec((BLK, D), lambda i: (i, 0)),
    ],
    out_specs=[
        pl.BlockSpec((NC, BLK, DH), lambda i: (0, i, 0)),
        pl.BlockSpec((BLK,), lambda i: (i,)),
    ],
    out_shape=[
        jax.ShapeDtypeStruct((NC, NP, DH), jnp.bfloat16),
        jax.ShapeDtypeStruct((NP,), jnp.float32),
    ],
)


def _tc2_body(t_ref, g_ref, dinv_ref, b1_ref, w2_ref, g2_ref):
    f32 = jnp.float32
    dv = dinv_ref[...]
    gfull = jnp.concatenate([g_ref[0], g_ref[1]], axis=1).astype(f32)
    t = t_ref[...].astype(f32) + gfull
    o1 = jnp.maximum(t * dv[:, None] + b1_ref[...][None, :], 0.0)
    h2 = lax.dot_general(o1, w2_ref[...], (((1,), (1,)), ((), ())),
                         preferred_element_type=jnp.float32)
    g2 = (h2 * dv[:, None]).astype(jnp.bfloat16)
    g2_ref[0] = g2[:, :DH]
    g2_ref[1] = g2[:, DH:]


_tc2 = pl.pallas_call(
    _tc2_body,
    grid=(NBLK,),
    in_specs=[
        pl.BlockSpec((BLK, D), lambda i: (i, 0)),
        pl.BlockSpec((NC, BLK, DH), lambda i: (0, i, 0)),
        pl.BlockSpec((BLK,), lambda i: (i,)),
        pl.BlockSpec((D,), lambda i: (0,)),
        pl.BlockSpec((D, D), lambda i: (0, 0)),
    ],
    out_specs=pl.BlockSpec((NC, BLK, DH), lambda i: (0, i, 0)),
    out_shape=jax.ShapeDtypeStruct((NC, NP, DH), jnp.bfloat16),
)


def _tc3_body(t_ref, g_ref, dinv_ref, b2_ref, wl_ref, bl_ref, out_ref):
    i = pl.program_id(0)
    f32 = jnp.float32
    dv = dinv_ref[...]
    gfull = jnp.concatenate([g_ref[0], g_ref[1]], axis=1).astype(f32)
    t = t_ref[...].astype(f32) + gfull
    o2 = jnp.maximum(t * dv[:, None] + b2_ref[...][None, :], 0.0)
    y = lax.dot_general(o2, wl_ref[...], (((1,), (1,)), ((), ())),
                        preferred_element_type=jnp.float32)
    y = jnp.maximum(y + bl_ref[...][None, :], 0.0)
    rid = i * BLK + lax.broadcasted_iota(jnp.int32, (BLK, 1), 0)
    y = jnp.where(rid < N, y, 0.0)
    ssum = jnp.sum(y, axis=0, keepdims=True)

    @pl.when(i == 0)
    def _():
        out_ref[...] = ssum

    @pl.when(i > 0)
    def _():
        out_ref[...] = out_ref[...] + ssum

    @pl.when(i == NBLK - 1)
    def _():
        out_ref[...] = jax.nn.sigmoid(out_ref[...])


_tc3 = pl.pallas_call(
    _tc3_body,
    grid=(NBLK,),
    in_specs=[
        pl.BlockSpec((BLK, D), lambda i: (i, 0)),
        pl.BlockSpec((NC, BLK, DH), lambda i: (0, i, 0)),
        pl.BlockSpec((BLK,), lambda i: (i,)),
        pl.BlockSpec((D,), lambda i: (0,)),
        pl.BlockSpec((DO, D), lambda i: (0, 0)),
        pl.BlockSpec((DO,), lambda i: (0,)),
    ],
    out_specs=pl.BlockSpec((1, DO), lambda i: (0, 0)),
    out_shape=jax.ShapeDtypeStruct((1, DO), jnp.float32),
)


def kernel(x, edge_index, batch, W1, b1, W2, b2, Wl, bl):
    eir = edge_index.reshape(2, NS, NCHUNK, CH)

    sc_degree, sc_edge = _sc_kernels()
    degp = sc_degree(eir).reshape(NC, NP)
    h1 = _tc1a(x, W1)
    g1, dinv = _tc1b(degp, h1)
    t1 = sc_edge(g1, eir)
    g2 = _tc2(t1, g1, dinv, b1, W2)
    t2 = sc_edge(g2, eir)
    out = _tc3(t2, g2, dinv, b2, Wl, bl)
    return out[0]

# --- scband reference (transcript-rebuilt; emitter-appended) ---
"""Pipeline reference for scband-temporal-gcn-32341103739500 (READ-ONLY COPY).

The authoritative reference and input builder live on the scoring server;
editing this copy changes nothing except your own understanding.
"""

import jax, jax.numpy as jnp
import numpy as np

N_NODES = 10000
N_EDGES = 320000
D_IN = 128
D_HID = 128
D_OUT = 64


def gcn_conv(x, edge_index, W, b, n_nodes):
    # PyG GCNConv: linear transform, add self-loops, symmetric normalization, sum aggregation
    h = x @ W.T
    src = edge_index[0]
    dst = edge_index[1]
    loop = jnp.arange(n_nodes, dtype=src.dtype)
    src = jnp.concatenate([src, loop])
    dst = jnp.concatenate([dst, loop])
    ones = jnp.ones(src.shape[0], dtype=h.dtype)
    deg = jax.ops.segment_sum(ones, dst, num_segments=n_nodes)
    deg_inv_sqrt = jnp.where(deg > 0, deg ** -0.5, 0.0)
    norm = deg_inv_sqrt[src] * deg_inv_sqrt[dst]
    msgs = h[src] * norm[:, None]
    out = jax.ops.segment_sum(msgs, dst, num_segments=n_nodes)
    return out + b


def setup_inputs(seed: int = 0) -> dict:
    key = jax.random.key(seed)
    ks = jax.random.split(key, 8)
    x = jax.random.normal(ks[0], (N_NODES, D_IN), dtype=jnp.float32)
    edge_index = jax.random.randint(ks[1], (2, N_EDGES), 0, N_NODES, dtype=jnp.int32)
    batch = jnp.zeros((N_NODES,), dtype=jnp.int32)
    W1 = jax.random.normal(ks[2], (D_HID, D_IN), dtype=jnp.float32) * (1.0 / np.sqrt(D_IN))
    b1 = jnp.zeros((D_HID,), dtype=jnp.float32)
    W2 = jax.random.normal(ks[3], (D_HID, D_HID), dtype=jnp.float32) * (1.0 / np.sqrt(D_HID))
    b2 = jnp.zeros((D_HID,), dtype=jnp.float32)
    Wl = jax.random.normal(ks[4], (D_OUT, D_HID), dtype=jnp.float32) * (1.0 / np.sqrt(D_HID))
    bl = jnp.zeros((D_OUT,), dtype=jnp.float32)
    return {"x": x, "edge_index": edge_index, "batch": batch, "W1": W1, "b1": b1, "W2": W2, "b2": b2, "Wl": Wl, "bl": bl}


def reference(x, edge_index, batch, W1, b1, W2, b2, Wl, bl):
    n = x.shape[0]
    h = gcn_conv(x, edge_index, W1, b1, n)
    h = jax.nn.relu(h)
    # dropout p=0.2 only active in training; reference runs in eval mode (identity)
    h = gcn_conv(h, edge_index, W2, b2, n)
    h = jax.nn.relu(h)
    h = h @ Wl.T + bl
    h = jax.nn.relu(h)
    h = jnp.sum(h, axis=0)
    return jax.nn.sigmoid(h)

if __name__ == "__main__":
    import jax
    _d = setup_inputs()
    print(jax.jit(kernel)(*tuple(_d.values())))

</pallas_src>

<mosaic_0001>
#map = affine_map<(d0, d1) -> (0, 0, 0)>
#map1 = affine_map<(d0, d1) -> (0, 0, 0, 0)>
#map2 = affine_map<(d0, d1) -> (0, 0)>
module attributes {stable_mosaic.version = 14 : i64} {
  func.func @_sc_edge_body(%arg0: i32, %arg1: i32, %arg2: memref<2x10240x64xbf16, #tpu.memory_space<hbm>>, %arg3: memref<2x16x160x125xi32, #tpu.memory_space<hbm>>, %arg4: memref<10240x128xbf16, #tpu.memory_space<hbm>>, %arg5: memref<160x125xi32, #tpu.memory_space<vmem>>, %arg6: memref<160x125xi32, #tpu.memory_space<vmem>>, %arg7: memref<125x64xbf16, #tpu.memory_space<vmem>>, %arg8: memref<125x64xbf16, #tpu.memory_space<vmem>>, %arg9: memref<125x64xbf16, #tpu.memory_space<vmem>>, %arg10: memref<125x64xbf16, #tpu.memory_space<vmem>>, %arg11: memref<125x64xbf16, #tpu.memory_space<vmem>>, %arg12: memref<125x64xbf16, #tpu.memory_space<vmem>>, %arg13: memref<125x64xbf16, #tpu.memory_space<vmem>>, %arg14: memref<125x64xbf16, #tpu.memory_space<vmem>>, %arg15: memref<!tpu.dma_semaphore, #tpu.memory_space<semaphore_mem>>, %arg16: memref<!tpu.dma_semaphore, #tpu.memory_space<semaphore_mem>>, %arg17: memref<!tpu.dma_semaphore, #tpu.memory_space<semaphore_mem>>, %arg18: memref<!tpu.dma_semaphore, #tpu.memory_space<semaphore_mem>>, %arg19: memref<!tpu.dma_semaphore, #tpu.memory_space<semaphore_mem>>, %arg20: memref<!tpu.dma_semaphore, #tpu.memory_space<semaphore_mem>>, %arg21: memref<!tpu.dma_semaphore, #tpu.memory_space<semaphore_mem>>, %arg22: memref<!tpu.dma_semaphore, #tpu.memory_space<semaphore_mem>>, %arg23: memref<10240x64xbf16, #tpu.memory_space<vmem_shared>>) attributes {dimension_semantics = [#tpu.dimension_semantics<core_parallel>, #tpu.dimension_semantics<subcore_parallel>], iteration_bounds = array<i64: 2, 16>, scalar_prefetch = 0 : i64, scratch_operands = 19 : i64, tpu.core_type = #tpu.core_type<sc_vector_subcore>, window_params = [{transform_indices = #map}, {transform_indices = #map1}, {transform_indices = #map2}]} {
    %mul3A = arith.constant 640 : i32
    %mul3A_0 = arith.muli %arg1, %mul3A : i32
    %broadcast_in_dim3A = arith.constant 0.000000e+00 : bf16
    %broadcast_in_dim3A_1 = vector.broadcast %broadcast_in_dim3A : bf16 to vector<32xbf16>
    %scan3A = arith.constant 0 : i32
    %scan3A_2 = arith.constant 0 : i32
    %scan3A_3 = arith.constant 125 : i32
    %scan3A_4 = arith.addi %scan3A_2, %scan3A_3 : i32
    %scan3A_5 = arith.constant 1 : i32
    scf.for %scan3A_115 = %scan3A_2 to %scan3A_4 step %scan3A_5  : i32 {
      %swap3A = arith.index_cast %scan3A_115 : i32 to index
      %swap3A_116 = arith.constant 0 : index
      %swap3A_117 = tpu.vector_load %arg7[%swap3A, %swap3A_116] {strides = array<i32>} : memref<125x64xbf16, #tpu.memory_space<vmem>>, vector<1x32xbf16>,
      %swap3A_118 = vector.shape_cast %swap3A_117 : vector<1x32xbf16> to vector<32xbf16>
      %swap3A_119 = vector.shape_cast %broadcast_in_dim3A_1 : vector<32xbf16> to vector<1x32xbf16>
      tpu.vector_store %arg7[%swap3A, %swap3A_116], %swap3A_119 {strides = array<i32>} : memref<125x64xbf16, #tpu.memory_space<vmem>>, vector<1x32xbf16>,
      %swap3A_120 = arith.index_cast %scan3A_115 : i32 to index
      %swap3A_121 = arith.constant 32 : index
      %swap3A_122 = tpu.vector_load %arg7[%swap3A_120, %swap3A_121] {strides = array<i32>} : memref<125x64xbf16, #tpu.memory_space<vmem>>, vector<1x32xbf16>,
      %swap3A_123 = vector.shape_cast %swap3A_122 : vector<1x32xbf16> to vector<32xbf16>
      %swap3A_124 = vector.shape_cast %broadcast_in_dim3A_1 : vector<32xbf16> to vector<1x32xbf16>
      tpu.vector_store %arg7[%swap3A_120, %swap3A_121], %swap3A_124 {strides = array<i32>} : memref<125x64xbf16, #tpu.memory_space<vmem>>, vector<1x32xbf16>,
    }
    %scan3A_6 = arith.constant 125 : i32
    %add3A = arith.constant 0 : i32
    %add3A_7 = arith.addi %mul3A_0, %add3A : i32
    "tpu.region"() ({
      %run_scoped3A_115 = tpu.sem_alloc : memref<!tpu.dma_semaphore, #tpu.memory_space<semaphore_mem>>
      %dma_start3A_116 = arith.constant 0 : i32
      %dma_start3A_117 = tpu.memref_slice %arg23[%add3A_7, %dma_start3A_116] : memref<10240x64xbf16, #tpu.memory_space<vmem_shared>> -> memref<125x64xbf16, #tpu.memory_space<vmem_shared>>
      %dma_start3A_118 = arith.constant 0 : i32
      %dma_start3A_119 = tpu.memref_slice %arg23[%add3A_7, %dma_start3A_118] : memref<10240x64xbf16, #tpu.memory_space<vmem_shared>> -> memref<125x64xbf16, #tpu.memory_space<vmem_shared>>
      tpu.enqueue_dma source(%arg7 : memref<125x64xbf16, #tpu.memory_space<vmem>>) target(%dma_start3A_119 : memref<125x64xbf16, #tpu.memory_space<vmem_shared>>) target_semaphore(%run_scoped3A_115 : memref<!tpu.dma_semaphore, #tpu.memory_space<semaphore_mem>>)
      %dma_wait3A = arith.constant 0 : i32
      %dma_wait3A_120 = tpu.memref_slice %arg23[%add3A_7, %dma_wait3A] : memref<10240x64xbf16, #tpu.memory_space<vmem_shared>> -> memref<125x64xbf16, #tpu.memory_space<vmem_shared>>
      %dma_wait3A_121 = arith.constant 0 : i32
      %dma_wait3A_122 = tpu.memref_slice %arg23[%add3A_7, %dma_wait3A_121] : memref<10240x64xbf16, #tpu.memory_space<vmem_shared>> -> memref<125x64xbf16, #tpu.memory_space<vmem_shared>>
      tpu.wait_dma2 semaphore(%run_scoped3A_115 : memref<!tpu.dma_semaphore, #tpu.memory_space<semaphore_mem>>) src(%arg7 : memref<125x64xbf16, #tpu.memory_space<vmem>>) dst(%dma_wait3A_122 : memref<125x64xbf16, #tpu.memory_space<vmem_shared>>)
      tpu.yield
    }) : () -> ()
    %add3A_8 = arith.constant 125 : i32
    %add3A_9 = arith.addi %mul3A_0, %add3A_8 : i32
    "tpu.region"() ({
      %run_scoped3A_115 = tpu.sem_alloc : memref<!tpu.dma_semaphore, #tpu.memory_space<semaphore_mem>>
      %dma_start3A_116 = arith.constant 0 : i32
      %dma_start3A_117 = tpu.memref_slice %arg23[%add3A_9, %dma_start3A_116] : memref<10240x64xbf16, #tpu.memory_space<vmem_shared>> -> memref<125x64xbf16, #tpu.memory_space<vmem_shared>>
      %dma_start3A_118 = arith.constant 0 : i32
      %dma_start3A_119 = tpu.memref_slice %arg23[%add3A_9, %dma_start3A_118] : memref<10240x64xbf16, #tpu.memory_space<vmem_shared>> -> memref<125x64xbf16, #tpu.memory_space<vmem_shared>>
      tpu.enqueue_dma source(%arg7 : memref<125x64xbf16, #tpu.memory_space<vmem>>) target(%dma_start3A_119 : memref<125x64xbf16, #tpu.memory_space<vmem_shared>>) target_semaphore(%run_scoped3A_115 : memref<!tpu.dma_semaphore, #tpu.memory_space<semaphore_mem>>)
      %dma_wait3A = arith.constant 0 : i32
      %dma_wait3A_120 = tpu.memref_slice %arg23[%add3A_9, %dma_wait3A] : memref<10240x64xbf16, #tpu.memory_space<vmem_shared>> -> memref<125x64xbf16, #tpu.memory_space<vmem_shared>>
      %dma_wait3A_121 = arith.constant 0 : i32
      %dma_wait3A_122 = tpu.memref_slice %arg23[%add3A_9, %dma_wait3A_121] : memref<10240x64xbf16, #tpu.memory_space<vmem_shared>> -> memref<125x64xbf16, #tpu.memory_space<vmem_shared>>
      tpu.wait_dma2 semaphore(%run_scoped3A_115 : memref<!tpu.dma_semaphore, #tpu.memory_space<semaphore_mem>>) src(%arg7 : memref<125x64xbf16, #tpu.memory_space<vmem>>) dst(%dma_wait3A_122 : memref<125x64xbf16, #tpu.memory_space<vmem_shared>>)
      tpu.yield
    }) : () -> ()
    %add3A_10 = arith.constant 250 : i32
    %add3A_11 = arith.addi %mul3A_0, %add3A_10 : i32
    "tpu.region"() ({
      %run_scoped3A_115 = tpu.sem_alloc : memref<!tpu.dma_semaphore, #tpu.memory_space<semaphore_mem>>
      %dma_start3A_116 = arith.constant 0 : i32
      %dma_start3A_117 = tpu.memref_slice %arg23[%add3A_11, %dma_start3A_116] : memref<10240x64xbf16, #tpu.memory_space<vmem_shared>> -> memref<125x64xbf16, #tpu.memory_space<vmem_shared>>
      %dma_start3A_118 = arith.constant 0 : i32
      %dma_start3A_119 = tpu.memref_slice %arg23[%add3A_11, %dma_start3A_118] : memref<10240x64xbf16, #tpu.memory_space<vmem_shared>> -> memref<125x64xbf16, #tpu.memory_space<vmem_shared>>
      tpu.enqueue_dma source(%arg7 : memref<125x64xbf16, #tpu.memory_space<vmem>>) target(%dma_start3A_119 : memref<125x64xbf16, #tpu.memory_space<vmem_shared>>) target_semaphore(%run_scoped3A_115 : memref<!tpu.dma_semaphore, #tpu.memory_space<semaphore_mem>>)
      %dma_wait3A = arith.constant 0 : i32
      %dma_wait3A_120 = tpu.memref_slice %arg23[%add3A_11, %dma_wait3A] : memref<10240x64xbf16, #tpu.memory_space<vmem_shared>> -> memref<125x64xbf16, #tpu.memory_space<vmem_shared>>
      %dma_wait3A_121 = arith.constant 0 : i32
      %dma_wait3A_122 = tpu.memref_slice %arg23[%add3A_11, %dma_wait3A_121] : memref<10240x64xbf16, #tpu.memory_space<vmem_shared>> -> memref<125x64xbf16, #tpu.memory_space<vmem_shared>>
      tpu.wait_dma2 semaphore(%run_scoped3A_115 : memref<!tpu.dma_semaphore, #tpu.memory_space<semaphore_mem>>) src(%arg7 : memref<125x64xbf16, #tpu.memory_space<vmem>>) dst(%dma_wait3A_122 : memref<125x64xbf16, #tpu.memory_space<vmem_shared>>)
      tpu.yield
    }) : () -> ()
    %add3A_12 = arith.constant 375 : i32
    %add3A_13 = arith.addi %mul3A_0, %add3A_12 : i32
    "tpu.region"() ({
      %run_scoped3A_115 = tpu.sem_alloc : memref<!tpu.dma_semaphore, #tpu.memory_space<semaphore_mem>>
      %dma_start3A_116 = arith.constant 0 : i32
      %dma_start3A_117 = tpu.memref_slice %arg23[%add3A_13, %dma_start3A_116] : memref<10240x64xbf16, #tpu.memory_space<vmem_shared>> -> memref<125x64xbf16, #tpu.memory_space<vmem_shared>>
      %dma_start3A_118 = arith.constant 0 : i32
      %dma_start3A_119 = tpu.memref_slice %arg23[%add3A_13, %dma_start3A_118] : memref<10240x64xbf16, #tpu.memory_space<vmem_shared>> -> memref<125x64xbf16, #tpu.memory_space<vmem_shared>>
      tpu.enqueue_dma source(%arg7 : memref<125x64xbf16, #tpu.memory_space<vmem>>) target(%dma_start3A_119 : memref<125x64xbf16, #tpu.memory_space<vmem_shared>>) target_semaphore(%run_scoped3A_115 : memref<!tpu.dma_semaphore, #tpu.memory_space<semaphore_mem>>)
      %dma_wait3A = arith.constant 0 : i32
      %dma_wait3A_120 = tpu.memref_slice %arg23[%add3A_13, %dma_wait3A] : memref<10240x64xbf16, #tpu.memory_space<vmem_shared>> -> memref<125x64xbf16, #tpu.memory_space<vmem_shared>>
      %dma_wait3A_121 = arith.constant 0 : i32
      %dma_wait3A_122 = tpu.memref_slice %arg23[%add3A_13, %dma_wait3A_121] : memref<10240x64xbf16, #tpu.memory_space<vmem_shared>> -> memref<125x64xbf16, #tpu.memory_space<vmem_shared>>
      tpu.wait_dma2 semaphore(%run_scoped3A_115 : memref<!tpu.dma_semaphore, #tpu.memory_space<semaphore_mem>>) src(%arg7 : memref<125x64xbf16, #tpu.memory_space<vmem>>) dst(%dma_wait3A_122 : memref<125x64xbf16, #tpu.memory_space<vmem_shared>>)
      tpu.yield
    }) : () -> ()
    %add3A_14 = arith.constant 500 : i32
    %add3A_15 = arith.addi %mul3A_0, %add3A_14 : i32
    "tpu.region"() ({
      %run_scoped3A_115 = tpu.sem_alloc : memref<!tpu.dma_semaphore, #tpu.memory_space<semaphore_mem>>
      %dma_start3A_116 = arith.constant 0 : i32
      %dma_start3A_117 = tpu.memref_slice %arg23[%add3A_15, %dma_start3A_116] : memref<10240x64xbf16, #tpu.memory_space<vmem_shared>> -> memref<125x64xbf16, #tpu.memory_space<vmem_shared>>
      %dma_start3A_118 = arith.constant 0 : i32
      %dma_start3A_119 = tpu.memref_slice %arg23[%add3A_15, %dma_start3A_118] : memref<10240x64xbf16, #tpu.memory_space<vmem_shared>> -> memref<125x64xbf16, #tpu.memory_space<vmem_shared>>
      tpu.enqueue_dma source(%arg7 : memref<125x64xbf16, #tpu.memory_space<vmem>>) target(%dma_start3A_119 : memref<125x64xbf16, #tpu.memory_space<vmem_shared>>) target_semaphore(%run_scoped3A_115 : memref<!tpu.dma_semaphore, #tpu.memory_space<semaphore_mem>>)
      %dma_wait3A = arith.constant 0 : i32
      %dma_wait3A_120 = tpu.memref_slice %arg23[%add3A_15, %dma_wait3A] : memref<10240x64xbf16, #tpu.memory_space<vmem_shared>> -> memref<125x64xbf16, #tpu.memory_space<vmem_shared>>
      %dma_wait3A_121 = arith.constant 0 : i32
      %dma_wait3A_122 = tpu.memref_slice %arg23[%add3A_15, %dma_wait3A_121] : memref<10240x64xbf16, #tpu.memory_space<vmem_shared>> -> memref<125x64xbf16, #tpu.memory_space<vmem_shared>>
      tpu.wait_dma2 semaphore(%run_scoped3A_115 : memref<!tpu.dma_semaphore, #tpu.memory_space<semaphore_mem>>) src(%arg7 : memref<125x64xbf16, #tpu.memory_space<vmem>>) dst(%dma_wait3A_122 : memref<125x64xbf16, #tpu.memory_space<vmem_shared>>)
      tpu.yield
    }) : () -> ()
    %add3A_16 = arith.constant 625 : i32
    %add3A_17 = arith.addi %mul3A_0, %add3A_16 : i32
    "tpu.region"() ({
      %run_scoped3A_115 = tpu.sem_alloc : memref<!tpu.dma_semaphore, #tpu.memory_space<semaphore_mem>>
      %dma_start3A_116 = arith.constant 0 : i32
      %dma_start3A_117 = arith.constant 0 : i32
      %dma_start3A_118 = tpu.memref_slice %arg7[%dma_start3A_116, %dma_start3A_117] : memref<125x64xbf16, #tpu.memory_space<vmem>> -> memref<15x64xbf16, #tpu.memory_space<vmem>>
      %dma_start3A_119 = arith.constant 0 : i32
      %dma_start3A_120 = tpu.memref_slice %arg23[%add3A_17, %dma_start3A_119] : memref<10240x64xbf16, #tpu.memory_space<vmem_shared>> -> memref<15x64xbf16, #tpu.memory_space<vmem_shared>>
      %dma_start3A_121 = arith.constant 0 : i32
      %dma_start3A_122 = tpu.memref_slice %arg23[%add3A_17, %dma_start3A_121] : memref<10240x64xbf16, #tpu.memory_space<vmem_shared>> -> memref<15x64xbf16, #tpu.memory_space<vmem_shared>>
      %dma_start3A_123 = arith.constant 0 : i32
      %dma_start3A_124 = arith.constant 0 : i32
      %dma_start3A_125 = tpu.memref_slice %arg7[%dma_start3A_123, %dma_start3A_124] : memref<125x64xbf16, #tpu.memory_space<vmem>> -> memref<15x64xbf16, #tpu.memory_space<vmem>>
      tpu.enqueue_dma source(%dma_start3A_125 : memref<15x64xbf16, #tpu.memory_space<vmem>>) target(%dma_start3A_122 : memref<15x64xbf16, #tpu.memory_space<vmem_shared>>) target_semaphore(%run_scoped3A_115 : memref<!tpu.dma_semaphore, #tpu.memory_space<semaphore_mem>>)
      %dma_wait3A = arith.constant 0 : i32
      %dma_wait3A_126 = arith.constant 0 : i32
      %dma_wait3A_127 = tpu.memref_slice %arg7[%dma_wait3A, %dma_wait3A_126] : memref<125x64xbf16, #tpu.memory_space<vmem>> -> memref<15x64xbf16, #tpu.memory_space<vmem>>
      %dma_wait3A_128 = arith.constant 0 : i32
      %dma_wait3A_129 = tpu.memref_slice %arg23[%add3A_17, %dma_wait3A_128] : memref<10240x64xbf16, #tpu.memory_space<vmem_shared>> -> memref<15x64xbf16, #tpu.memory_space<vmem_shared>>
      %dma_wait3A_130 = arith.constant 0 : i32
      %dma_wait3A_131 = tpu.memref_slice %arg23[%add3A_17, %dma_wait3A_130] : memref<10240x64xbf16, #tpu.memory_space<vmem_shared>> -> memref<15x64xbf16, #tpu.memory_space<vmem_shared>>
      %dma_wait3A_132 = arith.constant 0 : i32
      %dma_wait3A_133 = arith.constant 0 : i32
      %dma_wait3A_134 = tpu.memref_slice %arg7[%dma_wait3A_132, %dma_wait3A_133] : memref<125x64xbf16, #tpu.memory_space<vmem>> -> memref<15x64xbf16, #tpu.memory_space<vmem>>
      tpu.wait_dma2 semaphore(%run_scoped3A_115 : memref<!tpu.dma_semaphore, #tpu.memory_space<semaphore_mem>>) src(%dma_wait3A_134 : memref<15x64xbf16, #tpu.memory_space<vmem>>) dst(%dma_wait3A_131 : memref<15x64xbf16, #tpu.memory_space<vmem_shared>>)
      tpu.yield
    }) : () -> ()
    %run_scoped3A = arith.constant 0 : i32
    "tpu.region"() ({
      %run_scoped3A_115 = tpu.sem_alloc : memref<!tpu.dma_semaphore, #tpu.memory_space<semaphore_mem>>
      %dma_start3A_116 = arith.constant 0 : i32
      %dma_start3A_117 = arith.constant 0 : i32
      %dma_start3A_118 = tpu.memref_slice %arg3[%run_scoped3A, %arg1, %dma_start3A_116, %dma_start3A_117] : memref<2x16x160x125xi32, #tpu.memory_space<hbm>> -> memref<1x1x160x125xi32, #tpu.memory_space<hbm>>
      %dma_start3A_119 = tpu.memref_squeeze %dma_start3A_118 : memref<1x1x160x125xi32, #tpu.memory_space<hbm>> -> memref<160x125xi32, #tpu.memory_space<hbm>>
      %dma_start3A_120 = arith.constant 0 : i32
      %dma_start3A_121 = arith.constant 0 : i32
      %dma_start3A_122 = tpu.memref_slice %arg3[%run_scoped3A, %arg1, %dma_start3A_120, %dma_start3A_121] : memref<2x16x160x125xi32, #tpu.memory_space<hbm>> -> memref<1x1x160x125xi32, #tpu.memory_space<hbm>>
      %dma_start3A_123 = tpu.memref_squeeze %dma_start3A_122 : memref<1x1x160x125xi32, #tpu.memory_space<hbm>> -> memref<160x125xi32, #tpu.memory_space<hbm>>
      tpu.enqueue_dma source(%dma_start3A_123 : memref<160x125xi32, #tpu.memory_space<hbm>>) target(%arg5 : memref<160x125xi32, #tpu.memory_space<vmem>>) target_semaphore(%run_scoped3A_115 : memref<!tpu.dma_semaphore, #tpu.memory_space<semaphore_mem>>)
      %dma_wait3A = arith.constant 0 : i32
      %dma_wait3A_124 = arith.constant 0 : i32
      %dma_wait3A_125 = tpu.memref_slice %arg3[%run_scoped3A, %arg1, %dma_wait3A, %dma_wait3A_124] : memref<2x16x160x125xi32, #tpu.memory_space<hbm>> -> memref<1x1x160x125xi32, #tpu.memory_space<hbm>>
      %dma_wait3A_126 = tpu.memref_squeeze %dma_wait3A_125 : memref<1x1x160x125xi32, #tpu.memory_space<hbm>> -> memref<160x125xi32, #tpu.memory_space<hbm>>
      %dma_wait3A_127 = arith.constant 0 : i32
      %dma_wait3A_128 = arith.constant 0 : i32
      %dma_wait3A_129 = tpu.memref_slice %arg3[%run_scoped3A, %arg1, %dma_wait3A_127, %dma_wait3A_128] : memref<2x16x160x125xi32, #tpu.memory_space<hbm>> -> memref<1x1x160x125xi32, #tpu.memory_space<hbm>>
      %dma_wait3A_130 = tpu.memref_squeeze %dma_wait3A_129 : memref<1x1x160x125xi32, #tpu.memory_space<hbm>> -> memref<160x125xi32, #tpu.memory_space<hbm>>
      tpu.wait_dma2 semaphore(%run_scoped3A_115 : memref<!tpu.dma_semaphore, #tpu.memory_space<semaphore_mem>>) src(%dma_wait3A_130 : memref<160x125xi32, #tpu.memory_space<hbm>>) dst(%arg5 : memref<160x125xi32, #tpu.memory_space<vmem>>)
      tpu.yield
    }) : () -> ()
    %run_scoped3A_18 = arith.constant 1 : i32
    "tpu.region"() ({
      %run_scoped3A_115 = tpu.sem_alloc : memref<!tpu.dma_semaphore, #tpu.memory_space<semaphore_mem>>
      %dma_start3A_116 = arith.constant 0 : i32
      %dma_start3A_117 = arith.constant 0 : i32
      %dma_start3A_118 = tpu.memref_slice %arg3[%run_scoped3A_18, %arg1, %dma_start3A_116, %dma_start3A_117] : memref<2x16x160x125xi32, #tpu.memory_space<hbm>> -> memref<1x1x160x125xi32, #tpu.memory_space<hbm>>
      %dma_start3A_119 = tpu.memref_squeeze %dma_start3A_118 : memref<1x1x160x125xi32, #tpu.memory_space<hbm>> -> memref<160x125xi32, #tpu.memory_space<hbm>>
      %dma_start3A_120 = arith.constant 0 : i32
      %dma_start3A_121 = arith.constant 0 : i32
      %dma_start3A_122 = tpu.memref_slice %arg3[%run_scoped3A_18, %arg1, %dma_start3A_120, %dma_start3A_121] : memref<2x16x160x125xi32, #tpu.memory_space<hbm>> -> memref<1x1x160x125xi32, #tpu.memory_space<hbm>>
      %dma_start3A_123 = tpu.memref_squeeze %dma_start3A_122 : memref<1x1x160x125xi32, #tpu.memory_space<hbm>> -> memref<160x125xi32, #tpu.memory_space<hbm>>
      tpu.enqueue_dma source(%dma_start3A_123 : memref<160x125xi32, #tpu.memory_space<hbm>>) target(%arg6 : memref<160x125xi32, #tpu.memory_space<vmem>>) target_semaphore(%run_scoped3A_115 : memref<!tpu.dma_semaphore, #tpu.memory_space<semaphore_mem>>)
      %dma_wait3A = arith.constant 0 : i32
      %dma_wait3A_124 = arith.constant 0 : i32
      %dma_wait3A_125 = tpu.memref_slice %arg3[%run_scoped3A_18, %arg1, %dma_wait3A, %dma_wait3A_124] : memref<2x16x160x125xi32, #tpu.memory_space<hbm>> -> memref<1x1x160x125xi32, #tpu.memory_space<hbm>>
      %dma_wait3A_126 = tpu.memref_squeeze %dma_wait3A_125 : memref<1x1x160x125xi32, #tpu.memory_space<hbm>> -> memref<160x125xi32, #tpu.memory_space<hbm>>
      %dma_wait3A_127 = arith.constant 0 : i32
      %dma_wait3A_128 = arith.constant 0 : i32
      %dma_wait3A_129 = tpu.memref_slice %arg3[%run_scoped3A_18, %arg1, %dma_wait3A_127, %dma_wait3A_128] : memref<2x16x160x125xi32, #tpu.memory_space<hbm>> -> memref<1x1x160x125xi32, #tpu.memory_space<hbm>>
      %dma_wait3A_130 = tpu.memref_squeeze %dma_wait3A_129 : memref<1x1x160x125xi32, #tpu.memory_space<hbm>> -> memref<160x125xi32, #tpu.memory_space<hbm>>
      tpu.wait_dma2 semaphore(%run_scoped3A_115 : memref<!tpu.dma_semaphore, #tpu.memory_space<semaphore_mem>>) src(%dma_wait3A_130 : memref<160x125xi32, #tpu.memory_space<hbm>>) dst(%arg6 : memref<160x125xi32, #tpu.memory_space<vmem>>)
      tpu.yield
    }) : () -> ()
    %barrier3A = arith.constant 0 : index
    tpu.barrier barrier_id(%barrier3A)
    %dma_start3A = arith.constant 0 : i32
    %dma_start3A_19 = arith.constant 0 : i32
    %dma_start3A_20 = tpu.memref_slice %arg5[%dma_start3A, %dma_start3A_19] : memref<160x125xi32, #tpu.memory_space<vmem>> -> memref<1x125xi32, #tpu.memory_space<vmem>>
    %dma_start3A_21 = tpu.memref_squeeze %dma_start3A_20 : memref<1x125xi32, #tpu.memory_space<vmem>> -> memref<125xi32, #tpu.memory_space<vmem>>
    %dma_start3A_22 = arith.constant 0 : i32
    %dma_start3A_23 = arith.constant 0 : i32
    %dma_start3A_24 = tpu.memref_slice %arg2[%arg0, %dma_start3A_22, %dma_start3A_23] : memref<2x10240x64xbf16, #tpu.memory_space<hbm>> -> memref<1x10240x64xbf16, #tpu.memory_space<hbm>>
    %dma_start3A_25 = tpu.memref_squeeze %dma_start3A_24 : memref<1x10240x64xbf16, #tpu.memory_space<hbm>> -> memref<10240x64xbf16, #tpu.memory_space<hbm>>
    %dma_start3A_26 = arith.constant 0 : i32
    %dma_start3A_27 = arith.constant 0 : i32
    %dma_start3A_28 = tpu.memref_slice %dma_start3A_25[%dma_start3A_26, %dma_start3A_27] : memref<10240x64xbf16, #tpu.memory_space<hbm>> -> memref<10240x64xbf16, #tpu.memory_space<hbm>>
    tpu.enqueue_indirect_dma source(%dma_start3A_28 : memref<10240x64xbf16, #tpu.memory_space<hbm>>) target(%arg7 : memref<125x64xbf16, #tpu.memory_space<vmem>>) offsets(%dma_start3A_21 : memref<125xi32, #tpu.memory_space<vmem>>) semaphore(%arg15 : memref<!tpu.dma_semaphore, #tpu.memory_space<semaphore_mem>>)
    %dma_start3A_29 = arith.constant 1 : i32
    %dma_start3A_30 = arith.constant 0 : i32
    %dma_start3A_31 = tpu.memref_slice %arg5[%dma_start3A_29, %dma_start3A_30] : memref<160x125xi32, #tpu.memory_space<vmem>> -> memref<1x125xi32, #tpu.memory_space<vmem>>
    %dma_start3A_32 = tpu.memref_squeeze %dma_start3A_31 : memref<1x125xi32, #tpu.memory_space<vmem>> -> memref<125xi32, #tpu.memory_space<vmem>>
    %dma_start3A_33 = arith.constant 0 : i32
    %dma_start3A_34 = arith.constant 0 : i32
    %dma_start3A_35 = tpu.memref_slice %arg2[%arg0, %dma_start3A_33, %dma_start3A_34] : memref<2x10240x64xbf16, #tpu.memory_space<hbm>> -> memref<1x10240x64xbf16, #tpu.memory_space<hbm>>
    %dma_start3A_36 = tpu.memref_squeeze %dma_start3A_35 : memref<1x10240x64xbf16, #tpu.memory_space<hbm>> -> memref<10240x64xbf16, #tpu.memory_space<hbm>>
    %dma_start3A_37 = arith.constant 0 : i32
    %dma_start3A_38 = arith.constant 0 : i32
    %dma_start3A_39 = tpu.memref_slice %dma_start3A_36[%dma_start3A_37, %dma_start3A_38] : memref<10240x64xbf16, #tpu.memory_space<hbm>> -> memref<10240x64xbf16, #tpu.memory_space<hbm>>
    tpu.enqueue_indirect_dma source(%dma_start3A_39 : memref<10240x64xbf16, #tpu.memory_space<hbm>>) target(%arg8 : memref<125x64xbf16, #tpu.memory_space<vmem>>) offsets(%dma_start3A_32 : memref<125xi32, #tpu.memory_space<vmem>>) semaphore(%arg16 : memref<!tpu.dma_semaphore, #tpu.memory_space<semaphore_mem>>)
    %dma_start3A_40 = arith.constant 2 : i32
    %dma_start3A_41 = arith.constant 0 : i32
    %dma_start3A_42 = tpu.memref_slice %arg5[%dma_start3A_40, %dma_start3A_41] : memref<160x125xi32, #tpu.memory_space<vmem>> -> memref<1x125xi32, #tpu.memory_space<vmem>>
    %dma_start3A_43 = tpu.memref_squeeze %dma_start3A_42 : memref<1x125xi32, #tpu.memory_space<vmem>> -> memref<125xi32, #tpu.memory_space<vmem>>
    %dma_start3A_44 = arith.constant 0 : i32
    %dma_start3A_45 = arith.constant 0 : i32
    %dma_start3A_46 = tpu.memref_slice %arg2[%arg0, %dma_start3A_44, %dma_start3A_45] : memref<2x10240x64xbf16, #tpu.memory_space<hbm>> -> memref<1x10240x64xbf16, #tpu.memory_space<hbm>>
    %dma_start3A_47 = tpu.memref_squeeze %dma_start3A_46 : memref<1x10240x64xbf16, #tpu.memory_space<hbm>> -> memref<10240x64xbf16, #tpu.memory_space<hbm>>
    %dma_start3A_48 = arith.constant 0 : i32
    %dma_start3A_49 = arith.constant 0 : i32
    %dma_start3A_50 = tpu.memref_slice %dma_start3A_47[%dma_start3A_48, %dma_start3A_49] : memref<10240x64xbf16, #tpu.memory_space<hbm>> -> memref<10240x64xbf16, #tpu.memory_space<hbm>>
    tpu.enqueue_indirect_dma source(%dma_start3A_50 : memref<10240x64xbf16, #tpu.memory_space<hbm>>) target(%arg9 : memref<125x64xbf16, #tpu.memory_space<vmem>>) offsets(%dma_start3A_43 : memref<125xi32, #tpu.memory_space<vmem>>) semaphore(%arg17 : memref<!tpu.dma_semaphore, #tpu.memory_space<semaphore_mem>>)
    %dma_start3A_51 = arith.constant 3 : i32
    %dma_start3A_52 = arith.constant 0 : i32
    %dma_start3A_53 = tpu.memref_slice %arg5[%dma_start3A_51, %dma_start3A_52] : memref<160x125xi32, #tpu.memory_space<vmem>> -> memref<1x125xi32, #tpu.memory_space<vmem>>
    %dma_start3A_54 = tpu.memref_squeeze %dma_start3A_53 : memref<1x125xi32, #tpu.memory_space<vmem>> -> memref<125xi32, #tpu.memory_space<vmem>>
    %dma_start3A_55 = arith.constant 0 : i32
    %dma_start3A_56 = arith.constant 0 : i32
    %dma_start3A_57 = tpu.memref_slice %arg2[%arg0, %dma_start3A_55, %dma_start3A_56] : memref<2x10240x64xbf16, #tpu.memory_space<hbm>> -> memref<1x10240x64xbf16, #tpu.memory_space<hbm>>
    %dma_start3A_58 = tpu.memref_squeeze %dma_start3A_57 : memref<1x10240x64xbf16, #tpu.memory_space<hbm>> -> memref<10240x64xbf16, #tpu.memory_space<hbm>>
    %dma_start3A_59 = arith.constant 0 : i32
    %dma_start3A_60 = arith.constant 0 : i32
    %dma_start3A_61 = tpu.memref_slice %dma_start3A_58[%dma_start3A_59, %dma_start3A_60] : memref<10240x64xbf16, #tpu.memory_space<hbm>> -> memref<10240x64xbf16, #tpu.memory_space<hbm>>
    tpu.enqueue_indirect_dma source(%dma_start3A_61 : memref<10240x64xbf16, #tpu.memory_space<hbm>>) target(%arg10 : memref<125x64xbf16, #tpu.memory_space<vmem>>) offsets(%dma_start3A_54 : memref<125xi32, #tpu.memory_space<vmem>>) semaphore(%arg18 : memref<!tpu.dma_semaphore, #tpu.memory_space<semaphore_mem>>)
    %dma_start3A_62 = arith.constant 4 : i32
    %dma_start3A_63 = arith.constant 0 : i32
    %dma_start3A_64 = tpu.memref_slice %arg5[%dma_start3A_62, %dma_start3A_63] : memref<160x125xi32, #tpu.memory_space<vmem>> -> memref<1x125xi32, #tpu.memory_space<vmem>>
    %dma_start3A_65 = tpu.memref_squeeze %dma_start3A_64 : memref<1x125xi32, #tpu.memory_space<vmem>> -> memref<125xi32, #tpu.memory_space<vmem>>
    %dma_start3A_66 = arith.constant 0 : i32
    %dma_start3A_67 = arith.constant 0 : i32
    %dma_start3A_68 = tpu.memref_slice %arg2[%arg0, %dma_start3A_66, %dma_start3A_67] : memref<2x10240x64xbf16, #tpu.memory_space<hbm>> -> memref<1x10240x64xbf16, #tpu.memory_space<hbm>>
    %dma_start3A_69 = tpu.memref_squeeze %dma_start3A_68 : memref<1x10240x64xbf16, #tpu.memory_space<hbm>> -> memref<10240x64xbf16, #tpu.memory_space<hbm>>
    %dma_start3A_70 = arith.constant 0 : i32
    %dma_start3A_71 = arith.constant 0 : i32
    %dma_start3A_72 = tpu.memref_slice %dma_start3A_69[%dma_start3A_70, %dma_start3A_71] : memref<10240x64xbf16, #tpu.memory_space<hbm>> -> memref<10240x64xbf16, #tpu.memory_space<hbm>>
    tpu.enqueue_indirect_dma source(%dma_start3A_72 : memref<10240x64xbf16, #tpu.memory_space<hbm>>) target(%arg11 : memref<125x64xbf16, #tpu.memory_space<vmem>>) offsets(%dma_start3A_65 : memref<125xi32, #tpu.memory_space<vmem>>) semaphore(%arg19 : memref<!tpu.dma_semaphore, #tpu.memory_space<semaphore_mem>>)
    %dma_start3A_73 = arith.constant 5 : i32
    %dma_start3A_74 = arith.constant 0 : i32
    %dma_start3A_75 = tpu.memref_slice %arg5[%dma_start3A_73, %dma_start3A_74] : memref<160x125xi32, #tpu.memory_space<vmem>> -> memref<1x125xi32, #tpu.memory_space<vmem>>
    %dma_start3A_76 = tpu.memref_squeeze %dma_start3A_75 : memref<1x125xi32, #tpu.memory_space<vmem>> -> memref<125xi32, #tpu.memory_space<vmem>>
    %dma_start3A_77 = arith.constant 0 : i32
    %dma_start3A_78 = arith.constant 0 : i32
    %dma_start3A_79 = tpu.memref_slice %arg2[%arg0, %dma_start3A_77, %dma_start3A_78] : memref<2x10240x64xbf16, #tpu.memory_space<hbm>> -> memref<1x10240x64xbf16, #tpu.memory_space<hbm>>
    %dma_start3A_80 = tpu.memref_squeeze %dma_start3A_79 : memref<1x10240x64xbf16, #tpu.memory_space<hbm>> -> memref<10240x64xbf16, #tpu.memory_space<hbm>>
    %dma_start3A_81 = arith.constant 0 : i32
    %dma_start3A_82 = arith.constant 0 : i32
    %dma_start3A_83 = tpu.memref_slice %dma_start3A_80[%dma_start3A_81, %dma_start3A_82] : memref<10240x64xbf16, #tpu.memory_space<hbm>> -> memref<10240x64xbf16, #tpu.memory_space<hbm>>
    tpu.enqueue_indirect_dma source(%dma_start3A_83 : memref<10240x64xbf16, #tpu.memory_space<hbm>>) target(%arg12 : memref<125x64xbf16, #tpu.memory_space<vmem>>) offsets(%dma_start3A_76 : memref<125xi32, #tpu.memory_space<vmem>>) semaphore(%arg20 : memref<!tpu.dma_semaphore, #tpu.memory_space<semaphore_mem>>)
    %dma_start3A_84 = arith.constant 6 : i32
    %dma_start3A_85 = arith.constant 0 : i32
    %dma_start3A_86 = tpu.memref_slice %arg5[%dma_start3A_84, %dma_start3A_85] : memref<160x125xi32, #tpu.memory_space<vmem>> -> memref<1x125xi32, #tpu.memory_space<vmem>>
    %dma_start3A_87 = tpu.memref_squeeze %dma_start3A_86 : memref<1x125xi32, #tpu.memory_space<vmem>> -> memref<125xi32, #tpu.memory_space<vmem>>
    %dma_start3A_88 = arith.constant 0 : i32
    %dma_start3A_89 = arith.constant 0 : i32
    %dma_start3A_90 = tpu.memref_slice %arg2[%arg0, %dma_start3A_88, %dma_start3A_89] : memref<2x10240x64xbf16, #tpu.memory_space<hbm>> -> memref<1x10240x64xbf16, #tpu.memory_space<hbm>>
    %dma_start3A_91 = tpu.memref_squeeze %dma_start3A_90 : memref<1x10240x64xbf16, #tpu.memory_space<hbm>> -> memref<10240x64xbf16, #tpu.memory_space<hbm>>
    %dma_start3A_92 = arith.constant 0 : i32
    %dma_start3A_93 = arith.constant 0 : i32
    %dma_start3A_94 = tpu.memref_slice %dma_start3A_91[%dma_start3A_92, %dma_start3A_93] : memref<10240x64xbf16, #tpu.memory_space<hbm>> -> memref<10240x64xbf16, #tpu.memory_space<hbm>>
    tpu.enqueue_indirect_dma source(%dma_start3A_94 : memref<10240x64xbf16, #tpu.memory_space<hbm>>) target(%arg13 : memref<125x64xbf16, #tpu.memory_space<vmem>>) offsets(%dma_start3A_87 : memref<125xi32, #tpu.memory_space<vmem>>) semaphore(%arg21 : memref<!tpu.dma_semaphore, #tpu.memory_space<semaphore_mem>>)
    %dma_start3A_95 = arith.constant 7 : i32
    %dma_start3A_96 = arith.constant 0 : i32
    %dma_start3A_97 = tpu.memref_slice %arg5[%dma_start3A_95, %dma_start3A_96] : memref<160x125xi32, #tpu.memory_space<vmem>> -> memref<1x125xi32, #tpu.memory_space<vmem>>
    %dma_start3A_98 = tpu.memref_squeeze %dma_start3A_97 : memref<1x125xi32, #tpu.memory_space<vmem>> -> memref<125xi32, #tpu.memory_space<vmem>>
    %dma_start3A_99 = arith.constant 0 : i32
    %dma_start3A_100 = arith.constant 0 : i32
    %dma_start3A_101 = tpu.memref_slice %arg2[%arg0, %dma_start3A_99, %dma_start3A_100] : memref<2x10240x64xbf16, #tpu.memory_space<hbm>> -> memref<1x10240x64xbf16, #tpu.memory_space<hbm>>
    %dma_start3A_102 = tpu.memref_squeeze %dma_start3A_101 : memref<1x10240x64xbf16, #tpu.memory_space<hbm>> -> memref<10240x64xbf16, #tpu.memory_space<hbm>>
    %dma_start3A_103 = arith.constant 0 : i32
    %dma_start3A_104 = arith.constant 0 : i32
    %dma_start3A_105 = tpu.memref_slice %dma_start3A_102[%dma_start3A_103, %dma_start3A_104] : memref<10240x64xbf16, #tpu.memory_space<hbm>> -> memref<10240x64xbf16, #tpu.memory_space<hbm>>
    tpu.enqueue_indirect_dma source(%dma_start3A_105 : memref<10240x64xbf16, #tpu.memory_space<hbm>>) target(%arg14 : memref<125x64xbf16, #tpu.memory_space<vmem>>) offsets(%dma_start3A_98 : memref<125xi32, #tpu.memory_space<vmem>>) semaphore(%arg22 : memref<!tpu.dma_semaphore, #tpu.memory_space<semaphore_mem>>)
    %scan3A_106 = arith.constant 0 : i32
    %scan3A_107 = arith.constant 0 : i32
    %scan3A_108 = arith.constant 20 : i32
    %scan3A_109 = arith.addi %scan3A_107, %scan3A_108 : i32
    %scan3A_110 = arith.constant 1 : i32
    scf.for %scan3A_115 = %scan3A_107 to %scan3A_109 step %scan3A_110  : i32 {
      %mul3A_116 = arith.constant 8 : i32
      %mul3A_117 = arith.muli %scan3A_115, %mul3A_116 : i32
      %add3A_118 = arith.constant 0 : i32
      %add3A_119 = arith.addi %mul3A_117, %add3A_118 : i32
      %dma_wait3A = arith.constant 0 : i32
      %dma_wait3A_120 = tpu.memref_slice %arg5[%add3A_119, %dma_wait3A] : memref<160x125xi32, #tpu.memory_space<vmem>> -> memref<1x125xi32, #tpu.memory_space<vmem>>
      %dma_wait3A_121 = tpu.memref_squeeze %dma_wait3A_120 : memref<1x125xi32, #tpu.memory_space<vmem>> -> memref<125xi32, #tpu.memory_space<vmem>>
      %dma_wait3A_122 = arith.constant 0 : i32
      %dma_wait3A_123 = arith.constant 0 : i32
      %dma_wait3A_124 = tpu.memref_slice %arg2[%arg0, %dma_wait3A_122, %dma_wait3A_123] : memref<2x10240x64xbf16, #tpu.memory_space<hbm>> -> memref<1x10240x64xbf16, #tpu.memory_space<hbm>>
      %dma_wait3A_125 = tpu.memref_squeeze %dma_wait3A_124 : memref<1x10240x64xbf16, #tpu.memory_space<hbm>> -> memref<10240x64xbf16, #tpu.memory_space<hbm>>
      %dma_wait3A_126 = arith.constant 0 : i32
      %dma_wait3A_127 = arith.constant 0 : i32
      %dma_wait3A_128 = tpu.memref_slice %dma_wait3A_125[%dma_wait3A_126, %dma_wait3A_127] : memref<10240x64xbf16, #tpu.memory_space<hbm>> -> memref<10240x64xbf16, #tpu.memory_space<hbm>>
      tpu.wait_indirect_dma semaphore(%arg15 : memref<!tpu.dma_semaphore, #tpu.memory_space<semaphore_mem>>) src(%dma_wait3A_128 : memref<10240x64xbf16, #tpu.memory_space<hbm>>) dst(%arg7 : memref<125x64xbf16, #tpu.memory_space<vmem>>)
      "tpu.region"() ({
        %run_scoped3A_280 = tpu.sem_alloc : memref<!tpu.dma_semaphore, #tpu.memory_space<semaphore_mem>>
        %dma_start3A_281 = arith.constant 0 : i32
        %dma_start3A_282 = tpu.memref_slice %arg6[%add3A_119, %dma_start3A_281] : memref<160x125xi32, #tpu.memory_space<vmem>> -> memref<1x125xi32, #tpu.memory_space<vmem>>
        %dma_start3A_283 = tpu.memref_squeeze %dma_start3A_282 : memref<1x125xi32, #tpu.memory_space<vmem>> -> memref<125xi32, #tpu.memory_space<vmem>>
        %dma_start3A_284 = arith.constant 0 : i32
        %dma_start3A_285 = arith.constant 0 : i32
        %dma_start3A_286 = tpu.memref_slice %arg23[%dma_start3A_284, %dma_start3A_285] : memref<10240x64xbf16, #tpu.memory_space<vmem_shared>> -> memref<10240x64xbf16, #tpu.memory_space<vmem_shared>>
        tpu.enqueue_indirect_dma source(%arg7 : memref<125x64xbf16, #tpu.memory_space<vmem>>) target(%dma_start3A_286 : memref<10240x64xbf16, #tpu.memory_space<vmem_shared>>) offsets(%dma_start3A_283 : memref<125xi32, #tpu.memory_space<vmem>>) semaphore(%run_scoped3A_280 : memref<!tpu.dma_semaphore, #tpu.memory_space<semaphore_mem>>) {add = true}
        %dma_wait3A_287 = arith.constant 0 : i32
        %dma_wait3A_288 = tpu.memref_slice %arg6[%add3A_119, %dma_wait3A_287] : memref<160x125xi32, #tpu.memory_space<vmem>> -> memref<1x125xi32, #tpu.memory_space<vmem>>
        %dma_wait3A_289 = tpu.memref_squeeze %dma_wait3A_288 : memref<1x125xi32, #tpu.memory_space<vmem>> -> memref<125xi32, #tpu.memory_space<vmem>>
        %dma_wait3A_290 = arith.constant 0 : i32
        %dma_wait3A_291 = arith.constant 0 : i32
        %dma_wait3A_292 = tpu.memref_slice %arg23[%dma_wait3A_290, %dma_wait3A_291] : memref<10240x64xbf16, #tpu.memory_space<vmem_shared>> -> memref<10240x64xbf16, #tpu.memory_space<vmem_shared>>
        tpu.wait_indirect_dma semaphore(%run_scoped3A_280 : memref<!tpu.dma_semaphore, #tpu.memory_space<semaphore_mem>>) src(%arg7 : memref<125x64xbf16, #tpu.memory_space<vmem>>) dst(%dma_wait3A_292 : memref<10240x64xbf16, #tpu.memory_space<vmem_shared>>)
        tpu.yield
      }) : () -> ()
      %add3A_129 = arith.constant 8 : i32
      %add3A_130 = arith.addi %add3A_119, %add3A_129 : i32
      %lt3A = arith.constant 160 : i32
      %lt3A_131 = arith.cmpi slt, %add3A_130, %lt3A : i32
      %convert_element_type3A = arith.extui %lt3A_131 : i1 to i32
      %cond3A = arith.constant 0 : i32
      %cond3A_132 = arith.cmpi ne, %convert_element_type3A, %cond3A : i32
      scf.if %cond3A_132 {
        %add3A_280 = arith.constant 8 : i32
        %add3A_281 = arith.addi %add3A_119, %add3A_280 : i32
        %dma_start3A_282 = arith.constant 0 : i32
        %dma_start3A_283 = tpu.memref_slice %arg5[%add3A_281, %dma_start3A_282] : memref<160x125xi32, #tpu.memory_space<vmem>> -> memref<1x125xi32, #tpu.memory_space<vmem>>
        %dma_start3A_284 = tpu.memref_squeeze %dma_start3A_283 : memref<1x125xi32, #tpu.memory_space<vmem>> -> memref<125xi32, #tpu.memory_space<vmem>>
        %dma_start3A_285 = arith.constant 0 : i32
        %dma_start3A_286 = arith.constant 0 : i32
        %dma_start3A_287 = tpu.memref_slice %arg2[%arg0, %dma_start3A_285, %dma_start3A_286] : memref<2x10240x64xbf16, #tpu.memory_space<hbm>> -> memref<1x10240x64xbf16, #tpu.memory_space<hbm>>
        %dma_start3A_288 = tpu.memref_squeeze %dma_start3A_287 : memref<1x10240x64xbf16, #tpu.memory_space<hbm>> -> memref<10240x64xbf16, #tpu.memory_space<hbm>>
        %dma_start3A_289 = arith.constant 0 : i32
        %dma_start3A_290 = arith.constant 0 : i32
        %dma_start3A_291 = tpu.memref_slice %dma_start3A_288[%dma_start3A_289, %dma_start3A_290] : memref<10240x64xbf16, #tpu.memory_space<hbm>> -> memref<10240x64xbf16, #tpu.memory_space<hbm>>
        tpu.enqueue_indirect_dma source(%dma_start3A_291 : memref<10240x64xbf16, #tpu.memory_space<hbm>>) target(%arg7 : memref<125x64xbf16, #tpu.memory_space<vmem>>) offsets(%dma_start3A_284 : memref<125xi32, #tpu.memory_space<vmem>>) semaphore(%arg15 : memref<!tpu.dma_semaphore, #tpu.memory_space<semaphore_mem>>)
      } else {
      }
      %mul3A_133 = arith.constant 8 : i32
      %mul3A_134 = arith.muli %scan3A_115, %mul3A_133 : i32
      %add3A_135 = arith.constant 1 : i32
      %add3A_136 = arith.addi %mul3A_134, %add3A_135 : i32
      %dma_wait3A_137 = arith.constant 0 : i32
      %dma_wait3A_138 = tpu.memref_slice %arg5[%add3A_136, %dma_wait3A_137] : memref<160x125xi32, #tpu.memory_space<vmem>> -> memref<1x125xi32, #tpu.memory_space<vmem>>
      %dma_wait3A_139 = tpu.memref_squeeze %dma_wait3A_138 : memref<1x125xi32, #tpu.memory_space<vmem>> -> memref<125xi32, #tpu.memory_space<vmem>>
      %dma_wait3A_140 = arith.constant 0 : i32
      %dma_wait3A_141 = arith.constant 0 : i32
      %dma_wait3A_142 = tpu.memref_slice %arg2[%arg0, %dma_wait3A_140, %dma_wait3A_141] : memref<2x10240x64xbf16, #tpu.memory_space<hbm>> -> memref<1x10240x64xbf16, #tpu.memory_space<hbm>>
      %dma_wait3A_143 = tpu.memref_squeeze %dma_wait3A_142 : memref<1x10240x64xbf16, #tpu.memory_space<hbm>> -> memref<10240x64xbf16, #tpu.memory_space<hbm>>
      %dma_wait3A_144 = arith.constant 0 : i32
      %dma_wait3A_145 = arith.constant 0 : i32
      %dma_wait3A_146 = tpu.memref_slice %dma_wait3A_143[%dma_wait3A_144, %dma_wait3A_145] : memref<10240x64xbf16, #tpu.memory_space<hbm>> -> memref<10240x64xbf16, #tpu.memory_space<hbm>>
      tpu.wait_indirect_dma semaphore(%arg16 : memref<!tpu.dma_semaphore, #tpu.memory_space<semaphore_mem>>) src(%dma_wait3A_146 : memref<10240x64xbf16, #tpu.memory_space<hbm>>) dst(%arg8 : memref<125x64xbf16, #tpu.memory_space<vmem>>)
      "tpu.region"() ({
        %run_scoped3A_280 = tpu.sem_alloc : memref<!tpu.dma_semaphore, #tpu.memory_space<semaphore_mem>>
        %dma_start3A_281 = arith.constant 0 : i32
        %dma_start3A_282 = tpu.memref_slice %arg6[%add3A_136, %dma_start3A_281] : memref<160x125xi32, #tpu.memory_space<vmem>> -> memref<1x125xi32, #tpu.memory_space<vmem>>
        %dma_start3A_283 = tpu.memref_squeeze %dma_start3A_282 : memref<1x125xi32, #tpu.memory_space<vmem>> -> memref<125xi32, #tpu.memory_space<vmem>>
        %dma_start3A_284 = arith.constant 0 : i32
        %dma_start3A_285 = arith.constant 0 : i32
        %dma_start3A_286 = tpu.memref_slice %arg23[%dma_start3A_284, %dma_start3A_285] : memref<10240x64xbf16, #tpu.memory_space<vmem_shared>> -> memref<10240x64xbf16, #tpu.memory_space<vmem_shared>>
        tpu.enqueue_indirect_dma source(%arg8 : memref<125x64xbf16, #tpu.memory_space<vmem>>) target(%dma_start3A_286 : memref<10240x64xbf16, #tpu.memory_space<vmem_shared>>) offsets(%dma_start3A_283 : memref<125xi32, #tpu.memory_space<vmem>>) semaphore(%run_scoped3A_280 : memref<!tpu.dma_semaphore, #tpu.memory_space<semaphore_mem>>) {add = true}
        %dma_wait3A_287 = arith.constant 0 : i32
        %dma_wait3A_288 = tpu.memref_slice %arg6[%add3A_136, %dma_wait3A_287] : memref<160x125xi32, #tpu.memory_space<vmem>> -> memref<1x125xi32, #tpu.memory_space<vmem>>
        %dma_wait3A_289 = tpu.memref_squeeze %dma_wait3A_288 : memref<1x125xi32, #tpu.memory_space<vmem>> -> memref<125xi32, #tpu.memory_space<vmem>>
        %dma_wait3A_290 = arith.constant 0 : i32
        %dma_wait3A_291 = arith.constant 0 : i32
        %dma_wait3A_292 = tpu.memref_slice %arg23[%dma_wait3A_290, %dma_wait3A_291] : memref<10240x64xbf16, #tpu.memory_space<vmem_shared>> -> memref<10240x64xbf16, #tpu.memory_space<vmem_shared>>
        tpu.wait_indirect_dma semaphore(%run_scoped3A_280 : memref<!tpu.dma_semaphore, #tpu.memory_space<semaphore_mem>>) src(%arg8 : memref<125x64xbf16, #tpu.memory_space<vmem>>) dst(%dma_wait3A_292 : memref<10240x64xbf16, #tpu.memory_space<vmem_shared>>)
        tpu.yield
      }) : () -> ()
      %add3A_147 = arith.constant 8 : i32
      %add3A_148 = arith.addi %add3A_136, %add3A_147 : i32
      %lt3A_149 = arith.constant 160 : i32
      %lt3A_150 = arith.cmpi slt, %add3A_148, %lt3A_149 : i32
      %convert_element_type3A_151 = arith.extui %lt3A_150 : i1 to i32
      %cond3A_152 = arith.constant 0 : i32
      %cond3A_153 = arith.cmpi ne, %convert_element_type3A_151, %cond3A_152 : i32
      scf.if %cond3A_153 {
        %add3A_280 = arith.constant 8 : i32
        %add3A_281 = arith.addi %add3A_136, %add3A_280 : i32
        %dma_start3A_282 = arith.constant 0 : i32
        %dma_start3A_283 = tpu.memref_slice %arg5[%add3A_281, %dma_start3A_282] : memref<160x125xi32, #tpu.memory_space<vmem>> -> memref<1x125xi32, #tpu.memory_space<vmem>>
        %dma_start3A_284 = tpu.memref_squeeze %dma_start3A_283 : memref<1x125xi32, #tpu.memory_space<vmem>> -> memref<125xi32, #tpu.memory_space<vmem>>
        %dma_start3A_285 = arith.constant 0 : i32
        %dma_start3A_286 = arith.constant 0 : i32
        %dma_start3A_287 = tpu.memref_slice %arg2[%arg0, %dma_start3A_285, %dma_start3A_286] : memref<2x10240x64xbf16, #tpu.memory_space<hbm>> -> memref<1x10240x64xbf16, #tpu.memory_space<hbm>>
        %dma_start3A_288 = tpu.memref_squeeze %dma_start3A_287 : memref<1x10240x64xbf16, #tpu.memory_space<hbm>> -> memref<10240x64xbf16, #tpu.memory_space<hbm>>
        %dma_start3A_289 = arith.constant 0 : i32
        %dma_start3A_290 = arith.constant 0 : i32
        %dma_start3A_291 = tpu.memref_slice %dma_start3A_288[%dma_start3A_289, %dma_start3A_290] : memref<10240x64xbf16, #tpu.memory_space<hbm>> -> memref<10240x64xbf16, #tpu.memory_space<hbm>>
        tpu.enqueue_indirect_dma source(%dma_start3A_291 : memref<10240x64xbf16, #tpu.memory_space<hbm>>) target(%arg8 : memref<125x64xbf16, #tpu.memory_space<vmem>>) offsets(%dma_start3A_284 : memref<125xi32, #tpu.memory_space<vmem>>) semaphore(%arg16 : memref<!tpu.dma_semaphore, #tpu.memory_space<semaphore_mem>>)
      } else {
      }
      %mul3A_154 = arith.constant 8 : i32
      %mul3A_155 = arith.muli %scan3A_115, %mul3A_154 : i32
      %add3A_156 = arith.constant 2 : i32
      %add3A_157 = arith.addi %mul3A_155, %add3A_156 : i32
      %dma_wait3A_158 = arith.constant 0 : i32
      %dma_wait3A_159 = tpu.memref_slice %arg5[%add3A_157, %dma_wait3A_158] : memref<160x125xi32, #tpu.memory_space<vmem>> -> memref<1x125xi32, #tpu.memory_space<vmem>>
      %dma_wait3A_160 = tpu.memref_squeeze %dma_wait3A_159 : memref<1x125xi32, #tpu.memory_space<vmem>> -> memref<125xi32, #tpu.memory_space<vmem>>
      %dma_wait3A_161 = arith.constant 0 : i32
      %dma_wait3A_162 = arith.constant 0 : i32
      %dma_wait3A_163 = tpu.memref_slice %arg2[%arg0, %dma_wait3A_161, %dma_wait3A_162] : memref<2x10240x64xbf16, #tpu.memory_space<hbm>> -> memref<1x10240x64xbf16, #tpu.memory_space<hbm>>
      %dma_wait3A_164 = tpu.memref_squeeze %dma_wait3A_163 : memref<1x10240x64xbf16, #tpu.memory_space<hbm>> -> memref<10240x64xbf16, #tpu.memory_space<hbm>>
      %dma_wait3A_165 = arith.constant 0 : i32
      %dma_wait3A_166 = arith.constant 0 : i32
      %dma_wait3A_167 = tpu.memref_slice %dma_wait3A_164[%dma_wait3A_165, %dma_wait3A_166] : memref<10240x64xbf16, #tpu.memory_space<hbm>> -> memref<10240x64xbf16, #tpu.memory_space<hbm>>
      tpu.wait_indirect_dma semaphore(%arg17 : memref<!tpu.dma_semaphore, #tpu.memory_space<semaphore_mem>>) src(%dma_wait3A_167 : memref<10240x64xbf16, #tpu.memory_space<hbm>>) dst(%arg9 : memref<125x64xbf16, #tpu.memory_space<vmem>>)
      "tpu.region"() ({
        %run_scoped3A_280 = tpu.sem_alloc : memref<!tpu.dma_semaphore, #tpu.memory_space<semaphore_mem>>
        %dma_start3A_281 = arith.constant 0 : i32
        %dma_start3A_282 = tpu.memref_slice %arg6[%add3A_157, %dma_start3A_281] : memref<160x125xi32, #tpu.memory_space<vmem>> -> memref<1x125xi32, #tpu.memory_space<vmem>>
        %dma_start3A_283 = tpu.memref_squeeze %dma_start3A_282 : memref<1x125xi32, #tpu.memory_space<vmem>> -> memref<125xi32, #tpu.memory_space<vmem>>
        %dma_start3A_284 = arith.constant 0 : i32
        %dma_start3A_285 = arith.constant 0 : i32
        %dma_start3A_286 = tpu.memref_slice %arg23[%dma_start3A_284, %dma_start3A_285] : memref<10240x64xbf16, #tpu.memory_space<vmem_shared>> -> memref<10240x64xbf16, #tpu.memory_space<vmem_shared>>
        tpu.enqueue_indirect_dma source(%arg9 : memref<125x64xbf16, #tpu.memory_space<vmem>>) target(%dma_start3A_286 : memref<10240x64xbf16, #tpu.memory_space<vmem_shared>>) offsets(%dma_start3A_283 : memref<125xi32, #tpu.memory_space<vmem>>) semaphore(%run_scoped3A_280 : memref<!tpu.dma_semaphore, #tpu.memory_space<semaphore_mem>>) {add = true}
        %dma_wait3A_287 = arith.constant 0 : i32
        %dma_wait3A_288 = tpu.memref_slice %arg6[%add3A_157, %dma_wait3A_287] : memref<160x125xi32, #tpu.memory_space<vmem>> -> memref<1x125xi32, #tpu.memory_space<vmem>>
        %dma_wait3A_289 = tpu.memref_squeeze %dma_wait3A_288 : memref<1x125xi32, #tpu.memory_space<vmem>> -> memref<125xi32, #tpu.memory_space<vmem>>
        %dma_wait3A_290 = arith.constant 0 : i32
        %dma_wait3A_291 = arith.constant 0 : i32
        %dma_wait3A_292 = tpu.memref_slice %arg23[%dma_wait3A_290, %dma_wait3A_291] : memref<10240x64xbf16, #tpu.memory_space<vmem_shared>> -> memref<10240x64xbf16, #tpu.memory_space<vmem_shared>>
        tpu.wait_indirect_dma semaphore(%run_scoped3A_280 : memref<!tpu.dma_semaphore, #tpu.memory_space<semaphore_mem>>) src(%arg9 : memref<125x64xbf16, #tpu.memory_space<vmem>>) dst(%dma_wait3A_292 : memref<10240x64xbf16, #tpu.memory_space<vmem_shared>>)
        tpu.yield
      }) : () -> ()
      %add3A_168 = arith.constant 8 : i32
      %add3A_169 = arith.addi %add3A_157, %add3A_168 : i32
      %lt3A_170 = arith.constant 160 : i32
      %lt3A_171 = arith.cmpi slt, %add3A_169, %lt3A_170 : i32
      %convert_element_type3A_172 = arith.extui %lt3A_171 : i1 to i32
      %cond3A_173 = arith.constant 0 : i32
      %cond3A_174 = arith.cmpi ne, %convert_element_type3A_172, %cond3A_173 : i32
      scf.if %cond3A_174 {
        %add3A_280 = arith.constant 8 : i32
        %add3A_281 = arith.addi %add3A_157, %add3A_280 : i32
        %dma_start3A_282 = arith.constant 0 : i32
        %dma_start3A_283 = tpu.memref_slice %arg5[%add3A_281, %dma_start3A_282] : memref<160x125xi32, #tpu.memory_space<vmem>> -> memref<1x125xi32, #tpu.memory_space<vmem>>
        %dma_start3A_284 = tpu.memref_squeeze %dma_start3A_283 : memref<1x125xi32, #tpu.memory_space<vmem>> -> memref<125xi32, #tpu.memory_space<vmem>>
        %dma_start3A_285 = arith.constant 0 : i32
        %dma_start3A_286 = arith.constant 0 : i32
        %dma_start3A_287 = tpu.memref_slice %arg2[%arg0, %dma_start3A_285, %dma_start3A_286] : memref<2x10240x64xbf16, #tpu.memory_space<hbm>> -> memref<1x10240x64xbf16, #tpu.memory_space<hbm>>
        %dma_start3A_288 = tpu.memref_squeeze %dma_start3A_287 : memref<1x10240x64xbf16, #tpu.memory_space<hbm>> -> memref<10240x64xbf16, #tpu.memory_space<hbm>>
        %dma_start3A_289 = arith.constant 0 : i32
        %dma_start3A_290 = arith.constant 0 : i32
        %dma_start3A_291 = tpu.memref_slice %dma_start3A_288[%dma_start3A_289, %dma_start3A_290] : memref<10240x64xbf16, #tpu.memory_space<hbm>> -> memref<10240x64xbf16, #tpu.memory_space<hbm>>
        tpu.enqueue_indirect_dma source(%dma_start3A_291 : memref<10240x64xbf16, #tpu.memory_space<hbm>>) target(%arg9 : memref<125x64xbf16, #tpu.memory_space<vmem>>) offsets(%dma_start3A_284 : memref<125xi32, #tpu.memory_space<vmem>>) semaphore(%arg17 : memref<!tpu.dma_semaphore, #tpu.memory_space<semaphore_mem>>)
      } else {
      }
      %mul3A_175 = arith.constant 8 : i32
      %mul3A_176 = arith.muli %scan3A_115, %mul3A_175 : i32
      %add3A_177 = arith.constant 3 : i32
      %add3A_178 = arith.addi %mul3A_176, %add3A_177 : i32
      %dma_wait3A_179 = arith.constant 0 : i32
      %dma_wait3A_180 = tpu.memref_slice %arg5[%add3A_178, %dma_wait3A_179] : memref<160x125xi32, #tpu.memory_space<vmem>> -> memref<1x125xi32, #tpu.memory_space<vmem>>
      %dma_wait3A_181 = tpu.memref_squeeze %dma_wait3A_180 : memref<1x125xi32, #tpu.memory_space<vmem>> -> memref<125xi32, #tpu.memory_space<vmem>>
      %dma_wait3A_182 = arith.constant 0 : i32
      %dma_wait3A_183 = arith.constant 0 : i32
      %dma_wait3A_184 = tpu.memref_slice %arg2[%arg0, %dma_wait3A_182, %dma_wait3A_183] : memref<2x10240x64xbf16, #tpu.memory_space<hbm>> -> memref<1x10240x64xbf16, #tpu.memory_space<hbm>>
      %dma_wait3A_185 = tpu.memref_squeeze %dma_wait3A_184 : memref<1x10240x64xbf16, #tpu.memory_space<hbm>> -> memref<10240x64xbf16, #tpu.memory_space<hbm>>
      %dma_wait3A_186 = arith.constant 0 : i32
      %dma_wait3A_187 = arith.constant 0 : i32
      %dma_wait3A_188 = tpu.memref_slice %dma_wait3A_185[%dma_wait3A_186, %dma_wait3A_187] : memref<10240x64xbf16, #tpu.memory_space<hbm>> -> memref<10240x64xbf16, #tpu.memory_space<hbm>>
      tpu.wait_indirect_dma semaphore(%arg18 : memref<!tpu.dma_semaphore, #tpu.memory_space<semaphore_mem>>) src(%dma_wait3A_188 : memref<10240x64xbf16, #tpu.memory_space<hbm>>) dst(%arg10 : memref<125x64xbf16, #tpu.memory_space<vmem>>)
      "tpu.region"() ({
        %run_scoped3A_280 = tpu.sem_alloc : memref<!tpu.dma_semaphore, #tpu.memory_space<semaphore_mem>>
        %dma_start3A_281 = arith.constant 0 : i32
        %dma_start3A_282 = tpu.memref_slice %arg6[%add3A_178, %dma_start3A_281] : memref<160x125xi32, #tpu.memory_space<vmem>> -> memref<1x125xi32, #tpu.memory_space<vmem>>
        %dma_start3A_283 = tpu.memref_squeeze %dma_start3A_282 : memref<1x125xi32, #tpu.memory_space<vmem>> -> memref<125xi32, #tpu.memory_space<vmem>>
        %dma_start3A_284 = arith.constant 0 : i32
        %dma_start3A_285 = arith.constant 0 : i32
        %dma_start3A_286 = tpu.memref_slice %arg23[%dma_start3A_284, %dma_start3A_285] : memref<10240x64xbf16, #tpu.memory_space<vmem_shared>> -> memref<10240x64xbf16, #tpu.memory_space<vmem_shared>>
        tpu.enqueue_indirect_dma source(%arg10 : memref<125x64xbf16, #tpu.memory_space<vmem>>) target(%dma_start3A_286 : memref<10240x64xbf16, #tpu.memory_space<vmem_shared>>) offsets(%dma_start3A_283 : memref<125xi32, #tpu.memory_space<vmem>>) semaphore(%run_scoped3A_280 : memref<!tpu.dma_semaphore, #tpu.memory_space<semaphore_mem>>) {add = true}
        %dma_wait3A_287 = arith.constant 0 : i32
        %dma_wait3A_288 = tpu.memref_slice %arg6[%add3A_178, %dma_wait3A_287] : memref<160x125xi32, #tpu.memory_space<vmem>> -> memref<1x125xi32, #tpu.memory_space<vmem>>
        %dma_wait3A_289 = tpu.memref_squeeze %dma_wait3A_288 : memref<1x125xi32, #tpu.memory_space<vmem>> -> memref<125xi32, #tpu.memory_space<vmem>>
        %dma_wait3A_290 = arith.constant 0 : i32
        %dma_wait3A_291 = arith.constant 0 : i32
        %dma_wait3A_292 = tpu.memref_slice %arg23[%dma_wait3A_290, %dma_wait3A_291] : memref<10240x64xbf16, #tpu.memory_space<vmem_shared>> -> memref<10240x64xbf16, #tpu.memory_space<vmem_shared>>
        tpu.wait_indirect_dma semaphore(%run_scoped3A_280 : memref<!tpu.dma_semaphore, #tpu.memory_space<semaphore_mem>>) src(%arg10 : memref<125x64xbf16, #tpu.memory_space<vmem>>) dst(%dma_wait3A_292 : memref<10240x64xbf16, #tpu.memory_space<vmem_shared>>)
        tpu.yield
      }) : () -> ()
      %add3A_189 = arith.constant 8 : i32
      %add3A_190 = arith.addi %add3A_178, %add3A_189 : i32
      %lt3A_191 = arith.constant 160 : i32
      %lt3A_192 = arith.cmpi slt, %add3A_190, %lt3A_191 : i32
      %convert_element_type3A_193 = arith.extui %lt3A_192 : i1 to i32
      %cond3A_194 = arith.constant 0 : i32
      %cond3A_195 = arith.cmpi ne, %convert_element_type3A_193, %cond3A_194 : i32
      scf.if %cond3A_195 {
        %add3A_280 = arith.constant 8 : i32
        %add3A_281 = arith.addi %add3A_178, %add3A_280 : i32
        %dma_start3A_282 = arith.constant 0 : i32
        %dma_start3A_283 = tpu.memref_slice %arg5[%add3A_281, %dma_start3A_282] : memref<160x125xi32, #tpu.memory_space<vmem>> -> memref<1x125xi32, #tpu.memory_space<vmem>>
        %dma_start3A_284 = tpu.memref_squeeze %dma_start3A_283 : memref<1x125xi32, #tpu.memory_space<vmem>> -> memref<125xi32, #tpu.memory_space<vmem>>
        %dma_start3A_285 = arith.constant 0 : i32
        %dma_start3A_286 = arith.constant 0 : i32
        %dma_start3A_287 = tpu.memref_slice %arg2[%arg0, %dma_start3A_285, %dma_start3A_286] : memref<2x10240x64xbf16, #tpu.memory_space<hbm>> -> memref<1x10240x64xbf16, #tpu.memory_space<hbm>>
        %dma_start3A_288 = tpu.memref_squeeze %dma_start3A_287 : memref<1x10240x64xbf16, #tpu.memory_space<hbm>> -> memref<10240x64xbf16, #tpu.memory_space<hbm>>
        %dma_start3A_289 = arith.constant 0 : i32
        %dma_start3A_290 = arith.constant 0 : i32
        %dma_start3A_291 = tpu.memref_slice %dma_start3A_288[%dma_start3A_289, %dma_start3A_290] : memref<10240x64xbf16, #tpu.memory_space<hbm>> -> memref<10240x64xbf16, #tpu.memory_space<hbm>>
        tpu.enqueue_indirect_dma source(%dma_start3A_291 : memref<10240x64xbf16, #tpu.memory_space<hbm>>) target(%arg10 : memref<125x64xbf16, #tpu.memory_space<vmem>>) offsets(%dma_start3A_284 : memref<125xi32, #tpu.memory_space<vmem>>) semaphore(%arg18 : memref<!tpu.dma_semaphore, #tpu.memory_space<semaphore_mem>>)
      } else {
      }
      %mul3A_196 = arith.constant 8 : i32
      %mul3A_197 = arith.muli %scan3A_115, %mul3A_196 : i32
      %add3A_198 = arith.constant 4 : i32
      %add3A_199 = arith.addi %mul3A_197, %add3A_198 : i32
      %dma_wait3A_200 = arith.constant 0 : i32
      %dma_wait3A_201 = tpu.memref_slice %arg5[%add3A_199, %dma_wait3A_200] : memref<160x125xi32, #tpu.memory_space<vmem>> -> memref<1x125xi32, #tpu.memory_space<vmem>>
      %dma_wait3A_202 = tpu.memref_squeeze %dma_wait3A_201 : memref<1x125xi32, #tpu.memory_space<vmem>> -> memref<125xi32, #tpu.memory_space<vmem>>
      %dma_wait3A_203 = arith.constant 0 : i32
      %dma_wait3A_204 = arith.constant 0 : i32
      %dma_wait3A_205 = tpu.memref_slice %arg2[%arg0, %dma_wait3A_203, %dma_wait3A_204] : memref<2x10240x64xbf16, #tpu.memory_space<hbm>> -> memref<1x10240x64xbf16, #tpu.memory_space<hbm>>
      %dma_wait3A_206 = tpu.memref_squeeze %dma_wait3A_205 : memref<1x10240x64xbf16, #tpu.memory_space<hbm>> -> memref<10240x64xbf16, #tpu.memory_space<hbm>>
      %dma_wait3A_207 = arith.constant 0 : i32
      %dma_wait3A_208 = arith.constant 0 : i32
      %dma_wait3A_209 = tpu.memref_slice %dma_wait3A_206[%dma_wait3A_207, %dma_wait3A_208] : memref<10240x64xbf16, #tpu.memory_space<hbm>> -> memref<10240x64xbf16, #tpu.memory_space<hbm>>
      tpu.wait_indirect_dma semaphore(%arg19 : memref<!tpu.dma_semaphore, #tpu.memory_space<semaphore_mem>>) src(%dma_wait3A_209 : memref<10240x64xbf16, #tpu.memory_space<hbm>>) dst(%arg11 : memref<125x64xbf16, #tpu.memory_space<vmem>>)
      "tpu.region"() ({
        %run_scoped3A_280 = tpu.sem_alloc : memref<!tpu.dma_semaphore, #tpu.memory_space<semaphore_mem>>
        %dma_start3A_281 = arith.constant 0 : i32
        %dma_start3A_282 = tpu.memref_slice %arg6[%add3A_199, %dma_start3A_281] : memref<160x125xi32, #tpu.memory_space<vmem>> -> memref<1x125xi32, #tpu.memory_space<vmem>>
        %dma_start3A_283 = tpu.memref_squeeze %dma_start3A_282 : memref<1x125xi32, #tpu.memory_space<vmem>> -> memref<125xi32, #tpu.memory_space<vmem>>
        %dma_start3A_284 = arith.constant 0 : i32
        %dma_start3A_285 = arith.constant 0 : i32
        %dma_start3A_286 = tpu.memref_slice %arg23[%dma_start3A_284, %dma_start3A_285] : memref<10240x64xbf16, #tpu.memory_space<vmem_shared>> -> memref<10240x64xbf16, #tpu.memory_space<vmem_shared>>
        tpu.enqueue_indirect_dma source(%arg11 : memref<125x64xbf16, #tpu.memory_space<vmem>>) target(%dma_start3A_286 : memref<10240x64xbf16, #tpu.memory_space<vmem_shared>>) offsets(%dma_start3A_283 : memref<125xi32, #tpu.memory_space<vmem>>) semaphore(%run_scoped3A_280 : memref<!tpu.dma_semaphore, #tpu.memory_space<semaphore_mem>>) {add = true}
        %dma_wait3A_287 = arith.constant 0 : i32
        %dma_wait3A_288 = tpu.memref_slice %arg6[%add3A_199, %dma_wait3A_287] : memref<160x125xi32, #tpu.memory_space<vmem>> -> memref<1x125xi32, #tpu.memory_space<vmem>>
        %dma_wait3A_289 = tpu.memref_squeeze %dma_wait3A_288 : memref<1x125xi32, #tpu.memory_space<vmem>> -> memref<125xi32, #tpu.memory_space<vmem>>
        %dma_wait3A_290 = arith.constant 0 : i32
        %dma_wait3A_291 = arith.constant 0 : i32
        %dma_wait3A_292 = tpu.memref_slice %arg23[%dma_wait3A_290, %dma_wait3A_291] : memref<10240x64xbf16, #tpu.memory_space<vmem_shared>> -> memref<10240x64xbf16, #tpu.memory_space<vmem_shared>>
        tpu.wait_indirect_dma semaphore(%run_scoped3A_280 : memref<!tpu.dma_semaphore, #tpu.memory_space<semaphore_mem>>) src(%arg11 : memref<125x64xbf16, #tpu.memory_space<vmem>>) dst(%dma_wait3A_292 : memref<10240x64xbf16, #tpu.memory_space<vmem_shared>>)
        tpu.yield
      }) : () -> ()
      %add3A_210 = arith.constant 8 : i32
      %add3A_211 = arith.addi %add3A_199, %add3A_210 : i32
      %lt3A_212 = arith.constant 160 : i32
      %lt3A_213 = arith.cmpi slt, %add3A_211, %lt3A_212 : i32
      %convert_element_type3A_214 = arith.extui %lt3A_213 : i1 to i32
      %cond3A_215 = arith.constant 0 : i32
      %cond3A_216 = arith.cmpi ne, %convert_element_type3A_214, %cond3A_215 : i32
      scf.if %cond3A_216 {
        %add3A_280 = arith.constant 8 : i32
        %add3A_281 = arith.addi %add3A_199, %add3A_280 : i32
        %dma_start3A_282 = arith.constant 0 : i32
        %dma_start3A_283 = tpu.memref_slice %arg5[%add3A_281, %dma_start3A_282] : memref<160x125xi32, #tpu.memory_space<vmem>> -> memref<1x125xi32, #tpu.memory_space<vmem>>
        %dma_start3A_284 = tpu.memref_squeeze %dma_start3A_283 : memref<1x125xi32, #tpu.memory_space<vmem>> -> memref<125xi32, #tpu.memory_space<vmem>>
        %dma_start3A_285 = arith.constant 0 : i32
        %dma_start3A_286 = arith.constant 0 : i32
        %dma_start3A_287 = tpu.memref_slice %arg2[%arg0, %dma_start3A_285, %dma_start3A_286] : memref<2x10240x64xbf16, #tpu.memory_space<hbm>> -> memref<1x10240x64xbf16, #tpu.memory_space<hbm>>
        %dma_start3A_288 = tpu.memref_squeeze %dma_start3A_287 : memref<1x10240x64xbf16, #tpu.memory_space<hbm>> -> memref<10240x64xbf16, #tpu.memory_space<hbm>>
        %dma_start3A_289 = arith.constant 0 : i32
        %dma_start3A_290 = arith.constant 0 : i32
        %dma_start3A_291 = tpu.memref_slice %dma_start3A_288[%dma_start3A_289, %dma_start3A_290] : memref<10240x64xbf16, #tpu.memory_space<hbm>> -> memref<10240x64xbf16, #tpu.memory_space<hbm>>
        tpu.enqueue_indirect_dma source(%dma_start3A_291 : memref<10240x64xbf16, #tpu.memory_space<hbm>>) target(%arg11 : memref<125x64xbf16, #tpu.memory_space<vmem>>) offsets(%dma_start3A_284 : memref<125xi32, #tpu.memory_space<vmem>>) semaphore(%arg19 : memref<!tpu.dma_semaphore, #tpu.memory_space<semaphore_mem>>)
      } else {
      }
      %mul3A_217 = arith.constant 8 : i32
      %mul3A_218 = arith.muli %scan3A_115, %mul3A_217 : i32
      %add3A_219 = arith.constant 5 : i32
      %add3A_220 = arith.addi %mul3A_218, %add3A_219 : i32
      %dma_wait3A_221 = arith.constant 0 : i32
      %dma_wait3A_222 = tpu.memref_slice %arg5[%add3A_220, %dma_wait3A_221] : memref<160x125xi32, #tpu.memory_space<vmem>> -> memref<1x125xi32, #tpu.memory_space<vmem>>
      %dma_wait3A_223 = tpu.memref_squeeze %dma_wait3A_222 : memref<1x125xi32, #tpu.memory_space<vmem>> -> memref<125xi32, #tpu.memory_space<vmem>>
      %dma_wait3A_224 = arith.constant 0 : i32
      %dma_wait3A_225 = arith.constant 0 : i32
      %dma_wait3A_226 = tpu.memref_slice %arg2[%arg0, %dma_wait3A_224, %dma_wait3A_225] : memref<2x10240x64xbf16, #tpu.memory_space<hbm>> -> memref<1x10240x64xbf16, #tpu.memory_space<hbm>>
      %dma_wait3A_227 = tpu.memref_squeeze %dma_wait3A_226 : memref<1x10240x64xbf16, #tpu.memory_space<hbm>> -> memref<10240x64xbf16, #tpu.memory_space<hbm>>
      %dma_wait3A_228 = arith.constant 0 : i32
      %dma_wait3A_229 = arith.constant 0 : i32
      %dma_wait3A_230 = tpu.memref_slice %dma_wait3A_227[%dma_wait3A_228, %dma_wait3A_229] : memref<10240x64xbf16, #tpu.memory_space<hbm>> -> memref<10240x64xbf16, #tpu.memory_space<hbm>>
      tpu.wait_indirect_dma semaphore(%arg20 : memref<!tpu.dma_semaphore, #tpu.memory_space<semaphore_mem>>) src(%dma_wait3A_230 : memref<10240x64xbf16, #tpu.memory_space<hbm>>) dst(%arg12 : memref<125x64xbf16, #tpu.memory_space<vmem>>)
      "tpu.region"() ({
        %run_scoped3A_280 = tpu.sem_alloc : memref<!tpu.dma_semaphore, #tpu.memory_space<semaphore_mem>>
        %dma_start3A_281 = arith.constant 0 : i32
        %dma_start3A_282 = tpu.memref_slice %arg6[%add3A_220, %dma_start3A_281] : memref<160x125xi32, #tpu.memory_space<vmem>> -> memref<1x125xi32, #tpu.memory_space<vmem>>
        %dma_start3A_283 = tpu.memref_squeeze %dma_start3A_282 : memref<1x125xi32, #tpu.memory_space<vmem>> -> memref<125xi32, #tpu.memory_space<vmem>>
        %dma_start3A_284 = arith.constant 0 : i32
        %dma_start3A_285 = arith.constant 0 : i32
        %dma_start3A_286 = tpu.memref_slice %arg23[%dma_start3A_284, %dma_start3A_285] : memref<10240x64xbf16, #tpu.memory_space<vmem_shared>> -> memref<10240x64xbf16, #tpu.memory_space<vmem_shared>>
        tpu.enqueue_indirect_dma source(%arg12 : memref<125x64xbf16, #tpu.memory_space<vmem>>) target(%dma_start3A_286 : memref<10240x64xbf16, #tpu.memory_space<vmem_shared>>) offsets(%dma_start3A_283 : memref<125xi32, #tpu.memory_space<vmem>>) semaphore(%run_scoped3A_280 : memref<!tpu.dma_semaphore, #tpu.memory_space<semaphore_mem>>) {add = true}
        %dma_wait3A_287 = arith.constant 0 : i32
        %dma_wait3A_288 = tpu.memref_slice %arg6[%add3A_220, %dma_wait3A_287] : memref<160x125xi32, #tpu.memory_space<vmem>> -> memref<1x125xi32, #tpu.memory_space<vmem>>
        %dma_wait3A_289 = tpu.memref_squeeze %dma_wait3A_288 : memref<1x125xi32, #tpu.memory_space<vmem>> -> memref<125xi32, #tpu.memory_space<vmem>>
        %dma_wait3A_290 = arith.constant 0 : i32
        %dma_wait3A_291 = arith.constant 0 : i32
        %dma_wait3A_292 = tpu.memref_slice %arg23[%dma_wait3A_290, %dma_wait3A_291] : memref<10240x64xbf16, #tpu.memory_space<vmem_shared>> -> memref<10240x64xbf16, #tpu.memory_space<vmem_shared>>
        tpu.wait_indirect_dma semaphore(%run_scoped3A_280 : memref<!tpu.dma_semaphore, #tpu.memory_space<semaphore_mem>>) src(%arg12 : memref<125x64xbf16, #tpu.memory_space<vmem>>) dst(%dma_wait3A_292 : memref<10240x64xbf16, #tpu.memory_space<vmem_shared>>)
        tpu.yield
      }) : () -> ()
      %add3A_231 = arith.constant 8 : i32
      %add3A_232 = arith.addi %add3A_220, %add3A_231 : i32
      %lt3A_233 = arith.constant 160 : i32
      %lt3A_234 = arith.cmpi slt, %add3A_232, %lt3A_233 : i32
      %convert_element_type3A_235 = arith.extui %lt3A_234 : i1 to i32
      %cond3A_236 = arith.constant 0 : i32
      %cond3A_237 = arith.cmpi ne, %convert_element_type3A_235, %cond3A_236 : i32
      scf.if %cond3A_237 {
        %add3A_280 = arith.constant 8 : i32
        %add3A_281 = arith.addi %add3A_220, %add3A_280 : i32
        %dma_start3A_282 = arith.constant 0 : i32
        %dma_start3A_283 = tpu.memref_slice %arg5[%add3A_281, %dma_start3A_282] : memref<160x125xi32, #tpu.memory_space<vmem>> -> memref<1x125xi32, #tpu.memory_space<vmem>>
        %dma_start3A_284 = tpu.memref_squeeze %dma_start3A_283 : memref<1x125xi32, #tpu.memory_space<vmem>> -> memref<125xi32, #tpu.memory_space<vmem>>
        %dma_start3A_285 = arith.constant 0 : i32
        %dma_start3A_286 = arith.constant 0 : i32
        %dma_start3A_287 = tpu.memref_slice %arg2[%arg0, %dma_start3A_285, %dma_start3A_286] : memref<2x10240x64xbf16, #tpu.memory_space<hbm>> -> memref<1x10240x64xbf16, #tpu.memory_space<hbm>>
        %dma_start3A_288 = tpu.memref_squeeze %dma_start3A_287 : memref<1x10240x64xbf16, #tpu.memory_space<hbm>> -> memref<10240x64xbf16, #tpu.memory_space<hbm>>
        %dma_start3A_289 = arith.constant 0 : i32
        %dma_start3A_290 = arith.constant 0 : i32
        %dma_start3A_291 = tpu.memref_slice %dma_start3A_288[%dma_start3A_289, %dma_start3A_290] : memref<10240x64xbf16, #tpu.memory_space<hbm>> -> memref<10240x64xbf16, #tpu.memory_space<hbm>>
        tpu.enqueue_indirect_dma source(%dma_start3A_291 : memref<10240x64xbf16, #tpu.memory_space<hbm>>) target(%arg12 : memref<125x64xbf16, #tpu.memory_space<vmem>>) offsets(%dma_start3A_284 : memref<125xi32, #tpu.memory_space<vmem>>) semaphore(%arg20 : memref<!tpu.dma_semaphore, #tpu.memory_space<semaphore_mem>>)
      } else {
      }
      %mul3A_238 = arith.constant 8 : i32
      %mul3A_239 = arith.muli %scan3A_115, %mul3A_238 : i32
      %add3A_240 = arith.constant 6 : i32
      %add3A_241 = arith.addi %mul3A_239, %add3A_240 : i32
      %dma_wait3A_242 = arith.constant 0 : i32
      %dma_wait3A_243 = tpu.memref_slice %arg5[%add3A_241, %dma_wait3A_242] : memref<160x125xi32, #tpu.memory_space<vmem>> -> memref<1x125xi32, #tpu.memory_space<vmem>>
      %dma_wait3A_244 = tpu.memref_squeeze %dma_wait3A_243 : memref<1x125xi32, #tpu.memory_space<vmem>> -> memref<125xi32, #tpu.memory_space<vmem>>
      %dma_wait3A_245 = arith.constant 0 : i32
      %dma_wait3A_246 = arith.constant 0 : i32
      %dma_wait3A_247 = tpu.memref_slice %arg2[%arg0, %dma_wait3A_245, %dma_wait3A_246] : memref<2x10240x64xbf16, #tpu.memory_space<hbm>> -> memref<1x10240x64xbf16, #tpu.memory_space<hbm>>
      %dma_wait3A_248 = tpu.memref_squeeze %dma_wait3A_247 : memref<1x10240x64xbf16, #tpu.memory_space<hbm>> -> memref<10240x64xbf16, #tpu.memory_space<hbm>>
      %dma_wait3A_249 = arith.constant 0 : i32
      %dma_wait3A_250 = arith.constant 0 : i32
      %dma_wait3A_251 = tpu.memref_slice %dma_wait3A_248[%dma_wait3A_249, %dma_wait3A_250] : memref<10240x64xbf16, #tpu.memory_space<hbm>> -> memref<10240x64xbf16, #tpu.memory_space<hbm>>
      tpu.wait_indirect_dma semaphore(%arg21 : memref<!tpu.dma_semaphore, #tpu.memory_space<semaphore_mem>>) src(%dma_wait3A_251 : memref<10240x64xbf16, #tpu.memory_space<hbm>>) dst(%arg13 : memref<125x64xbf16, #tpu.memory_space<vmem>>)
      "tpu.region"() ({
        %run_scoped3A_280 = tpu.sem_alloc : memref<!tpu.dma_semaphore, #tpu.memory_space<semaphore_mem>>
        %dma_start3A_281 = arith.constant 0 : i32
        %dma_start3A_282 = tpu.memref_slice %arg6[%add3A_241, %dma_start3A_281] : memref<160x125xi32, #tpu.memory_space<vmem>> -> memref<1x125xi32, #tpu.memory_space<vmem>>
        %dma_start3A_283 = tpu.memref_squeeze %dma_start3A_282 : memref<1x125xi32, #tpu.memory_space<vmem>> -> memref<125xi32, #tpu.memory_space<vmem>>
        %dma_start3A_284 = arith.constant 0 : i32
        %dma_start3A_285 = arith.constant 0 : i32
        %dma_start3A_286 = tpu.memref_slice %arg23[%dma_start3A_284, %dma_start3A_285] : memref<10240x64xbf16, #tpu.memory_space<vmem_shared>> -> memref<10240x64xbf16, #tpu.memory_space<vmem_shared>>
        tpu.enqueue_indirect_dma source(%arg13 : memref<125x64xbf16, #tpu.memory_space<vmem>>) target(%dma_start3A_286 : memref<10240x64xbf16, #tpu.memory_space<vmem_shared>>) offsets(%dma_start3A_283 : memref<125xi32, #tpu.memory_space<vmem>>) semaphore(%run_scoped3A_280 : memref<!tpu.dma_semaphore, #tpu.memory_space<semaphore_mem>>) {add = true}
        %dma_wait3A_287 = arith.constant 0 : i32
        %dma_wait3A_288 = tpu.memref_slice %arg6[%add3A_241, %dma_wait3A_287] : memref<160x125xi32, #tpu.memory_space<vmem>> -> memref<1x125xi32, #tpu.memory_space<vmem>>
        %dma_wait3A_289 = tpu.memref_squeeze %dma_wait3A_288 : memref<1x125xi32, #tpu.memory_space<vmem>> -> memref<125xi32, #tpu.memory_space<vmem>>
        %dma_wait3A_290 = arith.constant 0 : i32
        %dma_wait3A_291 = arith.constant 0 : i32
        %dma_wait3A_292 = tpu.memref_slice %arg23[%dma_wait3A_290, %dma_wait3A_291] : memref<10240x64xbf16, #tpu.memory_space<vmem_shared>> -> memref<10240x64xbf16, #tpu.memory_space<vmem_shared>>
        tpu.wait_indirect_dma semaphore(%run_scoped3A_280 : memref<!tpu.dma_semaphore, #tpu.memory_space<semaphore_mem>>) src(%arg13 : memref<125x64xbf16, #tpu.memory_space<vmem>>) dst(%dma_wait3A_292 : memref<10240x64xbf16, #tpu.memory_space<vmem_shared>>)
        tpu.yield
      }) : () -> ()
      %add3A_252 = arith.constant 8 : i32
      %add3A_253 = arith.addi %add3A_241, %add3A_252 : i32
      %lt3A_254 = arith.constant 160 : i32
      %lt3A_255 = arith.cmpi slt, %add3A_253, %lt3A_254 : i32
      %convert_element_type3A_256 = arith.extui %lt3A_255 : i1 to i32
      %cond3A_257 = arith.constant 0 : i32
      %cond3A_258 = arith.cmpi ne, %convert_element_type3A_256, %cond3A_257 : i32
      scf.if %cond3A_258 {
        %add3A_280 = arith.constant 8 : i32
        %add3A_281 = arith.addi %add3A_241, %add3A_280 : i32
        %dma_start3A_282 = arith.constant 0 : i32
        %dma_start3A_283 = tpu.memref_slice %arg5[%add3A_281, %dma_start3A_282] : memref<160x125xi32, #tpu.memory_space<vmem>> -> memref<1x125xi32, #tpu.memory_space<vmem>>
        %dma_start3A_284 = tpu.memref_squeeze %dma_start3A_283 : memref<1x125xi32, #tpu.memory_space<vmem>> -> memref<125xi32, #tpu.memory_space<vmem>>
        %dma_start3A_285 = arith.constant 0 : i32
        %dma_start3A_286 = arith.constant 0 : i32
        %dma_start3A_287 = tpu.memref_slice %arg2[%arg0, %dma_start3A_285, %dma_start3A_286] : memref<2x10240x64xbf16, #tpu.memory_space<hbm>> -> memref<1x10240x64xbf16, #tpu.memory_space<hbm>>
        %dma_start3A_288 = tpu.memref_squeeze %dma_start3A_287 : memref<1x10240x64xbf16, #tpu.memory_space<hbm>> -> memref<10240x64xbf16, #tpu.memory_space<hbm>>
        %dma_start3A_289 = arith.constant 0 : i32
        %dma_start3A_290 = arith.constant 0 : i32
        %dma_start3A_291 = tpu.memref_slice %dma_start3A_288[%dma_start3A_289, %dma_start3A_290] : memref<10240x64xbf16, #tpu.memory_space<hbm>> -> memref<10240x64xbf16, #tpu.memory_space<hbm>>
        tpu.enqueue_indirect_dma source(%dma_start3A_291 : memref<10240x64xbf16, #tpu.memory_space<hbm>>) target(%arg13 : memref<125x64xbf16, #tpu.memory_space<vmem>>) offsets(%dma_start3A_284 : memref<125xi32, #tpu.memory_space<vmem>>) semaphore(%arg21 : memref<!tpu.dma_semaphore, #tpu.memory_space<semaphore_mem>>)
      } else {
      }
      %mul3A_259 = arith.constant 8 : i32
      %mul3A_260 = arith.muli %scan3A_115, %mul3A_259 : i32
      %add3A_261 = arith.constant 7 : i32
      %add3A_262 = arith.addi %mul3A_260, %add3A_261 : i32
      %dma_wait3A_263 = arith.constant 0 : i32
      %dma_wait3A_264 = tpu.memref_slice %arg5[%add3A_262, %dma_wait3A_263] : memref<160x125xi32, #tpu.memory_space<vmem>> -> memref<1x125xi32, #tpu.memory_space<vmem>>
      %dma_wait3A_265 = tpu.memref_squeeze %dma_wait3A_264 : memref<1x125xi32, #tpu.memory_space<vmem>> -> memref<125xi32, #tpu.memory_space<vmem>>
      %dma_wait3A_266 = arith.constant 0 : i32
      %dma_wait3A_267 = arith.constant 0 : i32
      %dma_wait3A_268 = tpu.memref_slice %arg2[%arg0, %dma_wait3A_266, %dma_wait3A_267] : memref<2x10240x64xbf16, #tpu.memory_space<hbm>> -> memref<1x10240x64xbf16, #tpu.memory_space<hbm>>
      %dma_wait3A_269 = tpu.memref_squeeze %dma_wait3A_268 : memref<1x10240x64xbf16, #tpu.memory_space<hbm>> -> memref<10240x64xbf16, #tpu.memory_space<hbm>>
      %dma_wait3A_270 = arith.constant 0 : i32
      %dma_wait3A_271 = arith.constant 0 : i32
      %dma_wait3A_272 = tpu.memref_slice %dma_wait3A_269[%dma_wait3A_270, %dma_wait3A_271] : memref<10240x64xbf16, #tpu.memory_space<hbm>> -> memref<10240x64xbf16, #tpu.memory_space<hbm>>
      tpu.wait_indirect_dma semaphore(%arg22 : memref<!tpu.dma_semaphore, #tpu.memory_space<semaphore_mem>>) src(%dma_wait3A_272 : memref<10240x64xbf16, #tpu.memory_space<hbm>>) dst(%arg14 : memref<125x64xbf16, #tpu.memory_space<vmem>>)
      "tpu.region"() ({
        %run_scoped3A_280 = tpu.sem_alloc : memref<!tpu.dma_semaphore, #tpu.memory_space<semaphore_mem>>
        %dma_start3A_281 = arith.constant 0 : i32
        %dma_start3A_282 = tpu.memref_slice %arg6[%add3A_262, %dma_start3A_281] : memref<160x125xi32, #tpu.memory_space<vmem>> -> memref<1x125xi32, #tpu.memory_space<vmem>>
        %dma_start3A_283 = tpu.memref_squeeze %dma_start3A_282 : memref<1x125xi32, #tpu.memory_space<vmem>> -> memref<125xi32, #tpu.memory_space<vmem>>
        %dma_start3A_284 = arith.constant 0 : i32
        %dma_start3A_285 = arith.constant 0 : i32
        %dma_start3A_286 = tpu.memref_slice %arg23[%dma_start3A_284, %dma_start3A_285] : memref<10240x64xbf16, #tpu.memory_space<vmem_shared>> -> memref<10240x64xbf16, #tpu.memory_space<vmem_shared>>
        tpu.enqueue_indirect_dma source(%arg14 : memref<125x64xbf16, #tpu.memory_space<vmem>>) target(%dma_start3A_286 : memref<10240x64xbf16, #tpu.memory_space<vmem_shared>>) offsets(%dma_start3A_283 : memref<125xi32, #tpu.memory_space<vmem>>) semaphore(%run_scoped3A_280 : memref<!tpu.dma_semaphore, #tpu.memory_space<semaphore_mem>>) {add = true}
        %dma_wait3A_287 = arith.constant 0 : i32
        %dma_wait3A_288 = tpu.memref_slice %arg6[%add3A_262, %dma_wait3A_287] : memref<160x125xi32, #tpu.memory_space<vmem>> -> memref<1x125xi32, #tpu.memory_space<vmem>>
        %dma_wait3A_289 = tpu.memref_squeeze %dma_wait3A_288 : memref<1x125xi32, #tpu.memory_space<vmem>> -> memref<125xi32, #tpu.memory_space<vmem>>
        %dma_wait3A_290 = arith.constant 0 : i32
        %dma_wait3A_291 = arith.constant 0 : i32
        %dma_wait3A_292 = tpu.memref_slice %arg23[%dma_wait3A_290, %dma_wait3A_291] : memref<10240x64xbf16, #tpu.memory_space<vmem_shared>> -> memref<10240x64xbf16, #tpu.memory_space<vmem_shared>>
        tpu.wait_indirect_dma semaphore(%run_scoped3A_280 : memref<!tpu.dma_semaphore, #tpu.memory_space<semaphore_mem>>) src(%arg14 : memref<125x64xbf16, #tpu.memory_space<vmem>>) dst(%dma_wait3A_292 : memref<10240x64xbf16, #tpu.memory_space<vmem_shared>>)
        tpu.yield
      }) : () -> ()
      %add3A_273 = arith.constant 8 : i32
      %add3A_274 = arith.addi %add3A_262, %add3A_273 : i32
      %lt3A_275 = arith.constant 160 : i32
      %lt3A_276 = arith.cmpi slt, %add3A_274, %lt3A_275 : i32
      %convert_element_type3A_277 = arith.extui %lt3A_276 : i1 to i32
      %cond3A_278 = arith.constant 0 : i32
      %cond3A_279 = arith.cmpi ne, %convert_element_type3A_277, %cond3A_278 : i32
      scf.if %cond3A_279 {
        %add3A_280 = arith.constant 8 : i32
        %add3A_281 = arith.addi %add3A_262, %add3A_280 : i32
        %dma_start3A_282 = arith.constant 0 : i32
        %dma_start3A_283 = tpu.memref_slice %arg5[%add3A_281, %dma_start3A_282] : memref<160x125xi32, #tpu.memory_space<vmem>> -> memref<1x125xi32, #tpu.memory_space<vmem>>
        %dma_start3A_284 = tpu.memref_squeeze %dma_start3A_283 : memref<1x125xi32, #tpu.memory_space<vmem>> -> memref<125xi32, #tpu.memory_space<vmem>>
        %dma_start3A_285 = arith.constant 0 : i32
        %dma_start3A_286 = arith.constant 0 : i32
        %dma_start3A_287 = tpu.memref_slice %arg2[%arg0, %dma_start3A_285, %dma_start3A_286] : memref<2x10240x64xbf16, #tpu.memory_space<hbm>> -> memref<1x10240x64xbf16, #tpu.memory_space<hbm>>
        %dma_start3A_288 = tpu.memref_squeeze %dma_start3A_287 : memref<1x10240x64xbf16, #tpu.memory_space<hbm>> -> memref<10240x64xbf16, #tpu.memory_space<hbm>>
        %dma_start3A_289 = arith.constant 0 : i32
        %dma_start3A_290 = arith.constant 0 : i32
        %dma_start3A_291 = tpu.memref_slice %dma_start3A_288[%dma_start3A_289, %dma_start3A_290] : memref<10240x64xbf16, #tpu.memory_space<hbm>> -> memref<10240x64xbf16, #tpu.memory_space<hbm>>
        tpu.enqueue_indirect_dma source(%dma_start3A_291 : memref<10240x64xbf16, #tpu.memory_space<hbm>>) target(%arg14 : memref<125x64xbf16, #tpu.memory_space<vmem>>) offsets(%dma_start3A_284 : memref<125xi32, #tpu.memory_space<vmem>>) semaphore(%arg22 : memref<!tpu.dma_semaphore, #tpu.memory_space<semaphore_mem>>)
      } else {
      }
    }
    %scan3A_111 = arith.constant 20 : i32
    %barrier3A_112 = arith.constant 0 : index
    tpu.barrier barrier_id(%barrier3A_112)
    %mul3A_113 = arith.constant 64 : i32
    %mul3A_114 = arith.muli %arg0, %mul3A_113 : i32
    "tpu.region"() ({
      %run_scoped3A_115 = tpu.sem_alloc : memref<!tpu.dma_semaphore, #tpu.memory_space<semaphore_mem>>
      %dma_start3A_116 = tpu.memref_slice %arg4[%mul3A_0, %mul3A_114] : memref<10240x128xbf16, #tpu.memory_space<hbm>> -> memref<640x64xbf16, #tpu.memory_space<hbm>>
      %dma_start3A_117 = arith.constant 0 : i32
      %dma_start3A_118 = tpu.memref_slice %arg23[%mul3A_0, %dma_start3A_117] : memref<10240x64xbf16, #tpu.memory_space<vmem_shared>> -> memref<640x64xbf16, #tpu.memory_space<vmem_shared>>
      tpu.enqueue_dma source(%dma_start3A_118 : memref<640x64xbf16, #tpu.memory_space<vmem_shared>>) target(%dma_start3A_116 : memref<640x64xbf16, #tpu.memory_space<hbm>>) target_semaphore(%run_scoped3A_115 : memref<!tpu.dma_semaphore, #tpu.memory_space<semaphore_mem>>)
      %dma_wait3A = tpu.memref_slice %arg4[%mul3A_0, %mul3A_114] : memref<10240x128xbf16, #tpu.memory_space<hbm>> -> memref<640x64xbf16, #tpu.memory_space<hbm>>
      %dma_wait3A_119 = arith.constant 0 : i32
      %dma_wait3A_120 = tpu.memref_slice %arg23[%mul3A_0, %dma_wait3A_119] : memref<10240x64xbf16, #tpu.memory_space<vmem_shared>> -> memref<640x64xbf16, #tpu.memory_space<vmem_shared>>
      tpu.wait_dma2 semaphore(%run_scoped3A_115 : memref<!tpu.dma_semaphore, #tpu.memory_space<semaphore_mem>>) src(%dma_wait3A_120 : memref<640x64xbf16, #tpu.memory_space<vmem_shared>>) dst(%dma_wait3A : memref<640x64xbf16, #tpu.memory_space<hbm>>)
      tpu.yield
    }) : () -> ()
    return
  }
}

#map = affine_map<(d0, d1) -> (0, 0, 0, 0)>
#map1 = affine_map<(d0, d1) -> (0, 0, 0)>
module attributes {stable_mosaic.version = 14 : i64} {
  func.func @_sc_degree_body(%arg0: i32, %arg1: i32, %arg2: memref<2x16x160x125xi32, #tpu.memory_space<hbm>>, %arg3: memref<2x80x128xf32, #tpu.memory_space<hbm>>, %arg4: memref<80x125xi32, #tpu.memory_space<vmem>>, %arg5: memref<80x128xf32, #tpu.memory_space<vmem>>, %arg6: memref<80xi32, #tpu.memory_space<vmem>>, %arg7: memref<80x128xf32, #tpu.memory_space<vmem_shared>>) attributes {dimension_semantics = [#tpu.dimension_semantics<core_parallel>, #tpu.dimension_semantics<subcore_parallel>], iteration_bounds = array<i64: 2, 16>, scalar_prefetch = 0 : i64, scratch_operands = 4 : i64, tpu.core_type = #tpu.core_type<sc_vector_subcore>, window_params = [{transform_indices = #map}, {transform_indices = #map1}]} {
    %broadcast_in_dim3A = arith.constant 0.000000e+00 : f32
    %broadcast_in_dim3A_0 = vector.broadcast %broadcast_in_dim3A : f32 to vector<16xf32>
    %broadcast_in_dim3A_1 = arith.constant 1.000000e+00 : f32
    %broadcast_in_dim3A_2 = vector.broadcast %broadcast_in_dim3A_1 : f32 to vector<16xf32>
    %iota3A = tpu.iota {dimensions = array<i32: 0>} : vector<16xi32>
    %scan3A = arith.constant 0 : i32
    %scan3A_3 = arith.constant 0 : i32
    %scan3A_4 = arith.constant 80 : i32
    %scan3A_5 = arith.addi %scan3A_3, %scan3A_4 : i32
    %scan3A_6 = arith.constant 1 : i32
    scf.for %scan3A_47 = %scan3A_3 to %scan3A_5 step %scan3A_6  : i32 {
      %swap3A_48 = arith.index_cast %scan3A_47 : i32 to index
      %swap3A_49 = arith.constant 0 : index
      %swap3A_50 = tpu.vector_load %arg5[%swap3A_48, %swap3A_49] {strides = array<i32>} : memref<80x128xf32, #tpu.memory_space<vmem>>, vector<16xf32>,
      tpu.vector_store %arg5[%swap3A_48, %swap3A_49], %broadcast_in_dim3A_0 {strides = array<i32>} : memref<80x128xf32, #tpu.memory_space<vmem>>, vector<16xf32>,
      %swap3A_51 = arith.index_cast %scan3A_47 : i32 to index
      %swap3A_52 = arith.constant 16 : index
      %swap3A_53 = tpu.vector_load %arg5[%swap3A_51, %swap3A_52] {strides = array<i32>} : memref<80x128xf32, #tpu.memory_space<vmem>>, vector<16xf32>,
      tpu.vector_store %arg5[%swap3A_51, %swap3A_52], %broadcast_in_dim3A_0 {strides = array<i32>} : memref<80x128xf32, #tpu.memory_space<vmem>>, vector<16xf32>,
      %swap3A_54 = arith.index_cast %scan3A_47 : i32 to index
      %swap3A_55 = arith.constant 32 : index
      %swap3A_56 = tpu.vector_load %arg5[%swap3A_54, %swap3A_55] {strides = array<i32>} : memref<80x128xf32, #tpu.memory_space<vmem>>, vector<16xf32>,
      tpu.vector_store %arg5[%swap3A_54, %swap3A_55], %broadcast_in_dim3A_0 {strides = array<i32>} : memref<80x128xf32, #tpu.memory_space<vmem>>, vector<16xf32>,
      %swap3A_57 = arith.index_cast %scan3A_47 : i32 to index
      %swap3A_58 = arith.constant 48 : index
      %swap3A_59 = tpu.vector_load %arg5[%swap3A_57, %swap3A_58] {strides = array<i32>} : memref<80x128xf32, #tpu.memory_space<vmem>>, vector<16xf32>,
      tpu.vector_store %arg5[%swap3A_57, %swap3A_58], %broadcast_in_dim3A_0 {strides = array<i32>} : memref<80x128xf32, #tpu.memory_space<vmem>>, vector<16xf32>,
      %swap3A_60 = arith.index_cast %scan3A_47 : i32 to index
      %swap3A_61 = arith.constant 64 : index
      %swap3A_62 = tpu.vector_load %arg5[%swap3A_60, %swap3A_61] {strides = array<i32>} : memref<80x128xf32, #tpu.memory_space<vmem>>, vector<16xf32>,
      tpu.vector_store %arg5[%swap3A_60, %swap3A_61], %broadcast_in_dim3A_0 {strides = array<i32>} : memref<80x128xf32, #tpu.memory_space<vmem>>, vector<16xf32>,
      %swap3A_63 = arith.index_cast %scan3A_47 : i32 to index
      %swap3A_64 = arith.constant 80 : index
      %swap3A_65 = tpu.vector_load %arg5[%swap3A_63, %swap3A_64] {strides = array<i32>} : memref<80x128xf32, #tpu.memory_space<vmem>>, vector<16xf32>,
      tpu.vector_store %arg5[%swap3A_63, %swap3A_64], %broadcast_in_dim3A_0 {strides = array<i32>} : memref<80x128xf32, #tpu.memory_space<vmem>>, vector<16xf32>,
      %swap3A_66 = arith.index_cast %scan3A_47 : i32 to index
      %swap3A_67 = arith.constant 96 : index
      %swap3A_68 = tpu.vector_load %arg5[%swap3A_66, %swap3A_67] {strides = array<i32>} : memref<80x128xf32, #tpu.memory_space<vmem>>, vector<16xf32>,
      tpu.vector_store %arg5[%swap3A_66, %swap3A_67], %broadcast_in_dim3A_0 {strides = array<i32>} : memref<80x128xf32, #tpu.memory_space<vmem>>, vector<16xf32>,
      %swap3A_69 = arith.index_cast %scan3A_47 : i32 to index
      %swap3A_70 = arith.constant 112 : index
      %swap3A_71 = tpu.vector_load %arg5[%swap3A_69, %swap3A_70] {strides = array<i32>} : memref<80x128xf32, #tpu.memory_space<vmem>>, vector<16xf32>,
      tpu.vector_store %arg5[%swap3A_69, %swap3A_70], %broadcast_in_dim3A_0 {strides = array<i32>} : memref<80x128xf32, #tpu.memory_space<vmem>>, vector<16xf32>,
    }
    %scan3A_7 = arith.constant 80 : i32
    %add3A = arith.constant 0 : i32
    %add3A_8 = vector.broadcast %add3A : i32 to vector<16xi32>
    %add3A_9 = arith.addi %iota3A, %add3A_8 : vector<16xi32>
    %swap3A = arith.constant 0 : index
    %swap3A_10 = tpu.vector_load %arg6[%swap3A] {strides = array<i32>} : memref<80xi32, #tpu.memory_space<vmem>>, vector<16xi32>,
    tpu.vector_store %arg6[%swap3A], %add3A_9 {strides = array<i32>} : memref<80xi32, #tpu.memory_space<vmem>>, vector<16xi32>,
    %add3A_11 = arith.constant 16 : i32
    %add3A_12 = vector.broadcast %add3A_11 : i32 to vector<16xi32>
    %add3A_13 = arith.addi %iota3A, %add3A_12 : vector<16xi32>
    %swap3A_14 = arith.constant 16 : index
    %swap3A_15 = tpu.vector_load %arg6[%swap3A_14] {strides = array<i32>} : memref<80xi32, #tpu.memory_space<vmem>>, vector<16xi32>,
    tpu.vector_store %arg6[%swap3A_14], %add3A_13 {strides = array<i32>} : memref<80xi32, #tpu.memory_space<vmem>>, vector<16xi32>,
    %add3A_16 = arith.constant 32 : i32
    %add3A_17 = vector.broadcast %add3A_16 : i32 to vector<16xi32>
    %add3A_18 = arith.addi %iota3A, %add3A_17 : vector<16xi32>
    %swap3A_19 = arith.constant 32 : index
    %swap3A_20 = tpu.vector_load %arg6[%swap3A_19] {strides = array<i32>} : memref<80xi32, #tpu.memory_space<vmem>>, vector<16xi32>,
    tpu.vector_store %arg6[%swap3A_19], %add3A_18 {strides = array<i32>} : memref<80xi32, #tpu.memory_space<vmem>>, vector<16xi32>,
    %add3A_21 = arith.constant 48 : i32
    %add3A_22 = vector.broadcast %add3A_21 : i32 to vector<16xi32>
    %add3A_23 = arith.addi %iota3A, %add3A_22 : vector<16xi32>
    %swap3A_24 = arith.constant 48 : index
    %swap3A_25 = tpu.vector_load %arg6[%swap3A_24] {strides = array<i32>} : memref<80xi32, #tpu.memory_space<vmem>>, vector<16xi32>,
    tpu.vector_store %arg6[%swap3A_24], %add3A_23 {strides = array<i32>} : memref<80xi32, #tpu.memory_space<vmem>>, vector<16xi32>,
    %add3A_26 = arith.constant 64 : i32
    %add3A_27 = vector.broadcast %add3A_26 : i32 to vector<16xi32>
    %add3A_28 = arith.addi %iota3A, %add3A_27 : vector<16xi32>
    %swap3A_29 = arith.constant 64 : index
    %swap3A_30 = tpu.vector_load %arg6[%swap3A_29] {strides = array<i32>} : memref<80xi32, #tpu.memory_space<vmem>>, vector<16xi32>,
    tpu.vector_store %arg6[%swap3A_29], %add3A_28 {strides = array<i32>} : memref<80xi32, #tpu.memory_space<vmem>>, vector<16xi32>,
    %mul3A = arith.constant 5 : i32
    %mul3A_31 = arith.muli %arg1, %mul3A : i32
    "tpu.region"() ({
      %run_scoped3A_47 = tpu.sem_alloc : memref<!tpu.dma_semaphore, #tpu.memory_space<semaphore_mem>>
      %dma_start3A = arith.constant 0 : i32
      %dma_start3A_48 = arith.constant 0 : i32
      %dma_start3A_49 = tpu.memref_slice %arg5[%dma_start3A, %dma_start3A_48] : memref<80x128xf32, #tpu.memory_space<vmem>> -> memref<5x128xf32, #tpu.memory_space<vmem>>
      %dma_start3A_50 = arith.constant 0 : i32
      %dma_start3A_51 = tpu.memref_slice %arg7[%mul3A_31, %dma_start3A_50] : memref<80x128xf32, #tpu.memory_space<vmem_shared>> -> memref<5x128xf32, #tpu.memory_space<vmem_shared>>
      %dma_start3A_52 = arith.constant 0 : i32
      %dma_start3A_53 = tpu.memref_slice %arg7[%mul3A_31, %dma_start3A_52] : memref<80x128xf32, #tpu.memory_space<vmem_shared>> -> memref<5x128xf32, #tpu.memory_space<vmem_shared>>
      %dma_start3A_54 = arith.constant 0 : i32
      %dma_start3A_55 = arith.constant 0 : i32
      %dma_start3A_56 = tpu.memref_slice %arg5[%dma_start3A_54, %dma_start3A_55] : memref<80x128xf32, #tpu.memory_space<vmem>> -> memref<5x128xf32, #tpu.memory_space<vmem>>
      tpu.enqueue_dma source(%dma_start3A_56 : memref<5x128xf32, #tpu.memory_space<vmem>>) target(%dma_start3A_53 : memref<5x128xf32, #tpu.memory_space<vmem_shared>>) target_semaphore(%run_scoped3A_47 : memref<!tpu.dma_semaphore, #tpu.memory_space<semaphore_mem>>)
      %dma_wait3A = arith.constant 0 : i32
      %dma_wait3A_57 = arith.constant 0 : i32
      %dma_wait3A_58 = tpu.memref_slice %arg5[%dma_wait3A, %dma_wait3A_57] : memref<80x128xf32, #tpu.memory_space<vmem>> -> memref<5x128xf32, #tpu.memory_space<vmem>>
      %dma_wait3A_59 = arith.constant 0 : i32
      %dma_wait3A_60 = tpu.memref_slice %arg7[%mul3A_31, %dma_wait3A_59] : memref<80x128xf32, #tpu.memory_space<vmem_shared>> -> memref<5x128xf32, #tpu.memory_space<vmem_shared>>
      %dma_wait3A_61 = arith.constant 0 : i32
      %dma_wait3A_62 = tpu.memref_slice %arg7[%mul3A_31, %dma_wait3A_61] : memref<80x128xf32, #tpu.memory_space<vmem_shared>> -> memref<5x128xf32, #tpu.memory_space<vmem_shared>>
      %dma_wait3A_63 = arith.constant 0 : i32
      %dma_wait3A_64 = arith.constant 0 : i32
      %dma_wait3A_65 = tpu.memref_slice %arg5[%dma_wait3A_63, %dma_wait3A_64] : memref<80x128xf32, #tpu.memory_space<vmem>> -> memref<5x128xf32, #tpu.memory_space<vmem>>
      tpu.wait_dma2 semaphore(%run_scoped3A_47 : memref<!tpu.dma_semaphore, #tpu.memory_space<semaphore_mem>>) src(%dma_wait3A_65 : memref<5x128xf32, #tpu.memory_space<vmem>>) dst(%dma_wait3A_62 : memref<5x128xf32, #tpu.memory_space<vmem_shared>>)
      tpu.yield
    }) : () -> ()
    %mul3A_32 = arith.constant 80 : i32
    %mul3A_33 = arith.muli %arg0, %mul3A_32 : i32
    %run_scoped3A = arith.constant 1 : i32
    "tpu.region"() ({
      %run_scoped3A_47 = tpu.sem_alloc : memref<!tpu.dma_semaphore, #tpu.memory_space<semaphore_mem>>
      %dma_start3A = arith.constant 0 : i32
      %dma_start3A_48 = tpu.memref_slice %arg2[%run_scoped3A, %arg1, %mul3A_33, %dma_start3A] : memref<2x16x160x125xi32, #tpu.memory_space<hbm>> -> memref<1x1x80x125xi32, #tpu.memory_space<hbm>>
      %dma_start3A_49 = tpu.memref_squeeze %dma_start3A_48 : memref<1x1x80x125xi32, #tpu.memory_space<hbm>> -> memref<80x125xi32, #tpu.memory_space<hbm>>
      %dma_start3A_50 = arith.constant 0 : i32
      %dma_start3A_51 = tpu.memref_slice %arg2[%run_scoped3A, %arg1, %mul3A_33, %dma_start3A_50] : memref<2x16x160x125xi32, #tpu.memory_space<hbm>> -> memref<1x1x80x125xi32, #tpu.memory_space<hbm>>
      %dma_start3A_52 = tpu.memref_squeeze %dma_start3A_51 : memref<1x1x80x125xi32, #tpu.memory_space<hbm>> -> memref<80x125xi32, #tpu.memory_space<hbm>>
      tpu.enqueue_dma source(%dma_start3A_52 : memref<80x125xi32, #tpu.memory_space<hbm>>) target(%arg4 : memref<80x125xi32, #tpu.memory_space<vmem>>) target_semaphore(%run_scoped3A_47 : memref<!tpu.dma_semaphore, #tpu.memory_space<semaphore_mem>>)
      %dma_wait3A = arith.constant 0 : i32
      %dma_wait3A_53 = tpu.memref_slice %arg2[%run_scoped3A, %arg1, %mul3A_33, %dma_wait3A] : memref<2x16x160x125xi32, #tpu.memory_space<hbm>> -> memref<1x1x80x125xi32, #tpu.memory_space<hbm>>
      %dma_wait3A_54 = tpu.memref_squeeze %dma_wait3A_53 : memref<1x1x80x125xi32, #tpu.memory_space<hbm>> -> memref<80x125xi32, #tpu.memory_space<hbm>>
      %dma_wait3A_55 = arith.constant 0 : i32
      %dma_wait3A_56 = tpu.memref_slice %arg2[%run_scoped3A, %arg1, %mul3A_33, %dma_wait3A_55] : memref<2x16x160x125xi32, #tpu.memory_space<hbm>> -> memref<1x1x80x125xi32, #tpu.memory_space<hbm>>
      %dma_wait3A_57 = tpu.memref_squeeze %dma_wait3A_56 : memref<1x1x80x125xi32, #tpu.memory_space<hbm>> -> memref<80x125xi32, #tpu.memory_space<hbm>>
      tpu.wait_dma2 semaphore(%run_scoped3A_47 : memref<!tpu.dma_semaphore, #tpu.memory_space<semaphore_mem>>) src(%dma_wait3A_57 : memref<80x125xi32, #tpu.memory_space<hbm>>) dst(%arg4 : memref<80x125xi32, #tpu.memory_space<vmem>>)
      tpu.yield
    }) : () -> ()
    %ge3A = arith.constant 3 : i32
    %ge3A_34 = vector.broadcast %ge3A : i32 to vector<16xi32>
    %ge3A_35 = arith.cmpi sge, %iota3A, %ge3A_34 : vector<16xi32>
    %scan3A_36 = arith.constant 0 : i32
    %scan3A_37 = arith.constant 0 : i32
    %scan3A_38 = arith.constant 80 : i32
    %scan3A_39 = arith.addi %scan3A_37, %scan3A_38 : i32
    %scan3A_40 = arith.constant 1 : i32
    scf.for %scan3A_47 = %scan3A_37 to %scan3A_39 step %scan3A_40  : i32 {
      %get3A = arith.index_cast %scan3A_47 : i32 to index
      %get3A_48 = arith.constant 0 : index
      %get3A_49 = tpu.vector_load %arg4[%get3A, %get3A_48] {strides = array<i32>} : memref<80x125xi32, #tpu.memory_space<vmem>>, vector<16xi32>,
      %shift_right_arithmetic3A = arith.constant 7 : i32
      %shift_right_arithmetic3A_50 = vector.broadcast %shift_right_arithmetic3A : i32 to vector<16xi32>
      %shift_right_arithmetic3A_51 = arith.shrsi %get3A_49, %shift_right_arithmetic3A_50 : vector<16xi32>
      %and3A = arith.constant 127 : i32
      %and3A_52 = vector.broadcast %and3A : i32 to vector<16xi32>
      %and3A_53 = arith.andi %get3A_49, %and3A_52 : vector<16xi32>
      tpu.vector_store_idx %arg5[%shift_right_arithmetic3A_51, %and3A_53], %broadcast_in_dim3A_2 {add = true} : memref<80x128xf32, #tpu.memory_space<vmem>>[vector<16xi32>, vector<16xi32>], vector<16xf32>,
      %get3A_54 = arith.index_cast %scan3A_47 : i32 to index
      %get3A_55 = arith.constant 16 : index
      %get3A_56 = tpu.vector_load %arg4[%get3A_54, %get3A_55] {strides = array<i32>} : memref<80x125xi32, #tpu.memory_space<vmem>>, vector<16xi32>,
      %shift_right_arithmetic3A_57 = arith.constant 7 : i32
      %shift_right_arithmetic3A_58 = vector.broadcast %shift_right_arithmetic3A_57 : i32 to vector<16xi32>
      %shift_right_arithmetic3A_59 = arith.shrsi %get3A_56, %shift_right_arithmetic3A_58 : vector<16xi32>
      %and3A_60 = arith.constant 127 : i32
      %and3A_61 = vector.broadcast %and3A_60 : i32 to vector<16xi32>
      %and3A_62 = arith.andi %get3A_56, %and3A_61 : vector<16xi32>
      tpu.vector_store_idx %arg5[%shift_right_arithmetic3A_59, %and3A_62], %broadcast_in_dim3A_2 {add = true} : memref<80x128xf32, #tpu.memory_space<vmem>>[vector<16xi32>, vector<16xi32>], vector<16xf32>,
      %get3A_63 = arith.index_cast %scan3A_47 : i32 to index
      %get3A_64 = arith.constant 32 : index
      %get3A_65 = tpu.vector_load %arg4[%get3A_63, %get3A_64] {strides = array<i32>} : memref<80x125xi32, #tpu.memory_space<vmem>>, vector<16xi32>,
      %shift_right_arithmetic3A_66 = arith.constant 7 : i32
      %shift_right_arithmetic3A_67 = vector.broadcast %shift_right_arithmetic3A_66 : i32 to vector<16xi32>
      %shift_right_arithmetic3A_68 = arith.shrsi %get3A_65, %shift_right_arithmetic3A_67 : vector<16xi32>
      %and3A_69 = arith.constant 127 : i32
      %and3A_70 = vector.broadcast %and3A_69 : i32 to vector<16xi32>
      %and3A_71 = arith.andi %get3A_65, %and3A_70 : vector<16xi32>
      tpu.vector_store_idx %arg5[%shift_right_arithmetic3A_68, %and3A_71], %broadcast_in_dim3A_2 {add = true} : memref<80x128xf32, #tpu.memory_space<vmem>>[vector<16xi32>, vector<16xi32>], vector<16xf32>,
      %get3A_72 = arith.index_cast %scan3A_47 : i32 to index
      %get3A_73 = arith.constant 48 : index
      %get3A_74 = tpu.vector_load %arg4[%get3A_72, %get3A_73] {strides = array<i32>} : memref<80x125xi32, #tpu.memory_space<vmem>>, vector<16xi32>,
      %shift_right_arithmetic3A_75 = arith.constant 7 : i32
      %shift_right_arithmetic3A_76 = vector.broadcast %shift_right_arithmetic3A_75 : i32 to vector<16xi32>
      %shift_right_arithmetic3A_77 = arith.shrsi %get3A_74, %shift_right_arithmetic3A_76 : vector<16xi32>
      %and3A_78 = arith.constant 127 : i32
      %and3A_79 = vector.broadcast %and3A_78 : i32 to vector<16xi32>
      %and3A_80 = arith.andi %get3A_74, %and3A_79 : vector<16xi32>
      tpu.vector_store_idx %arg5[%shift_right_arithmetic3A_77, %and3A_80], %broadcast_in_dim3A_2 {add = true} : memref<80x128xf32, #tpu.memory_space<vmem>>[vector<16xi32>, vector<16xi32>], vector<16xf32>,
      %get3A_81 = arith.index_cast %scan3A_47 : i32 to index
      %get3A_82 = arith.constant 64 : index
      %get3A_83 = tpu.vector_load %arg4[%get3A_81, %get3A_82] {strides = array<i32>} : memref<80x125xi32, #tpu.memory_space<vmem>>, vector<16xi32>,
      %shift_right_arithmetic3A_84 = arith.constant 7 : i32
      %shift_right_arithmetic3A_85 = vector.broadcast %shift_right_arithmetic3A_84 : i32 to vector<16xi32>
      %shift_right_arithmetic3A_86 = arith.shrsi %get3A_83, %shift_right_arithmetic3A_85 : vector<16xi32>
      %and3A_87 = arith.constant 127 : i32
      %and3A_88 = vector.broadcast %and3A_87 : i32 to vector<16xi32>
      %and3A_89 = arith.andi %get3A_83, %and3A_88 : vector<16xi32>
      tpu.vector_store_idx %arg5[%shift_right_arithmetic3A_86, %and3A_89], %broadcast_in_dim3A_2 {add = true} : memref<80x128xf32, #tpu.memory_space<vmem>>[vector<16xi32>, vector<16xi32>], vector<16xf32>,
      %get3A_90 = arith.index_cast %scan3A_47 : i32 to index
      %get3A_91 = arith.constant 80 : index
      %get3A_92 = tpu.vector_load %arg4[%get3A_90, %get3A_91] {strides = array<i32>} : memref<80x125xi32, #tpu.memory_space<vmem>>, vector<16xi32>,
      %shift_right_arithmetic3A_93 = arith.constant 7 : i32
      %shift_right_arithmetic3A_94 = vector.broadcast %shift_right_arithmetic3A_93 : i32 to vector<16xi32>
      %shift_right_arithmetic3A_95 = arith.shrsi %get3A_92, %shift_right_arithmetic3A_94 : vector<16xi32>
      %and3A_96 = arith.constant 127 : i32
      %and3A_97 = vector.broadcast %and3A_96 : i32 to vector<16xi32>
      %and3A_98 = arith.andi %get3A_92, %and3A_97 : vector<16xi32>
      tpu.vector_store_idx %arg5[%shift_right_arithmetic3A_95, %and3A_98], %broadcast_in_dim3A_2 {add = true} : memref<80x128xf32, #tpu.memory_space<vmem>>[vector<16xi32>, vector<16xi32>], vector<16xf32>,
      %get3A_99 = arith.index_cast %scan3A_47 : i32 to index
      %get3A_100 = arith.constant 96 : index
      %get3A_101 = tpu.vector_load %arg4[%get3A_99, %get3A_100] {strides = array<i32>} : memref<80x125xi32, #tpu.memory_space<vmem>>, vector<16xi32>,
      %shift_right_arithmetic3A_102 = arith.constant 7 : i32
      %shift_right_arithmetic3A_103 = vector.broadcast %shift_right_arithmetic3A_102 : i32 to vector<16xi32>
      %shift_right_arithmetic3A_104 = arith.shrsi %get3A_101, %shift_right_arithmetic3A_103 : vector<16xi32>
      %and3A_105 = arith.constant 127 : i32
      %and3A_106 = vector.broadcast %and3A_105 : i32 to vector<16xi32>
      %and3A_107 = arith.andi %get3A_101, %and3A_106 : vector<16xi32>
      tpu.vector_store_idx %arg5[%shift_right_arithmetic3A_104, %and3A_107], %broadcast_in_dim3A_2 {add = true} : memref<80x128xf32, #tpu.memory_space<vmem>>[vector<16xi32>, vector<16xi32>], vector<16xf32>,
      %get3A_108 = arith.index_cast %scan3A_47 : i32 to index
      %get3A_109 = arith.constant 109 : index
      %get3A_110 = tpu.vector_load %arg4[%get3A_108, %get3A_109] {strides = array<i32>} : memref<80x125xi32, #tpu.memory_space<vmem>>, vector<16xi32>,
      %shift_right_arithmetic3A_111 = arith.constant 7 : i32
      %shift_right_arithmetic3A_112 = vector.broadcast %shift_right_arithmetic3A_111 : i32 to vector<16xi32>
      %shift_right_arithmetic3A_113 = arith.shrsi %get3A_110, %shift_right_arithmetic3A_112 : vector<16xi32>
      %and3A_114 = arith.constant 127 : i32
      %and3A_115 = vector.broadcast %and3A_114 : i32 to vector<16xi32>
      %and3A_116 = arith.andi %get3A_110, %and3A_115 : vector<16xi32>
      tpu.vector_store_idx %arg5[%shift_right_arithmetic3A_113, %and3A_116], %broadcast_in_dim3A_2 masked %ge3A_35 {add = true} : memref<80x128xf32, #tpu.memory_space<vmem>>[vector<16xi32>, vector<16xi32>], vector<16xf32>, vector<16xi1>
    }
    %scan3A_41 = arith.constant 80 : i32
    %barrier3A = arith.constant 0 : index
    tpu.barrier barrier_id(%barrier3A)
    "tpu.region"() ({
      %run_scoped3A_47 = tpu.sem_alloc : memref<!tpu.dma_semaphore, #tpu.memory_space<semaphore_mem>>
      %dma_start3A = arith.constant 0 : i32
      %dma_start3A_48 = arith.constant 0 : i32
      %dma_start3A_49 = tpu.memref_slice %arg7[%dma_start3A, %dma_start3A_48] : memref<80x128xf32, #tpu.memory_space<vmem_shared>> -> memref<80x128xf32, #tpu.memory_space<vmem_shared>>
      tpu.enqueue_indirect_dma source(%arg5 : memref<80x128xf32, #tpu.memory_space<vmem>>) target(%dma_start3A_49 : memref<80x128xf32, #tpu.memory_space<vmem_shared>>) offsets(%arg6 : memref<80xi32, #tpu.memory_space<vmem>>) semaphore(%run_scoped3A_47 : memref<!tpu.dma_semaphore, #tpu.memory_space<semaphore_mem>>) {add = true}
      %dma_wait3A = arith.constant 0 : i32
      %dma_wait3A_50 = arith.constant 0 : i32
      %dma_wait3A_51 = tpu.memref_slice %arg7[%dma_wait3A, %dma_wait3A_50] : memref<80x128xf32, #tpu.memory_space<vmem_shared>> -> memref<80x128xf32, #tpu.memory_space<vmem_shared>>
      tpu.wait_indirect_dma semaphore(%run_scoped3A_47 : memref<!tpu.dma_semaphore, #tpu.memory_space<semaphore_mem>>) src(%arg5 : memref<80x128xf32, #tpu.memory_space<vmem>>) dst(%dma_wait3A_51 : memref<80x128xf32, #tpu.memory_space<vmem_shared>>)
      tpu.yield
    }) : () -> ()
    %barrier3A_42 = arith.constant 0 : index
    tpu.barrier barrier_id(%barrier3A_42)
    %mul3A_43 = arith.constant 5 : i32
    %mul3A_44 = arith.muli %arg1, %mul3A_43 : i32
    %mul3A_45 = arith.constant 5 : i32
    %mul3A_46 = arith.muli %arg1, %mul3A_45 : i32
    "tpu.region"() ({
      %run_scoped3A_47 = tpu.sem_alloc : memref<!tpu.dma_semaphore, #tpu.memory_space<semaphore_mem>>
      %dma_start3A = arith.constant 0 : i32
      %dma_start3A_48 = tpu.memref_slice %arg3[%arg0, %mul3A_46, %dma_start3A] : memref<2x80x128xf32, #tpu.memory_space<hbm>> -> memref<1x5x128xf32, #tpu.memory_space<hbm>>
      %dma_start3A_49 = tpu.memref_squeeze %dma_start3A_48 : memref<1x5x128xf32, #tpu.memory_space<hbm>> -> memref<5x128xf32, #tpu.memory_space<hbm>>
      %dma_start3A_50 = arith.constant 0 : i32
      %dma_start3A_51 = tpu.memref_slice %arg7[%mul3A_44, %dma_start3A_50] : memref<80x128xf32, #tpu.memory_space<vmem_shared>> -> memref<5x128xf32, #tpu.memory_space<vmem_shared>>
      tpu.enqueue_dma source(%dma_start3A_51 : memref<5x128xf32, #tpu.memory_space<vmem_shared>>) target(%dma_start3A_49 : memref<5x128xf32, #tpu.memory_space<hbm>>) target_semaphore(%run_scoped3A_47 : memref<!tpu.dma_semaphore, #tpu.memory_space<semaphore_mem>>)
      %dma_wait3A = arith.constant 0 : i32
      %dma_wait3A_52 = tpu.memref_slice %arg3[%arg0, %mul3A_46, %dma_wait3A] : memref<2x80x128xf32, #tpu.memory_space<hbm>> -> memref<1x5x128xf32, #tpu.memory_space<hbm>>
      %dma_wait3A_53 = tpu.memref_squeeze %dma_wait3A_52 : memref<1x5x128xf32, #tpu.memory_space<hbm>> -> memref<5x128xf32, #tpu.memory_space<hbm>>
      %dma_wait3A_54 = arith.constant 0 : i32
      %dma_wait3A_55 = tpu.memref_slice %arg7[%mul3A_44, %dma_wait3A_54] : memref<80x128xf32, #tpu.memory_space<vmem_shared>> -> memref<5x128xf32, #tpu.memory_space<vmem_shared>>
      tpu.wait_dma2 semaphore(%run_scoped3A_47 : memref<!tpu.dma_semaphore, #tpu.memory_space<semaphore_mem>>) src(%dma_wait3A_55 : memref<5x128xf32, #tpu.memory_space<vmem_shared>>) dst(%dma_wait3A_53 : memref<5x128xf32, #tpu.memory_space<hbm>>)
      tpu.yield
    }) : () -> ()
    return
  }
}

#map = affine_map<(d0, d1) -> (0, 0, 0)>
#map1 = affine_map<(d0, d1) -> (0, 0, 0, 0)>
#map2 = affine_map<(d0, d1) -> (0, 0)>
module attributes {stable_mosaic.version = 14 : i64} {
  func.func @_sc_edge_body(%arg0: i32, %arg1: i32, %arg2: memref<2x10240x64xbf16, #tpu.memory_space<hbm>>, %arg3: memref<2x16x160x125xi32, #tpu.memory_space<hbm>>, %arg4: memref<10240x128xbf16, #tpu.memory_space<hbm>>, %arg5: memref<160x125xi32, #tpu.memory_space<vmem>>, %arg6: memref<160x125xi32, #tpu.memory_space<vmem>>, %arg7: memref<125x64xbf16, #tpu.memory_space<vmem>>, %arg8: memref<125x64xbf16, #tpu.memory_space<vmem>>, %arg9: memref<125x64xbf16, #tpu.memory_space<vmem>>, %arg10: memref<125x64xbf16, #tpu.memory_space<vmem>>, %arg11: memref<125x64xbf16, #tpu.memory_space<vmem>>, %arg12: memref<125x64xbf16, #tpu.memory_space<vmem>>, %arg13: memref<125x64xbf16, #tpu.memory_space<vmem>>, %arg14: memref<125x64xbf16, #tpu.memory_space<vmem>>, %arg15: memref<!tpu.dma_semaphore, #tpu.memory_space<semaphore_mem>>, %arg16: memref<!tpu.dma_semaphore, #tpu.memory_space<semaphore_mem>>, %arg17: memref<!tpu.dma_semaphore, #tpu.memory_space<semaphore_mem>>, %arg18: memref<!tpu.dma_semaphore, #tpu.memory_space<semaphore_mem>>, %arg19: memref<!tpu.dma_semaphore, #tpu.memory_space<semaphore_mem>>, %arg20: memref<!tpu.dma_semaphore, #tpu.memory_space<semaphore_mem>>, %arg21: memref<!tpu.dma_semaphore, #tpu.memory_space<semaphore_mem>>, %arg22: memref<!tpu.dma_semaphore, #tpu.memory_space<semaphore_mem>>, %arg23: memref<10240x64xbf16, #tpu.memory_space<vmem_shared>>) attributes {dimension_semantics = [#tpu.dimension_semantics<core_parallel>, #tpu.dimension_semantics<subcore_parallel>], iteration_bounds = array<i64: 2, 16>, scalar_prefetch = 0 : i64, scratch_operands = 19 : i64, tpu.core_type = #tpu.core_type<sc_vector_subcore>, window_params = [{transform_indices = #map}, {transform_indices = #map1}, {transform_indices = #map2}]} {
    %mul3A = arith.constant 640 : i32
    %mul3A_0 = arith.muli %arg1, %mul3A : i32
    %broadcast_in_dim3A = arith.constant 0.000000e+00 : bf16
    %broadcast_in_dim3A_1 = vector.broadcast %broadcast_in_dim3A : bf16 to vector<32xbf16>
    %scan3A = arith.constant 0 : i32
    %scan3A_2 = arith.constant 0 : i32
    %scan3A_3 = arith.constant 125 : i32
    %scan3A_4 = arith.addi %scan3A_2, %scan3A_3 : i32
    %scan3A_5 = arith.constant 1 : i32
    scf.for %scan3A_115 = %scan3A_2 to %scan3A_4 step %scan3A_5  : i32 {
      %swap3A = arith.index_cast %scan3A_115 : i32 to index
      %swap3A_116 = arith.constant 0 : index
      %swap3A_117 = tpu.vector_load %arg7[%swap3A, %swap3A_116] {strides = array<i32>} : memref<125x64xbf16, #tpu.memory_space<vmem>>, vector<1x32xbf16>,
      %swap3A_118 = vector.shape_cast %swap3A_117 : vector<1x32xbf16> to vector<32xbf16>
      %swap3A_119 = vector.shape_cast %broadcast_in_dim3A_1 : vector<32xbf16> to vector<1x32xbf16>
      tpu.vector_store %arg7[%swap3A, %swap3A_116], %swap3A_119 {strides = array<i32>} : memref<125x64xbf16, #tpu.memory_space<vmem>>, vector<1x32xbf16>,
      %swap3A_120 = arith.index_cast %scan3A_115 : i32 to index
      %swap3A_121 = arith.constant 32 : index
      %swap3A_122 = tpu.vector_load %arg7[%swap3A_120, %swap3A_121] {strides = array<i32>} : memref<125x64xbf16, #tpu.memory_space<vmem>>, vector<1x32xbf16>,
      %swap3A_123 = vector.shape_cast %swap3A_122 : vector<1x32xbf16> to vector<32xbf16>
      %swap3A_124 = vector.shape_cast %broadcast_in_dim3A_1 : vector<32xbf16> to vector<1x32xbf16>
      tpu.vector_store %arg7[%swap3A_120, %swap3A_121], %swap3A_124 {strides = array<i32>} : memref<125x64xbf16, #tpu.memory_space<vmem>>, vector<1x32xbf16>,
    }
    %scan3A_6 = arith.constant 125 : i32
    %add3A = arith.constant 0 : i32
    %add3A_7 = arith.addi %mul3A_0, %add3A : i32
    "tpu.region"() ({
      %run_scoped3A_115 = tpu.sem_alloc : memref<!tpu.dma_semaphore, #tpu.memory_space<semaphore_mem>>
      %dma_start3A_116 = arith.constant 0 : i32
      %dma_start3A_117 = tpu.memref_slice %arg23[%add3A_7, %dma_start3A_116] : memref<10240x64xbf16, #tpu.memory_space<vmem_shared>> -> memref<125x64xbf16, #tpu.memory_space<vmem_shared>>
      %dma_start3A_118 = arith.constant 0 : i32
      %dma_start3A_119 = tpu.memref_slice %arg23[%add3A_7, %dma_start3A_118] : memref<10240x64xbf16, #tpu.memory_space<vmem_shared>> -> memref<125x64xbf16, #tpu.memory_space<vmem_shared>>
      tpu.enqueue_dma source(%arg7 : memref<125x64xbf16, #tpu.memory_space<vmem>>) target(%dma_start3A_119 : memref<125x64xbf16, #tpu.memory_space<vmem_shared>>) target_semaphore(%run_scoped3A_115 : memref<!tpu.dma_semaphore, #tpu.memory_space<semaphore_mem>>)
      %dma_wait3A = arith.constant 0 : i32
      %dma_wait3A_120 = tpu.memref_slice %arg23[%add3A_7, %dma_wait3A] : memref<10240x64xbf16, #tpu.memory_space<vmem_shared>> -> memref<125x64xbf16, #tpu.memory_space<vmem_shared>>
      %dma_wait3A_121 = arith.constant 0 : i32
      %dma_wait3A_122 = tpu.memref_slice %arg23[%add3A_7, %dma_wait3A_121] : memref<10240x64xbf16, #tpu.memory_space<vmem_shared>> -> memref<125x64xbf16, #tpu.memory_space<vmem_shared>>
      tpu.wait_dma2 semaphore(%run_scoped3A_115 : memref<!tpu.dma_semaphore, #tpu.memory_space<semaphore_mem>>) src(%arg7 : memref<125x64xbf16, #tpu.memory_space<vmem>>) dst(%dma_wait3A_122 : memref<125x64xbf16, #tpu.memory_space<vmem_shared>>)
      tpu.yield
    }) : () -> ()
    %add3A_8 = arith.constant 125 : i32
    %add3A_9 = arith.addi %mul3A_0, %add3A_8 : i32
    "tpu.region"() ({
      %run_scoped3A_115 = tpu.sem_alloc : memref<!tpu.dma_semaphore, #tpu.memory_space<semaphore_mem>>
      %dma_start3A_116 = arith.constant 0 : i32
      %dma_start3A_117 = tpu.memref_slice %arg23[%add3A_9, %dma_start3A_116] : memref<10240x64xbf16, #tpu.memory_space<vmem_shared>> -> memref<125x64xbf16, #tpu.memory_space<vmem_shared>>
      %dma_start3A_118 = arith.constant 0 : i32
      %dma_start3A_119 = tpu.memref_slice %arg23[%add3A_9, %dma_start3A_118] : memref<10240x64xbf16, #tpu.memory_space<vmem_shared>> -> memref<125x64xbf16, #tpu.memory_space<vmem_shared>>
      tpu.enqueue_dma source(%arg7 : memref<125x64xbf16, #tpu.memory_space<vmem>>) target(%dma_start3A_119 : memref<125x64xbf16, #tpu.memory_space<vmem_shared>>) target_semaphore(%run_scoped3A_115 : memref<!tpu.dma_semaphore, #tpu.memory_space<semaphore_mem>>)
      %dma_wait3A = arith.constant 0 : i32
      %dma_wait3A_120 = tpu.memref_slice %arg23[%add3A_9, %dma_wait3A] : memref<10240x64xbf16, #tpu.memory_space<vmem_shared>> -> memref<125x64xbf16, #tpu.memory_space<vmem_shared>>
      %dma_wait3A_121 = arith.constant 0 : i32
      %dma_wait3A_122 = tpu.memref_slice %arg23[%add3A_9, %dma_wait3A_121] : memref<10240x64xbf16, #tpu.memory_space<vmem_shared>> -> memref<125x64xbf16, #tpu.memory_space<vmem_shared>>
      tpu.wait_dma2 semaphore(%run_scoped3A_115 : memref<!tpu.dma_semaphore, #tpu.memory_space<semaphore_mem>>) src(%arg7 : memref<125x64xbf16, #tpu.memory_space<vmem>>) dst(%dma_wait3A_122 : memref<125x64xbf16, #tpu.memory_space<vmem_shared>>)
      tpu.yield
    }) : () -> ()
    %add3A_10 = arith.constant 250 : i32
    %add3A_11 = arith.addi %mul3A_0, %add3A_10 : i32
    "tpu.region"() ({
      %run_scoped3A_115 = tpu.sem_alloc : memref<!tpu.dma_semaphore, #tpu.memory_space<semaphore_mem>>
      %dma_start3A_116 = arith.constant 0 : i32
      %dma_start3A_117 = tpu.memref_slice %arg23[%add3A_11, %dma_start3A_116] : memref<10240x64xbf16, #tpu.memory_space<vmem_shared>> -> memref<125x64xbf16, #tpu.memory_space<vmem_shared>>
      %dma_start3A_118 = arith.constant 0 : i32
      %dma_start3A_119 = tpu.memref_slice %arg23[%add3A_11, %dma_start3A_118] : memref<10240x64xbf16, #tpu.memory_space<vmem_shared>> -> memref<125x64xbf16, #tpu.memory_space<vmem_shared>>
      tpu.enqueue_dma source(%arg7 : memref<125x64xbf16, #tpu.memory_space<vmem>>) target(%dma_start3A_119 : memref<125x64xbf16, #tpu.memory_space<vmem_shared>>) target_semaphore(%run_scoped3A_115 : memref<!tpu.dma_semaphore, #tpu.memory_space<semaphore_mem>>)
      %dma_wait3A = arith.constant 0 : i32
      %dma_wait3A_120 = tpu.memref_slice %arg23[%add3A_11, %dma_wait3A] : memref<10240x64xbf16, #tpu.memory_space<vmem_shared>> -> memref<125x64xbf16, #tpu.memory_space<vmem_shared>>
      %dma_wait3A_121 = arith.constant 0 : i32
      %dma_wait3A_122 = tpu.memref_slice %arg23[%add3A_11, %dma_wait3A_121] : memref<10240x64xbf16, #tpu.memory_space<vmem_shared>> -> memref<125x64xbf16, #tpu.memory_space<vmem_shared>>
      tpu.wait_dma2 semaphore(%run_scoped3A_115 : memref<!tpu.dma_semaphore, #tpu.memory_space<semaphore_mem>>) src(%arg7 : memref<125x64xbf16, #tpu.memory_space<vmem>>) dst(%dma_wait3A_122 : memref<125x64xbf16, #tpu.memory_space<vmem_shared>>)
      tpu.yield
    }) : () -> ()
    %add3A_12 = arith.constant 375 : i32
    %add3A_13 = arith.addi %mul3A_0, %add3A_12 : i32
    "tpu.region"() ({
      %run_scoped3A_115 = tpu.sem_alloc : memref<!tpu.dma_semaphore, #tpu.memory_space<semaphore_mem>>
      %dma_start3A_116 = arith.constant 0 : i32
      %dma_start3A_117 = tpu.memref_slice %arg23[%add3A_13, %dma_start3A_116] : memref<10240x64xbf16, #tpu.memory_space<vmem_shared>> -> memref<125x64xbf16, #tpu.memory_space<vmem_shared>>
      %dma_start3A_118 = arith.constant 0 : i32
      %dma_start3A_119 = tpu.memref_slice %arg23[%add3A_13, %dma_start3A_118] : memref<10240x64xbf16, #tpu.memory_space<vmem_shared>> -> memref<125x64xbf16, #tpu.memory_space<vmem_shared>>
      tpu.enqueue_dma source(%arg7 : memref<125x64xbf16, #tpu.memory_space<vmem>>) target(%dma_start3A_119 : memref<125x64xbf16, #tpu.memory_space<vmem_shared>>) target_semaphore(%run_scoped3A_115 : memref<!tpu.dma_semaphore, #tpu.memory_space<semaphore_mem>>)
      %dma_wait3A = arith.constant 0 : i32
      %dma_wait3A_120 = tpu.memref_slice %arg23[%add3A_13, %dma_wait3A] : memref<10240x64xbf16, #tpu.memory_space<vmem_shared>> -> memref<125x64xbf16, #tpu.memory_space<vmem_shared>>
      %dma_wait3A_121 = arith.constant 0 : i32
      %dma_wait3A_122 = tpu.memref_slice %arg23[%add3A_13, %dma_wait3A_121] : memref<10240x64xbf16, #tpu.memory_space<vmem_shared>> -> memref<125x64xbf16, #tpu.memory_space<vmem_shared>>
      tpu.wait_dma2 semaphore(%run_scoped3A_115 : memref<!tpu.dma_semaphore, #tpu.memory_space<semaphore_mem>>) src(%arg7 : memref<125x64xbf16, #tpu.memory_space<vmem>>) dst(%dma_wait3A_122 : memref<125x64xbf16, #tpu.memory_space<vmem_shared>>)
      tpu.yield
    }) : () -> ()
    %add3A_14 = arith.constant 500 : i32
    %add3A_15 = arith.addi %mul3A_0, %add3A_14 : i32
    "tpu.region"() ({
      %run_scoped3A_115 = tpu.sem_alloc : memref<!tpu.dma_semaphore, #tpu.memory_space<semaphore_mem>>
      %dma_start3A_116 = arith.constant 0 : i32
      %dma_start3A_117 = tpu.memref_slice %arg23[%add3A_15, %dma_start3A_116] : memref<10240x64xbf16, #tpu.memory_space<vmem_shared>> -> memref<125x64xbf16, #tpu.memory_space<vmem_shared>>
      %dma_start3A_118 = arith.constant 0 : i32
      %dma_start3A_119 = tpu.memref_slice %arg23[%add3A_15, %dma_start3A_118] : memref<10240x64xbf16, #tpu.memory_space<vmem_shared>> -> memref<125x64xbf16, #tpu.memory_space<vmem_shared>>
      tpu.enqueue_dma source(%arg7 : memref<125x64xbf16, #tpu.memory_space<vmem>>) target(%dma_start3A_119 : memref<125x64xbf16, #tpu.memory_space<vmem_shared>>) target_semaphore(%run_scoped3A_115 : memref<!tpu.dma_semaphore, #tpu.memory_space<semaphore_mem>>)
      %dma_wait3A = arith.constant 0 : i32
      %dma_wait3A_120 = tpu.memref_slice %arg23[%add3A_15, %dma_wait3A] : memref<10240x64xbf16, #tpu.memory_space<vmem_shared>> -> memref<125x64xbf16, #tpu.memory_space<vmem_shared>>
      %dma_wait3A_121 = arith.constant 0 : i32
      %dma_wait3A_122 = tpu.memref_slice %arg23[%add3A_15, %dma_wait3A_121] : memref<10240x64xbf16, #tpu.memory_space<vmem_shared>> -> memref<125x64xbf16, #tpu.memory_space<vmem_shared>>
      tpu.wait_dma2 semaphore(%run_scoped3A_115 : memref<!tpu.dma_semaphore, #tpu.memory_space<semaphore_mem>>) src(%arg7 : memref<125x64xbf16, #tpu.memory_space<vmem>>) dst(%dma_wait3A_122 : memref<125x64xbf16, #tpu.memory_space<vmem_shared>>)
      tpu.yield
    }) : () -> ()
    %add3A_16 = arith.constant 625 : i32
    %add3A_17 = arith.addi %mul3A_0, %add3A_16 : i32
    "tpu.region"() ({
      %run_scoped3A_115 = tpu.sem_alloc : memref<!tpu.dma_semaphore, #tpu.memory_space<semaphore_mem>>
      %dma_start3A_116 = arith.constant 0 : i32
      %dma_start3A_117 = arith.constant 0 : i32
      %dma_start3A_118 = tpu.memref_slice %arg7[%dma_start3A_116, %dma_start3A_117] : memref<125x64xbf16, #tpu.memory_space<vmem>> -> memref<15x64xbf16, #tpu.memory_space<vmem>>
      %dma_start3A_119 = arith.constant 0 : i32
      %dma_start3A_120 = tpu.memref_slice %arg23[%add3A_17, %dma_start3A_119] : memref<10240x64xbf16, #tpu.memory_space<vmem_shared>> -> memref<15x64xbf16, #tpu.memory_space<vmem_shared>>
      %dma_start3A_121 = arith.constant 0 : i32
      %dma_start3A_122 = tpu.memref_slice %arg23[%add3A_17, %dma_start3A_121] : memref<10240x64xbf16, #tpu.memory_space<vmem_shared>> -> memref<15x64xbf16, #tpu.memory_space<vmem_shared>>
      %dma_start3A_123 = arith.constant 0 : i32
      %dma_start3A_124 = arith.constant 0 : i32
      %dma_start3A_125 = tpu.memref_slice %arg7[%dma_start3A_123, %dma_start3A_124] : memref<125x64xbf16, #tpu.memory_space<vmem>> -> memref<15x64xbf16, #tpu.memory_space<vmem>>
      tpu.enqueue_dma source(%dma_start3A_125 : memref<15x64xbf16, #tpu.memory_space<vmem>>) target(%dma_start3A_122 : memref<15x64xbf16, #tpu.memory_space<vmem_shared>>) target_semaphore(%run_scoped3A_115 : memref<!tpu.dma_semaphore, #tpu.memory_space<semaphore_mem>>)
      %dma_wait3A = arith.constant 0 : i32
      %dma_wait3A_126 = arith.constant 0 : i32
      %dma_wait3A_127 = tpu.memref_slice %arg7[%dma_wait3A, %dma_wait3A_126] : memref<125x64xbf16, #tpu.memory_space<vmem>> -> memref<15x64xbf16, #tpu.memory_space<vmem>>
      %dma_wait3A_128 = arith.constant 0 : i32
      %dma_wait3A_129 = tpu.memref_slice %arg23[%add3A_17, %dma_wait3A_128] : memref<10240x64xbf16, #tpu.memory_space<vmem_shared>> -> memref<15x64xbf16, #tpu.memory_space<vmem_shared>>
      %dma_wait3A_130 = arith.constant 0 : i32
      %dma_wait3A_131 = tpu.memref_slice %arg23[%add3A_17, %dma_wait3A_130] : memref<10240x64xbf16, #tpu.memory_space<vmem_shared>> -> memref<15x64xbf16, #tpu.memory_space<vmem_shared>>
      %dma_wait3A_132 = arith.constant 0 : i32
      %dma_wait3A_133 = arith.constant 0 : i32
      %dma_wait3A_134 = tpu.memref_slice %arg7[%dma_wait3A_132, %dma_wait3A_133] : memref<125x64xbf16, #tpu.memory_space<vmem>> -> memref<15x64xbf16, #tpu.memory_space<vmem>>
      tpu.wait_dma2 semaphore(%run_scoped3A_115 : memref<!tpu.dma_semaphore, #tpu.memory_space<semaphore_mem>>) src(%dma_wait3A_134 : memref<15x64xbf16, #tpu.memory_space<vmem>>) dst(%dma_wait3A_131 : memref<15x64xbf16, #tpu.memory_space<vmem_shared>>)
      tpu.yield
    }) : () -> ()
    %run_scoped3A = arith.constant 0 : i32
    "tpu.region"() ({
      %run_scoped3A_115 = tpu.sem_alloc : memref<!tpu.dma_semaphore, #tpu.memory_space<semaphore_mem>>
      %dma_start3A_116 = arith.constant 0 : i32
      %dma_start3A_117 = arith.constant 0 : i32
      %dma_start3A_118 = tpu.memref_slice %arg3[%run_scoped3A, %arg1, %dma_start3A_116, %dma_start3A_117] : memref<2x16x160x125xi32, #tpu.memory_space<hbm>> -> memref<1x1x160x125xi32, #tpu.memory_space<hbm>>
      %dma_start3A_119 = tpu.memref_squeeze %dma_start3A_118 : memref<1x1x160x125xi32, #tpu.memory_space<hbm>> -> memref<160x125xi32, #tpu.memory_space<hbm>>
      %dma_start3A_120 = arith.constant 0 : i32
      %dma_start3A_121 = arith.constant 0 : i32
      %dma_start3A_122 = tpu.memref_slice %arg3[%run_scoped3A, %arg1, %dma_start3A_120, %dma_start3A_121] : memref<2x16x160x125xi32, #tpu.memory_space<hbm>> -> memref<1x1x160x125xi32, #tpu.memory_space<hbm>>
      %dma_start3A_123 = tpu.memref_squeeze %dma_start3A_122 : memref<1x1x160x125xi32, #tpu.memory_space<hbm>> -> memref<160x125xi32, #tpu.memory_space<hbm>>
      tpu.enqueue_dma source(%dma_start3A_123 : memref<160x125xi32, #tpu.memory_space<hbm>>) target(%arg5 : memref<160x125xi32, #tpu.memory_space<vmem>>) target_semaphore(%run_scoped3A_115 : memref<!tpu.dma_semaphore, #tpu.memory_space<semaphore_mem>>)
      %dma_wait3A = arith.constant 0 : i32
      %dma_wait3A_124 = arith.constant 0 : i32
      %dma_wait3A_125 = tpu.memref_slice %arg3[%run_scoped3A, %arg1, %dma_wait3A, %dma_wait3A_124] : memref<2x16x160x125xi32, #tpu.memory_space<hbm>> -> memref<1x1x160x125xi32, #tpu.memory_space<hbm>>
      %dma_wait3A_126 = tpu.memref_squeeze %dma_wait3A_125 : memref<1x1x160x125xi32, #tpu.memory_space<hbm>> -> memref<160x125xi32, #tpu.memory_space<hbm>>
      %dma_wait3A_127 = arith.constant 0 : i32
      %dma_wait3A_128 = arith.constant 0 : i32
      %dma_wait3A_129 = tpu.memref_slice %arg3[%run_scoped3A, %arg1, %dma_wait3A_127, %dma_wait3A_128] : memref<2x16x160x125xi32, #tpu.memory_space<hbm>> -> memref<1x1x160x125xi32, #tpu.memory_space<hbm>>
      %dma_wait3A_130 = tpu.memref_squeeze %dma_wait3A_129 : memref<1x1x160x125xi32, #tpu.memory_space<hbm>> -> memref<160x125xi32, #tpu.memory_space<hbm>>
      tpu.wait_dma2 semaphore(%run_scoped3A_115 : memref<!tpu.dma_semaphore, #tpu.memory_space<semaphore_mem>>) src(%dma_wait3A_130 : memref<160x125xi32, #tpu.memory_space<hbm>>) dst(%arg5 : memref<160x125xi32, #tpu.memory_space<vmem>>)
      tpu.yield
    }) : () -> ()
    %run_scoped3A_18 = arith.constant 1 : i32
    "tpu.region"() ({
      %run_scoped3A_115 = tpu.sem_alloc : memref<!tpu.dma_semaphore, #tpu.memory_space<semaphore_mem>>
      %dma_start3A_116 = arith.constant 0 : i32
      %dma_start3A_117 = arith.constant 0 : i32
      %dma_start3A_118 = tpu.memref_slice %arg3[%run_scoped3A_18, %arg1, %dma_start3A_116, %dma_start3A_117] : memref<2x16x160x125xi32, #tpu.memory_space<hbm>> -> memref<1x1x160x125xi32, #tpu.memory_space<hbm>>
      %dma_start3A_119 = tpu.memref_squeeze %dma_start3A_118 : memref<1x1x160x125xi32, #tpu.memory_space<hbm>> -> memref<160x125xi32, #tpu.memory_space<hbm>>
      %dma_start3A_120 = arith.constant 0 : i32
      %dma_start3A_121 = arith.constant 0 : i32
      %dma_start3A_122 = tpu.memref_slice %arg3[%run_scoped3A_18, %arg1, %dma_start3A_120, %dma_start3A_121] : memref<2x16x160x125xi32, #tpu.memory_space<hbm>> -> memref<1x1x160x125xi32, #tpu.memory_space<hbm>>
      %dma_start3A_123 = tpu.memref_squeeze %dma_start3A_122 : memref<1x1x160x125xi32, #tpu.memory_space<hbm>> -> memref<160x125xi32, #tpu.memory_space<hbm>>
      tpu.enqueue_dma source(%dma_start3A_123 : memref<160x125xi32, #tpu.memory_space<hbm>>) target(%arg6 : memref<160x125xi32, #tpu.memory_space<vmem>>) target_semaphore(%run_scoped3A_115 : memref<!tpu.dma_semaphore, #tpu.memory_space<semaphore_mem>>)
      %dma_wait3A = arith.constant 0 : i32
      %dma_wait3A_124 = arith.constant 0 : i32
      %dma_wait3A_125 = tpu.memref_slice %arg3[%run_scoped3A_18, %arg1, %dma_wait3A, %dma_wait3A_124] : memref<2x16x160x125xi32, #tpu.memory_space<hbm>> -> memref<1x1x160x125xi32, #tpu.memory_space<hbm>>
      %dma_wait3A_126 = tpu.memref_squeeze %dma_wait3A_125 : memref<1x1x160x125xi32, #tpu.memory_space<hbm>> -> memref<160x125xi32, #tpu.memory_space<hbm>>
      %dma_wait3A_127 = arith.constant 0 : i32
      %dma_wait3A_128 = arith.constant 0 : i32
      %dma_wait3A_129 = tpu.memref_slice %arg3[%run_scoped3A_18, %arg1, %dma_wait3A_127, %dma_wait3A_128] : memref<2x16x160x125xi32, #tpu.memory_space<hbm>> -> memref<1x1x160x125xi32, #tpu.memory_space<hbm>>
      %dma_wait3A_130 = tpu.memref_squeeze %dma_wait3A_129 : memref<1x1x160x125xi32, #tpu.memory_space<hbm>> -> memref<160x125xi32, #tpu.memory_space<hbm>>
      tpu.wait_dma2 semaphore(%run_scoped3A_115 : memref<!tpu.dma_semaphore, #tpu.memory_space<semaphore_mem>>) src(%dma_wait3A_130 : memref<160x125xi32, #tpu.memory_space<hbm>>) dst(%arg6 : memref<160x125xi32, #tpu.memory_space<vmem>>)
      tpu.yield
    }) : () -> ()
    %barrier3A = arith.constant 0 : index
    tpu.barrier barrier_id(%barrier3A)
    %dma_start3A = arith.constant 0 : i32
    %dma_start3A_19 = arith.constant 0 : i32
    %dma_start3A_20 = tpu.memref_slice %arg5[%dma_start3A, %dma_start3A_19] : memref<160x125xi32, #tpu.memory_space<vmem>> -> memref<1x125xi32, #tpu.memory_space<vmem>>
    %dma_start3A_21 = tpu.memref_squeeze %dma_start3A_20 : memref<1x125xi32, #tpu.memory_space<vmem>> -> memref<125xi32, #tpu.memory_space<vmem>>
    %dma_start3A_22 = arith.constant 0 : i32
    %dma_start3A_23 = arith.constant 0 : i32
    %dma_start3A_24 = tpu.memref_slice %arg2[%arg0, %dma_start3A_22, %dma_start3A_23] : memref<2x10240x64xbf16, #tpu.memory_space<hbm>> -> memref<1x10240x64xbf16, #tpu.memory_space<hbm>>
    %dma_start3A_25 = tpu.memref_squeeze %dma_start3A_24 : memref<1x10240x64xbf16, #tpu.memory_space<hbm>> -> memref<10240x64xbf16, #tpu.memory_space<hbm>>
    %dma_start3A_26 = arith.constant 0 : i32
    %dma_start3A_27 = arith.constant 0 : i32
    %dma_start3A_28 = tpu.memref_slice %dma_start3A_25[%dma_start3A_26, %dma_start3A_27] : memref<10240x64xbf16, #tpu.memory_space<hbm>> -> memref<10240x64xbf16, #tpu.memory_space<hbm>>
    tpu.enqueue_indirect_dma source(%dma_start3A_28 : memref<10240x64xbf16, #tpu.memory_space<hbm>>) target(%arg7 : memref<125x64xbf16, #tpu.memory_space<vmem>>) offsets(%dma_start3A_21 : memref<125xi32, #tpu.memory_space<vmem>>) semaphore(%arg15 : memref<!tpu.dma_semaphore, #tpu.memory_space<semaphore_mem>>)
    %dma_start3A_29 = arith.constant 1 : i32
    %dma_start3A_30 = arith.constant 0 : i32
    %dma_start3A_31 = tpu.memref_slice %arg5[%dma_start3A_29, %dma_start3A_30] : memref<160x125xi32, #tpu.memory_space<vmem>> -> memref<1x125xi32, #tpu.memory_space<vmem>>
    %dma_start3A_32 = tpu.memref_squeeze %dma_start3A_31 : memref<1x125xi32, #tpu.memory_space<vmem>> -> memref<125xi32, #tpu.memory_space<vmem>>
    %dma_start3A_33 = arith.constant 0 : i32
    %dma_start3A_34 = arith.constant 0 : i32
    %dma_start3A_35 = tpu.memref_slice %arg2[%arg0, %dma_start3A_33, %dma_start3A_34] : memref<2x10240x64xbf16, #tpu.memory_space<hbm>> -> memref<1x10240x64xbf16, #tpu.memory_space<hbm>>
    %dma_start3A_36 = tpu.memref_squeeze %dma_start3A_35 : memref<1x10240x64xbf16, #tpu.memory_space<hbm>> -> memref<10240x64xbf16, #tpu.memory_space<hbm>>
    %dma_start3A_37 = arith.constant 0 : i32
    %dma_start3A_38 = arith.constant 0 : i32
    %dma_start3A_39 = tpu.memref_slice %dma_start3A_36[%dma_start3A_37, %dma_start3A_38] : memref<10240x64xbf16, #tpu.memory_space<hbm>> -> memref<10240x64xbf16, #tpu.memory_space<hbm>>
    tpu.enqueue_indirect_dma source(%dma_start3A_39 : memref<10240x64xbf16, #tpu.memory_space<hbm>>) target(%arg8 : memref<125x64xbf16, #tpu.memory_space<vmem>>) offsets(%dma_start3A_32 : memref<125xi32, #tpu.memory_space<vmem>>) semaphore(%arg16 : memref<!tpu.dma_semaphore, #tpu.memory_space<semaphore_mem>>)
    %dma_start3A_40 = arith.constant 2 : i32
    %dma_start3A_41 = arith.constant 0 : i32
    %dma_start3A_42 = tpu.memref_slice %arg5[%dma_start3A_40, %dma_start3A_41] : memref<160x125xi32, #tpu.memory_space<vmem>> -> memref<1x125xi32, #tpu.memory_space<vmem>>
    %dma_start3A_43 = tpu.memref_squeeze %dma_start3A_42 : memref<1x125xi32, #tpu.memory_space<vmem>> -> memref<125xi32, #tpu.memory_space<vmem>>
    %dma_start3A_44 = arith.constant 0 : i32
    %dma_start3A_45 = arith.constant 0 : i32
    %dma_start3A_46 = tpu.memref_slice %arg2[%arg0, %dma_start3A_44, %dma_start3A_45] : memref<2x10240x64xbf16, #tpu.memory_space<hbm>> -> memref<1x10240x64xbf16, #tpu.memory_space<hbm>>
    %dma_start3A_47 = tpu.memref_squeeze %dma_start3A_46 : memref<1x10240x64xbf16, #tpu.memory_space<hbm>> -> memref<10240x64xbf16, #tpu.memory_space<hbm>>
    %dma_start3A_48 = arith.constant 0 : i32
    %dma_start3A_49 = arith.constant 0 : i32
    %dma_start3A_50 = tpu.memref_slice %dma_start3A_47[%dma_start3A_48, %dma_start3A_49] : memref<10240x64xbf16, #tpu.memory_space<hbm>> -> memref<10240x64xbf16, #tpu.memory_space<hbm>>
    tpu.enqueue_indirect_dma source(%dma_start3A_50 : memref<10240x64xbf16, #tpu.memory_space<hbm>>) target(%arg9 : memref<125x64xbf16, #tpu.memory_space<vmem>>) offsets(%dma_start3A_43 : memref<125xi32, #tpu.memory_space<vmem>>) semaphore(%arg17 : memref<!tpu.dma_semaphore, #tpu.memory_space<semaphore_mem>>)
    %dma_start3A_51 = arith.constant 3 : i32
    %dma_start3A_52 = arith.constant 0 : i32
    %dma_start3A_53 = tpu.memref_slice %arg5[%dma_start3A_51, %dma_start3A_52] : memref<160x125xi32, #tpu.memory_space<vmem>> -> memref<1x125xi32, #tpu.memory_space<vmem>>
    %dma_start3A_54 = tpu.memref_squeeze %dma_start3A_53 : memref<1x125xi32, #tpu.memory_space<vmem>> -> memref<125xi32, #tpu.memory_space<vmem>>
    %dma_start3A_55 = arith.constant 0 : i32
    %dma_start3A_56 = arith.constant 0 : i32
    %dma_start3A_57 = tpu.memref_slice %arg2[%arg0, %dma_start3A_55, %dma_start3A_56] : memref<2x10240x64xbf16, #tpu.memory_space<hbm>> -> memref<1x10240x64xbf16, #tpu.memory_space<hbm>>
    %dma_start3A_58 = tpu.memref_squeeze %dma_start3A_57 : memref<1x10240x64xbf16, #tpu.memory_space<hbm>> -> memref<10240x64xbf16, #tpu.memory_space<hbm>>
    %dma_start3A_59 = arith.constant 0 : i32
    %dma_start3A_60 = arith.constant 0 : i32
    %dma_start3A_61 = tpu.memref_slice %dma_start3A_58[%dma_start3A_59, %dma_start3A_60] : memref<10240x64xbf16, #tpu.memory_space<hbm>> -> memref<10240x64xbf16, #tpu.memory_space<hbm>>
    tpu.enqueue_indirect_dma source(%dma_start3A_61 : memref<10240x64xbf16, #tpu.memory_space<hbm>>) target(%arg10 : memref<125x64xbf16, #tpu.memory_space<vmem>>) offsets(%dma_start3A_54 : memref<125xi32, #tpu.memory_space<vmem>>) semaphore(%arg18 : memref<!tpu.dma_semaphore, #tpu.memory_space<semaphore_mem>>)
    %dma_start3A_62 = arith.constant 4 : i32
    %dma_start3A_63 = arith.constant 0 : i32
    %dma_start3A_64 = tpu.memref_slice %arg5[%dma_start3A_62, %dma_start3A_63] : memref<160x125xi32, #tpu.memory_space<vmem>> -> memref<1x125xi32, #tpu.memory_space<vmem>>
    %dma_start3A_65 = tpu.memref_squeeze %dma_start3A_64 : memref<1x125xi32, #tpu.memory_space<vmem>> -> memref<125xi32, #tpu.memory_space<vmem>>
    %dma_start3A_66 = arith.constant 0 : i32
    %dma_start3A_67 = arith.constant 0 : i32
    %dma_start3A_68 = tpu.memref_slice %arg2[%arg0, %dma_start3A_66, %dma_start3A_67] : memref<2x10240x64xbf16, #tpu.memory_space<hbm>> -> memref<1x10240x64xbf16, #tpu.memory_space<hbm>>
    %dma_start3A_69 = tpu.memref_squeeze %dma_start3A_68 : memref<1x10240x64xbf16, #tpu.memory_space<hbm>> -> memref<10240x64xbf16, #tpu.memory_space<hbm>>
    %dma_start3A_70 = arith.constant 0 : i32
    %dma_start3A_71 = arith.constant 0 : i32
    %dma_start3A_72 = tpu.memref_slice %dma_start3A_69[%dma_start3A_70, %dma_start3A_71] : memref<10240x64xbf16, #tpu.memory_space<hbm>> -> memref<10240x64xbf16, #tpu.memory_space<hbm>>
    tpu.enqueue_indirect_dma source(%dma_start3A_72 : memref<10240x64xbf16, #tpu.memory_space<hbm>>) target(%arg11 : memref<125x64xbf16, #tpu.memory_space<vmem>>) offsets(%dma_start3A_65 : memref<125xi32, #tpu.memory_space<vmem>>) semaphore(%arg19 : memref<!tpu.dma_semaphore, #tpu.memory_space<semaphore_mem>>)
    %dma_start3A_73 = arith.constant 5 : i32
    %dma_start3A_74 = arith.constant 0 : i32
    %dma_start3A_75 = tpu.memref_slice %arg5[%dma_start3A_73, %dma_start3A_74] : memref<160x125xi32, #tpu.memory_space<vmem>> -> memref<1x125xi32, #tpu.memory_space<vmem>>
    %dma_start3A_76 = tpu.memref_squeeze %dma_start3A_75 : memref<1x125xi32, #tpu.memory_space<vmem>> -> memref<125xi32, #tpu.memory_space<vmem>>
    %dma_start3A_77 = arith.constant 0 : i32
    %dma_start3A_78 = arith.constant 0 : i32
    %dma_start3A_79 = tpu.memref_slice %arg2[%arg0, %dma_start3A_77, %dma_start3A_78] : memref<2x10240x64xbf16, #tpu.memory_space<hbm>> -> memref<1x10240x64xbf16, #tpu.memory_space<hbm>>
    %dma_start3A_80 = tpu.memref_squeeze %dma_start3A_79 : memref<1x10240x64xbf16, #tpu.memory_space<hbm>> -> memref<10240x64xbf16, #tpu.memory_space<hbm>>
    %dma_start3A_81 = arith.constant 0 : i32
    %dma_start3A_82 = arith.constant 0 : i32
    %dma_start3A_83 = tpu.memref_slice %dma_start3A_80[%dma_start3A_81, %dma_start3A_82] : memref<10240x64xbf16, #tpu.memory_space<hbm>> -> memref<10240x64xbf16, #tpu.memory_space<hbm>>
    tpu.enqueue_indirect_dma source(%dma_start3A_83 : memref<10240x64xbf16, #tpu.memory_space<hbm>>) target(%arg12 : memref<125x64xbf16, #tpu.memory_space<vmem>>) offsets(%dma_start3A_76 : memref<125xi32, #tpu.memory_space<vmem>>) semaphore(%arg20 : memref<!tpu.dma_semaphore, #tpu.memory_space<semaphore_mem>>)
    %dma_start3A_84 = arith.constant 6 : i32
    %dma_start3A_85 = arith.constant 0 : i32
    %dma_start3A_86 = tpu.memref_slice %arg5[%dma_start3A_84, %dma_start3A_85] : memref<160x125xi32, #tpu.memory_space<vmem>> -> memref<1x125xi32, #tpu.memory_space<vmem>>
    %dma_start3A_87 = tpu.memref_squeeze %dma_start3A_86 : memref<1x125xi32, #tpu.memory_space<vmem>> -> memref<125xi32, #tpu.memory_space<vmem>>
    %dma_start3A_88 = arith.constant 0 : i32
    %dma_start3A_89 = arith.constant 0 : i32
    %dma_start3A_90 = tpu.memref_slice %arg2[%arg0, %dma_start3A_88, %dma_start3A_89] : memref<2x10240x64xbf16, #tpu.memory_space<hbm>> -> memref<1x10240x64xbf16, #tpu.memory_space<hbm>>
    %dma_start3A_91 = tpu.memref_squeeze %dma_start3A_90 : memref<1x10240x64xbf16, #tpu.memory_space<hbm>> -> memref<10240x64xbf16, #tpu.memory_space<hbm>>
    %dma_start3A_92 = arith.constant 0 : i32
    %dma_start3A_93 = arith.constant 0 : i32
    %dma_start3A_94 = tpu.memref_slice %dma_start3A_91[%dma_start3A_92, %dma_start3A_93] : memref<10240x64xbf16, #tpu.memory_space<hbm>> -> memref<10240x64xbf16, #tpu.memory_space<hbm>>
    tpu.enqueue_indirect_dma source(%dma_start3A_94 : memref<10240x64xbf16, #tpu.memory_space<hbm>>) target(%arg13 : memref<125x64xbf16, #tpu.memory_space<vmem>>) offsets(%dma_start3A_87 : memref<125xi32, #tpu.memory_space<vmem>>) semaphore(%arg21 : memref<!tpu.dma_semaphore, #tpu.memory_space<semaphore_mem>>)
    %dma_start3A_95 = arith.constant 7 : i32
    %dma_start3A_96 = arith.constant 0 : i32
    %dma_start3A_97 = tpu.memref_slice %arg5[%dma_start3A_95, %dma_start3A_96] : memref<160x125xi32, #tpu.memory_space<vmem>> -> memref<1x125xi32, #tpu.memory_space<vmem>>
    %dma_start3A_98 = tpu.memref_squeeze %dma_start3A_97 : memref<1x125xi32, #tpu.memory_space<vmem>> -> memref<125xi32, #tpu.memory_space<vmem>>
    %dma_start3A_99 = arith.constant 0 : i32
    %dma_start3A_100 = arith.constant 0 : i32
    %dma_start3A_101 = tpu.memref_slice %arg2[%arg0, %dma_start3A_99, %dma_start3A_100] : memref<2x10240x64xbf16, #tpu.memory_space<hbm>> -> memref<1x10240x64xbf16, #tpu.memory_space<hbm>>
    %dma_start3A_102 = tpu.memref_squeeze %dma_start3A_101 : memref<1x10240x64xbf16, #tpu.memory_space<hbm>> -> memref<10240x64xbf16, #tpu.memory_space<hbm>>
    %dma_start3A_103 = arith.constant 0 : i32
    %dma_start3A_104 = arith.constant 0 : i32
    %dma_start3A_105 = tpu.memref_slice %dma_start3A_102[%dma_start3A_103, %dma_start3A_104] : memref<10240x64xbf16, #tpu.memory_space<hbm>> -> memref<10240x64xbf16, #tpu.memory_space<hbm>>
    tpu.enqueue_indirect_dma source(%dma_start3A_105 : memref<10240x64xbf16, #tpu.memory_space<hbm>>) target(%arg14 : memref<125x64xbf16, #tpu.memory_space<vmem>>) offsets(%dma_start3A_98 : memref<125xi32, #tpu.memory_space<vmem>>) semaphore(%arg22 : memref<!tpu.dma_semaphore, #tpu.memory_space<semaphore_mem>>)
    %scan3A_106 = arith.constant 0 : i32
    %scan3A_107 = arith.constant 0 : i32
    %scan3A_108 = arith.constant 20 : i32
    %scan3A_109 = arith.addi %scan3A_107, %scan3A_108 : i32
    %scan3A_110 = arith.constant 1 : i32
    scf.for %scan3A_115 = %scan3A_107 to %scan3A_109 step %scan3A_110  : i32 {
      %mul3A_116 = arith.constant 8 : i32
      %mul3A_117 = arith.muli %scan3A_115, %mul3A_116 : i32
      %add3A_118 = arith.constant 0 : i32
      %add3A_119 = arith.addi %mul3A_117, %add3A_118 : i32
      %dma_wait3A = arith.constant 0 : i32
      %dma_wait3A_120 = tpu.memref_slice %arg5[%add3A_119, %dma_wait3A] : memref<160x125xi32, #tpu.memory_space<vmem>> -> memref<1x125xi32, #tpu.memory_space<vmem>>
      %dma_wait3A_121 = tpu.memref_squeeze %dma_wait3A_120 : memref<1x125xi32, #tpu.memory_space<vmem>> -> memref<125xi32, #tpu.memory_space<vmem>>
      %dma_wait3A_122 = arith.constant 0 : i32
      %dma_wait3A_123 = arith.constant 0 : i32
      %dma_wait3A_124 = tpu.memref_slice %arg2[%arg0, %dma_wait3A_122, %dma_wait3A_123] : memref<2x10240x64xbf16, #tpu.memory_space<hbm>> -> memref<1x10240x64xbf16, #tpu.memory_space<hbm>>
      %dma_wait3A_125 = tpu.memref_squeeze %dma_wait3A_124 : memref<1x10240x64xbf16, #tpu.memory_space<hbm>> -> memref<10240x64xbf16, #tpu.memory_space<hbm>>
      %dma_wait3A_126 = arith.constant 0 : i32
      %dma_wait3A_127 = arith.constant 0 : i32
      %dma_wait3A_128 = tpu.memref_slice %dma_wait3A_125[%dma_wait3A_126, %dma_wait3A_127] : memref<10240x64xbf16, #tpu.memory_space<hbm>> -> memref<10240x64xbf16, #tpu.memory_space<hbm>>
      tpu.wait_indirect_dma semaphore(%arg15 : memref<!tpu.dma_semaphore, #tpu.memory_space<semaphore_mem>>) src(%dma_wait3A_128 : memref<10240x64xbf16, #tpu.memory_space<hbm>>) dst(%arg7 : memref<125x64xbf16, #tpu.memory_space<vmem>>)
      "tpu.region"() ({
        %run_scoped3A_280 = tpu.sem_alloc : memref<!tpu.dma_semaphore, #tpu.memory_space<semaphore_mem>>
        %dma_start3A_281 = arith.constant 0 : i32
        %dma_start3A_282 = tpu.memref_slice %arg6[%add3A_119, %dma_start3A_281] : memref<160x125xi32, #tpu.memory_space<vmem>> -> memref<1x125xi32, #tpu.memory_space<vmem>>
        %dma_start3A_283 = tpu.memref_squeeze %dma_start3A_282 : memref<1x125xi32, #tpu.memory_space<vmem>> -> memref<125xi32, #tpu.memory_space<vmem>>
        %dma_start3A_284 = arith.constant 0 : i32
        %dma_start3A_285 = arith.constant 0 : i32
        %dma_start3A_286 = tpu.memref_slice %arg23[%dma_start3A_284, %dma_start3A_285] : memref<10240x64xbf16, #tpu.memory_space<vmem_shared>> -> memref<10240x64xbf16, #tpu.memory_space<vmem_shared>>
        tpu.enqueue_indirect_dma source(%arg7 : memref<125x64xbf16, #tpu.memory_space<vmem>>) target(%dma_start3A_286 : memref<10240x64xbf16, #tpu.memory_space<vmem_shared>>) offsets(%dma_start3A_283 : memref<125xi32, #tpu.memory_space<vmem>>) semaphore(%run_scoped3A_280 : memref<!tpu.dma_semaphore, #tpu.memory_space<semaphore_mem>>) {add = true}
        %dma_wait3A_287 = arith.constant 0 : i32
        %dma_wait3A_288 = tpu.memref_slice %arg6[%add3A_119, %dma_wait3A_287] : memref<160x125xi32, #tpu.memory_space<vmem>> -> memref<1x125xi32, #tpu.memory_space<vmem>>
        %dma_wait3A_289 = tpu.memref_squeeze %dma_wait3A_288 : memref<1x125xi32, #tpu.memory_space<vmem>> -> memref<125xi32, #tpu.memory_space<vmem>>
        %dma_wait3A_290 = arith.constant 0 : i32
        %dma_wait3A_291 = arith.constant 0 : i32
        %dma_wait3A_292 = tpu.memref_slice %arg23[%dma_wait3A_290, %dma_wait3A_291] : memref<10240x64xbf16, #tpu.memory_space<vmem_shared>> -> memref<10240x64xbf16, #tpu.memory_space<vmem_shared>>
        tpu.wait_indirect_dma semaphore(%run_scoped3A_280 : memref<!tpu.dma_semaphore, #tpu.memory_space<semaphore_mem>>) src(%arg7 : memref<125x64xbf16, #tpu.memory_space<vmem>>) dst(%dma_wait3A_292 : memref<10240x64xbf16, #tpu.memory_space<vmem_shared>>)
        tpu.yield
      }) : () -> ()
      %add3A_129 = arith.constant 8 : i32
      %add3A_130 = arith.addi %add3A_119, %add3A_129 : i32
      %lt3A = arith.constant 160 : i32
      %lt3A_131 = arith.cmpi slt, %add3A_130, %lt3A : i32
      %convert_element_type3A = arith.extui %lt3A_131 : i1 to i32
      %cond3A = arith.constant 0 : i32
      %cond3A_132 = arith.cmpi ne, %convert_element_type3A, %cond3A : i32
      scf.if %cond3A_132 {
        %add3A_280 = arith.constant 8 : i32
        %add3A_281 = arith.addi %add3A_119, %add3A_280 : i32
        %dma_start3A_282 = arith.constant 0 : i32
        %dma_start3A_283 = tpu.memref_slice %arg5[%add3A_281, %dma_start3A_282] : memref<160x125xi32, #tpu.memory_space<vmem>> -> memref<1x125xi32, #tpu.memory_space<vmem>>
        %dma_start3A_284 = tpu.memref_squeeze %dma_start3A_283 : memref<1x125xi32, #tpu.memory_space<vmem>> -> memref<125xi32, #tpu.memory_space<vmem>>
        %dma_start3A_285 = arith.constant 0 : i32
        %dma_start3A_286 = arith.constant 0 : i32
        %dma_start3A_287 = tpu.memref_slice %arg2[%arg0, %dma_start3A_285, %dma_start3A_286] : memref<2x10240x64xbf16, #tpu.memory_space<hbm>> -> memref<1x10240x64xbf16, #tpu.memory_space<hbm>>
        %dma_start3A_288 = tpu.memref_squeeze %dma_start3A_287 : memref<1x10240x64xbf16, #tpu.memory_space<hbm>> -> memref<10240x64xbf16, #tpu.memory_space<hbm>>
        %dma_start3A_289 = arith.constant 0 : i32
        %dma_start3A_290 = arith.constant 0 : i32
        %dma_start3A_291 = tpu.memref_slice %dma_start3A_288[%dma_start3A_289, %dma_start3A_290] : memref<10240x64xbf16, #tpu.memory_space<hbm>> -> memref<10240x64xbf16, #tpu.memory_space<hbm>>
        tpu.enqueue_indirect_dma source(%dma_start3A_291 : memref<10240x64xbf16, #tpu.memory_space<hbm>>) target(%arg7 : memref<125x64xbf16, #tpu.memory_space<vmem>>) offsets(%dma_start3A_284 : memref<125xi32, #tpu.memory_space<vmem>>) semaphore(%arg15 : memref<!tpu.dma_semaphore, #tpu.memory_space<semaphore_mem>>)
      } else {
      }
      %mul3A_133 = arith.constant 8 : i32
      %mul3A_134 = arith.muli %scan3A_115, %mul3A_133 : i32
      %add3A_135 = arith.constant 1 : i32
      %add3A_136 = arith.addi %mul3A_134, %add3A_135 : i32
      %dma_wait3A_137 = arith.constant 0 : i32
      %dma_wait3A_138 = tpu.memref_slice %arg5[%add3A_136, %dma_wait3A_137] : memref<160x125xi32, #tpu.memory_space<vmem>> -> memref<1x125xi32, #tpu.memory_space<vmem>>
      %dma_wait3A_139 = tpu.memref_squeeze %dma_wait3A_138 : memref<1x125xi32, #tpu.memory_space<vmem>> -> memref<125xi32, #tpu.memory_space<vmem>>
      %dma_wait3A_140 = arith.constant 0 : i32
      %dma_wait3A_141 = arith.constant 0 : i32
      %dma_wait3A_142 = tpu.memref_slice %arg2[%arg0, %dma_wait3A_140, %dma_wait3A_141] : memref<2x10240x64xbf16, #tpu.memory_space<hbm>> -> memref<1x10240x64xbf16, #tpu.memory_space<hbm>>
      %dma_wait3A_143 = tpu.memref_squeeze %dma_wait3A_142 : memref<1x10240x64xbf16, #tpu.memory_space<hbm>> -> memref<10240x64xbf16, #tpu.memory_space<hbm>>
      %dma_wait3A_144 = arith.constant 0 : i32
      %dma_wait3A_145 = arith.constant 0 : i32
      %dma_wait3A_146 = tpu.memref_slice %dma_wait3A_143[%dma_wait3A_144, %dma_wait3A_145] : memref<10240x64xbf16, #tpu.memory_space<hbm>> -> memref<10240x64xbf16, #tpu.memory_space<hbm>>
      tpu.wait_indirect_dma semaphore(%arg16 : memref<!tpu.dma_semaphore, #tpu.memory_space<semaphore_mem>>) src(%dma_wait3A_146 : memref<10240x64xbf16, #tpu.memory_space<hbm>>) dst(%arg8 : memref<125x64xbf16, #tpu.memory_space<vmem>>)
      "tpu.region"() ({
        %run_scoped3A_280 = tpu.sem_alloc : memref<!tpu.dma_semaphore, #tpu.memory_space<semaphore_mem>>
        %dma_start3A_281 = arith.constant 0 : i32
        %dma_start3A_282 = tpu.memref_slice %arg6[%add3A_136, %dma_start3A_281] : memref<160x125xi32, #tpu.memory_space<vmem>> -> memref<1x125xi32, #tpu.memory_space<vmem>>
        %dma_start3A_283 = tpu.memref_squeeze %dma_start3A_282 : memref<1x125xi32, #tpu.memory_space<vmem>> -> memref<125xi32, #tpu.memory_space<vmem>>
        %dma_start3A_284 = arith.constant 0 : i32
        %dma_start3A_285 = arith.constant 0 : i32
        %dma_start3A_286 = tpu.memref_slice %arg23[%dma_start3A_284, %dma_start3A_285] : memref<10240x64xbf16, #tpu.memory_space<vmem_shared>> -> memref<10240x64xbf16, #tpu.memory_space<vmem_shared>>
        tpu.enqueue_indirect_dma source(%arg8 : memref<125x64xbf16, #tpu.memory_space<vmem>>) target(%dma_start3A_286 : memref<10240x64xbf16, #tpu.memory_space<vmem_shared>>) offsets(%dma_start3A_283 : memref<125xi32, #tpu.memory_space<vmem>>) semaphore(%run_scoped3A_280 : memref<!tpu.dma_semaphore, #tpu.memory_space<semaphore_mem>>) {add = true}
        %dma_wait3A_287 = arith.constant 0 : i32
        %dma_wait3A_288 = tpu.memref_slice %arg6[%add3A_136, %dma_wait3A_287] : memref<160x125xi32, #tpu.memory_space<vmem>> -> memref<1x125xi32, #tpu.memory_space<vmem>>
        %dma_wait3A_289 = tpu.memref_squeeze %dma_wait3A_288 : memref<1x125xi32, #tpu.memory_space<vmem>> -> memref<125xi32, #tpu.memory_space<vmem>>
        %dma_wait3A_290 = arith.constant 0 : i32
        %dma_wait3A_291 = arith.constant 0 : i32
        %dma_wait3A_292 = tpu.memref_slice %arg23[%dma_wait3A_290, %dma_wait3A_291] : memref<10240x64xbf16, #tpu.memory_space<vmem_shared>> -> memref<10240x64xbf16, #tpu.memory_space<vmem_shared>>
        tpu.wait_indirect_dma semaphore(%run_scoped3A_280 : memref<!tpu.dma_semaphore, #tpu.memory_space<semaphore_mem>>) src(%arg8 : memref<125x64xbf16, #tpu.memory_space<vmem>>) dst(%dma_wait3A_292 : memref<10240x64xbf16, #tpu.memory_space<vmem_shared>>)
        tpu.yield
      }) : () -> ()
      %add3A_147 = arith.constant 8 : i32
      %add3A_148 = arith.addi %add3A_136, %add3A_147 : i32
      %lt3A_149 = arith.constant 160 : i32
      %lt3A_150 = arith.cmpi slt, %add3A_148, %lt3A_149 : i32
      %convert_element_type3A_151 = arith.extui %lt3A_150 : i1 to i32
      %cond3A_152 = arith.constant 0 : i32
      %cond3A_153 = arith.cmpi ne, %convert_element_type3A_151, %cond3A_152 : i32
      scf.if %cond3A_153 {
        %add3A_280 = arith.constant 8 : i32
        %add3A_281 = arith.addi %add3A_136, %add3A_280 : i32
        %dma_start3A_282 = arith.constant 0 : i32
        %dma_start3A_283 = tpu.memref_slice %arg5[%add3A_281, %dma_start3A_282] : memref<160x125xi32, #tpu.memory_space<vmem>> -> memref<1x125xi32, #tpu.memory_space<vmem>>
        %dma_start3A_284 = tpu.memref_squeeze %dma_start3A_283 : memref<1x125xi32, #tpu.memory_space<vmem>> -> memref<125xi32, #tpu.memory_space<vmem>>
        %dma_start3A_285 = arith.constant 0 : i32
        %dma_start3A_286 = arith.constant 0 : i32
        %dma_start3A_287 = tpu.memref_slice %arg2[%arg0, %dma_start3A_285, %dma_start3A_286] : memref<2x10240x64xbf16, #tpu.memory_space<hbm>> -> memref<1x10240x64xbf16, #tpu.memory_space<hbm>>
        %dma_start3A_288 = tpu.memref_squeeze %dma_start3A_287 : memref<1x10240x64xbf16, #tpu.memory_space<hbm>> -> memref<10240x64xbf16, #tpu.memory_space<hbm>>
        %dma_start3A_289 = arith.constant 0 : i32
        %dma_start3A_290 = arith.constant 0 : i32
        %dma_start3A_291 = tpu.memref_slice %dma_start3A_288[%dma_start3A_289, %dma_start3A_290] : memref<10240x64xbf16, #tpu.memory_space<hbm>> -> memref<10240x64xbf16, #tpu.memory_space<hbm>>
        tpu.enqueue_indirect_dma source(%dma_start3A_291 : memref<10240x64xbf16, #tpu.memory_space<hbm>>) target(%arg8 : memref<125x64xbf16, #tpu.memory_space<vmem>>) offsets(%dma_start3A_284 : memref<125xi32, #tpu.memory_space<vmem>>) semaphore(%arg16 : memref<!tpu.dma_semaphore, #tpu.memory_space<semaphore_mem>>)
      } else {
      }
      %mul3A_154 = arith.constant 8 : i32
      %mul3A_155 = arith.muli %scan3A_115, %mul3A_154 : i32
      %add3A_156 = arith.constant 2 : i32
      %add3A_157 = arith.addi %mul3A_155, %add3A_156 : i32
      %dma_wait3A_158 = arith.constant 0 : i32
      %dma_wait3A_159 = tpu.memref_slice %arg5[%add3A_157, %dma_wait3A_158] : memref<160x125xi32, #tpu.memory_space<vmem>> -> memref<1x125xi32, #tpu.memory_space<vmem>>
      %dma_wait3A_160 = tpu.memref_squeeze %dma_wait3A_159 : memref<1x125xi32, #tpu.memory_space<vmem>> -> memref<125xi32, #tpu.memory_space<vmem>>
      %dma_wait3A_161 = arith.constant 0 : i32
      %dma_wait3A_162 = arith.constant 0 : i32
      %dma_wait3A_163 = tpu.memref_slice %arg2[%arg0, %dma_wait3A_161, %dma_wait3A_162] : memref<2x10240x64xbf16, #tpu.memory_space<hbm>> -> memref<1x10240x64xbf16, #tpu.memory_space<hbm>>
      %dma_wait3A_164 = tpu.memref_squeeze %dma_wait3A_163 : memref<1x10240x64xbf16, #tpu.memory_space<hbm>> -> memref<10240x64xbf16, #tpu.memory_space<hbm>>
      %dma_wait3A_165 = arith.constant 0 : i32
      %dma_wait3A_166 = arith.constant 0 : i32
      %dma_wait3A_167 = tpu.memref_slice %dma_wait3A_164[%dma_wait3A_165, %dma_wait3A_166] : memref<10240x64xbf16, #tpu.memory_space<hbm>> -> memref<10240x64xbf16, #tpu.memory_space<hbm>>
      tpu.wait_indirect_dma semaphore(%arg17 : memref<!tpu.dma_semaphore, #tpu.memory_space<semaphore_mem>>) src(%dma_wait3A_167 : memref<10240x64xbf16, #tpu.memory_space<hbm>>) dst(%arg9 : memref<125x64xbf16, #tpu.memory_space<vmem>>)
      "tpu.region"() ({
        %run_scoped3A_280 = tpu.sem_alloc : memref<!tpu.dma_semaphore, #tpu.memory_space<semaphore_mem>>
        %dma_start3A_281 = arith.constant 0 : i32
        %dma_start3A_282 = tpu.memref_slice %arg6[%add3A_157, %dma_start3A_281] : memref<160x125xi32, #tpu.memory_space<vmem>> -> memref<1x125xi32, #tpu.memory_space<vmem>>
        %dma_start3A_283 = tpu.memref_squeeze %dma_start3A_282 : memref<1x125xi32, #tpu.memory_space<vmem>> -> memref<125xi32, #tpu.memory_space<vmem>>
        %dma_start3A_284 = arith.constant 0 : i32
        %dma_start3A_285 = arith.constant 0 : i32
        %dma_start3A_286 = tpu.memref_slice %arg23[%dma_start3A_284, %dma_start3A_285] : memref<10240x64xbf16, #tpu.memory_space<vmem_shared>> -> memref<10240x64xbf16, #tpu.memory_space<vmem_shared>>
        tpu.enqueue_indirect_dma source(%arg9 : memref<125x64xbf16, #tpu.memory_space<vmem>>) target(%dma_start3A_286 : memref<10240x64xbf16, #tpu.memory_space<vmem_shared>>) offsets(%dma_start3A_283 : memref<125xi32, #tpu.memory_space<vmem>>) semaphore(%run_scoped3A_280 : memref<!tpu.dma_semaphore, #tpu.memory_space<semaphore_mem>>) {add = true}
        %dma_wait3A_287 = arith.constant 0 : i32
        %dma_wait3A_288 = tpu.memref_slice %arg6[%add3A_157, %dma_wait3A_287] : memref<160x125xi32, #tpu.memory_space<vmem>> -> memref<1x125xi32, #tpu.memory_space<vmem>>
        %dma_wait3A_289 = tpu.memref_squeeze %dma_wait3A_288 : memref<1x125xi32, #tpu.memory_space<vmem>> -> memref<125xi32, #tpu.memory_space<vmem>>
        %dma_wait3A_290 = arith.constant 0 : i32
        %dma_wait3A_291 = arith.constant 0 : i32
        %dma_wait3A_292 = tpu.memref_slice %arg23[%dma_wait3A_290, %dma_wait3A_291] : memref<10240x64xbf16, #tpu.memory_space<vmem_shared>> -> memref<10240x64xbf16, #tpu.memory_space<vmem_shared>>
        tpu.wait_indirect_dma semaphore(%run_scoped3A_280 : memref<!tpu.dma_semaphore, #tpu.memory_space<semaphore_mem>>) src(%arg9 : memref<125x64xbf16, #tpu.memory_space<vmem>>) dst(%dma_wait3A_292 : memref<10240x64xbf16, #tpu.memory_space<vmem_shared>>)
        tpu.yield
      }) : () -> ()
      %add3A_168 = arith.constant 8 : i32
      %add3A_169 = arith.addi %add3A_157, %add3A_168 : i32
      %lt3A_170 = arith.constant 160 : i32
      %lt3A_171 = arith.cmpi slt, %add3A_169, %lt3A_170 : i32
      %convert_element_type3A_172 = arith.extui %lt3A_171 : i1 to i32
      %cond3A_173 = arith.constant 0 : i32
      %cond3A_174 = arith.cmpi ne, %convert_element_type3A_172, %cond3A_173 : i32
      scf.if %cond3A_174 {
        %add3A_280 = arith.constant 8 : i32
        %add3A_281 = arith.addi %add3A_157, %add3A_280 : i32
        %dma_start3A_282 = arith.constant 0 : i32
        %dma_start3A_283 = tpu.memref_slice %arg5[%add3A_281, %dma_start3A_282] : memref<160x125xi32, #tpu.memory_space<vmem>> -> memref<1x125xi32, #tpu.memory_space<vmem>>
        %dma_start3A_284 = tpu.memref_squeeze %dma_start3A_283 : memref<1x125xi32, #tpu.memory_space<vmem>> -> memref<125xi32, #tpu.memory_space<vmem>>
        %dma_start3A_285 = arith.constant 0 : i32
        %dma_start3A_286 = arith.constant 0 : i32
        %dma_start3A_287 = tpu.memref_slice %arg2[%arg0, %dma_start3A_285, %dma_start3A_286] : memref<2x10240x64xbf16, #tpu.memory_space<hbm>> -> memref<1x10240x64xbf16, #tpu.memory_space<hbm>>
        %dma_start3A_288 = tpu.memref_squeeze %dma_start3A_287 : memref<1x10240x64xbf16, #tpu.memory_space<hbm>> -> memref<10240x64xbf16, #tpu.memory_space<hbm>>
        %dma_start3A_289 = arith.constant 0 : i32
        %dma_start3A_290 = arith.constant 0 : i32
        %dma_start3A_291 = tpu.memref_slice %dma_start3A_288[%dma_start3A_289, %dma_start3A_290] : memref<10240x64xbf16, #tpu.memory_space<hbm>> -> memref<10240x64xbf16, #tpu.memory_space<hbm>>
        tpu.enqueue_indirect_dma source(%dma_start3A_291 : memref<10240x64xbf16, #tpu.memory_space<hbm>>) target(%arg9 : memref<125x64xbf16, #tpu.memory_space<vmem>>) offsets(%dma_start3A_284 : memref<125xi32, #tpu.memory_space<vmem>>) semaphore(%arg17 : memref<!tpu.dma_semaphore, #tpu.memory_space<semaphore_mem>>)
      } else {
      }
      %mul3A_175 = arith.constant 8 : i32
      %mul3A_176 = arith.muli %scan3A_115, %mul3A_175 : i32
      %add3A_177 = arith.constant 3 : i32
      %add3A_178 = arith.addi %mul3A_176, %add3A_177 : i32
      %dma_wait3A_179 = arith.constant 0 : i32
      %dma_wait3A_180 = tpu.memref_slice %arg5[%add3A_178, %dma_wait3A_179] : memref<160x125xi32, #tpu.memory_space<vmem>> -> memref<1x125xi32, #tpu.memory_space<vmem>>
      %dma_wait3A_181 = tpu.memref_squeeze %dma_wait3A_180 : memref<1x125xi32, #tpu.memory_space<vmem>> -> memref<125xi32, #tpu.memory_space<vmem>>
      %dma_wait3A_182 = arith.constant 0 : i32
      %dma_wait3A_183 = arith.constant 0 : i32
      %dma_wait3A_184 = tpu.memref_slice %arg2[%arg0, %dma_wait3A_182, %dma_wait3A_183] : memref<2x10240x64xbf16, #tpu.memory_space<hbm>> -> memref<1x10240x64xbf16, #tpu.memory_space<hbm>>
      %dma_wait3A_185 = tpu.memref_squeeze %dma_wait3A_184 : memref<1x10240x64xbf16, #tpu.memory_space<hbm>> -> memref<10240x64xbf16, #tpu.memory_space<hbm>>
      %dma_wait3A_186 = arith.constant 0 : i32
      %dma_wait3A_187 = arith.constant 0 : i32
      %dma_wait3A_188 = tpu.memref_slice %dma_wait3A_185[%dma_wait3A_186, %dma_wait3A_187] : memref<10240x64xbf16, #tpu.memory_space<hbm>> -> memref<10240x64xbf16, #tpu.memory_space<hbm>>
      tpu.wait_indirect_dma semaphore(%arg18 : memref<!tpu.dma_semaphore, #tpu.memory_space<semaphore_mem>>) src(%dma_wait3A_188 : memref<10240x64xbf16, #tpu.memory_space<hbm>>) dst(%arg10 : memref<125x64xbf16, #tpu.memory_space<vmem>>)
      "tpu.region"() ({
        %run_scoped3A_280 = tpu.sem_alloc : memref<!tpu.dma_semaphore, #tpu.memory_space<semaphore_mem>>
        %dma_start3A_281 = arith.constant 0 : i32
        %dma_start3A_282 = tpu.memref_slice %arg6[%add3A_178, %dma_start3A_281] : memref<160x125xi32, #tpu.memory_space<vmem>> -> memref<1x125xi32, #tpu.memory_space<vmem>>
        %dma_start3A_283 = tpu.memref_squeeze %dma_start3A_282 : memref<1x125xi32, #tpu.memory_space<vmem>> -> memref<125xi32, #tpu.memory_space<vmem>>
        %dma_start3A_284 = arith.constant 0 : i32
        %dma_start3A_285 = arith.constant 0 : i32
        %dma_start3A_286 = tpu.memref_slice %arg23[%dma_start3A_284, %dma_start3A_285] : memref<10240x64xbf16, #tpu.memory_space<vmem_shared>> -> memref<10240x64xbf16, #tpu.memory_space<vmem_shared>>
        tpu.enqueue_indirect_dma source(%arg10 : memref<125x64xbf16, #tpu.memory_space<vmem>>) target(%dma_start3A_286 : memref<10240x64xbf16, #tpu.memory_space<vmem_shared>>) offsets(%dma_start3A_283 : memref<125xi32, #tpu.memory_space<vmem>>) semaphore(%run_scoped3A_280 : memref<!tpu.dma_semaphore, #tpu.memory_space<semaphore_mem>>) {add = true}
        %dma_wait3A_287 = arith.constant 0 : i32
        %dma_wait3A_288 = tpu.memref_slice %arg6[%add3A_178, %dma_wait3A_287] : memref<160x125xi32, #tpu.memory_space<vmem>> -> memref<1x125xi32, #tpu.memory_space<vmem>>
        %dma_wait3A_289 = tpu.memref_squeeze %dma_wait3A_288 : memref<1x125xi32, #tpu.memory_space<vmem>> -> memref<125xi32, #tpu.memory_space<vmem>>
        %dma_wait3A_290 = arith.constant 0 : i32
        %dma_wait3A_291 = arith.constant 0 : i32
        %dma_wait3A_292 = tpu.memref_slice %arg23[%dma_wait3A_290, %dma_wait3A_291] : memref<10240x64xbf16, #tpu.memory_space<vmem_shared>> -> memref<10240x64xbf16, #tpu.memory_space<vmem_shared>>
        tpu.wait_indirect_dma semaphore(%run_scoped3A_280 : memref<!tpu.dma_semaphore, #tpu.memory_space<semaphore_mem>>) src(%arg10 : memref<125x64xbf16, #tpu.memory_space<vmem>>) dst(%dma_wait3A_292 : memref<10240x64xbf16, #tpu.memory_space<vmem_shared>>)
        tpu.yield
      }) : () -> ()
      %add3A_189 = arith.constant 8 : i32
      %add3A_190 = arith.addi %add3A_178, %add3A_189 : i32
      %lt3A_191 = arith.constant 160 : i32
      %lt3A_192 = arith.cmpi slt, %add3A_190, %lt3A_191 : i32
      %convert_element_type3A_193 = arith.extui %lt3A_192 : i1 to i32
      %cond3A_194 = arith.constant 0 : i32
      %cond3A_195 = arith.cmpi ne, %convert_element_type3A_193, %cond3A_194 : i32
      scf.if %cond3A_195 {
        %add3A_280 = arith.constant 8 : i32
        %add3A_281 = arith.addi %add3A_178, %add3A_280 : i32
        %dma_start3A_282 = arith.constant 0 : i32
        %dma_start3A_283 = tpu.memref_slice %arg5[%add3A_281, %dma_start3A_282] : memref<160x125xi32, #tpu.memory_space<vmem>> -> memref<1x125xi32, #tpu.memory_space<vmem>>
        %dma_start3A_284 = tpu.memref_squeeze %dma_start3A_283 : memref<1x125xi32, #tpu.memory_space<vmem>> -> memref<125xi32, #tpu.memory_space<vmem>>
        %dma_start3A_285 = arith.constant 0 : i32
        %dma_start3A_286 = arith.constant 0 : i32
        %dma_start3A_287 = tpu.memref_slice %arg2[%arg0, %dma_start3A_285, %dma_start3A_286] : memref<2x10240x64xbf16, #tpu.memory_space<hbm>> -> memref<1x10240x64xbf16, #tpu.memory_space<hbm>>
        %dma_start3A_288 = tpu.memref_squeeze %dma_start3A_287 : memref<1x10240x64xbf16, #tpu.memory_space<hbm>> -> memref<10240x64xbf16, #tpu.memory_space<hbm>>
        %dma_start3A_289 = arith.constant 0 : i32
        %dma_start3A_290 = arith.constant 0 : i32
        %dma_start3A_291 = tpu.memref_slice %dma_start3A_288[%dma_start3A_289, %dma_start3A_290] : memref<10240x64xbf16, #tpu.memory_space<hbm>> -> memref<10240x64xbf16, #tpu.memory_space<hbm>>
        tpu.enqueue_indirect_dma source(%dma_start3A_291 : memref<10240x64xbf16, #tpu.memory_space<hbm>>) target(%arg10 : memref<125x64xbf16, #tpu.memory_space<vmem>>) offsets(%dma_start3A_284 : memref<125xi32, #tpu.memory_space<vmem>>) semaphore(%arg18 : memref<!tpu.dma_semaphore, #tpu.memory_space<semaphore_mem>>)
      } else {
      }
      %mul3A_196 = arith.constant 8 : i32
      %mul3A_197 = arith.muli %scan3A_115, %mul3A_196 : i32
      %add3A_198 = arith.constant 4 : i32
      %add3A_199 = arith.addi %mul3A_197, %add3A_198 : i32
      %dma_wait3A_200 = arith.constant 0 : i32
      %dma_wait3A_201 = tpu.memref_slice %arg5[%add3A_199, %dma_wait3A_200] : memref<160x125xi32, #tpu.memory_space<vmem>> -> memref<1x125xi32, #tpu.memory_space<vmem>>
      %dma_wait3A_202 = tpu.memref_squeeze %dma_wait3A_201 : memref<1x125xi32, #tpu.memory_space<vmem>> -> memref<125xi32, #tpu.memory_space<vmem>>
      %dma_wait3A_203 = arith.constant 0 : i32
      %dma_wait3A_204 = arith.constant 0 : i32
      %dma_wait3A_205 = tpu.memref_slice %arg2[%arg0, %dma_wait3A_203, %dma_wait3A_204] : memref<2x10240x64xbf16, #tpu.memory_space<hbm>> -> memref<1x10240x64xbf16, #tpu.memory_space<hbm>>
      %dma_wait3A_206 = tpu.memref_squeeze %dma_wait3A_205 : memref<1x10240x64xbf16, #tpu.memory_space<hbm>> -> memref<10240x64xbf16, #tpu.memory_space<hbm>>
      %dma_wait3A_207 = arith.constant 0 : i32
      %dma_wait3A_208 = arith.constant 0 : i32
      %dma_wait3A_209 = tpu.memref_slice %dma_wait3A_206[%dma_wait3A_207, %dma_wait3A_208] : memref<10240x64xbf16, #tpu.memory_space<hbm>> -> memref<10240x64xbf16, #tpu.memory_space<hbm>>
      tpu.wait_indirect_dma semaphore(%arg19 : memref<!tpu.dma_semaphore, #tpu.memory_space<semaphore_mem>>) src(%dma_wait3A_209 : memref<10240x64xbf16, #tpu.memory_space<hbm>>) dst(%arg11 : memref<125x64xbf16, #tpu.memory_space<vmem>>)
      "tpu.region"() ({
        %run_scoped3A_280 = tpu.sem_alloc : memref<!tpu.dma_semaphore, #tpu.memory_space<semaphore_mem>>
        %dma_start3A_281 = arith.constant 0 : i32
        %dma_start3A_282 = tpu.memref_slice %arg6[%add3A_199, %dma_start3A_281] : memref<160x125xi32, #tpu.memory_space<vmem>> -> memref<1x125xi32, #tpu.memory_space<vmem>>
        %dma_start3A_283 = tpu.memref_squeeze %dma_start3A_282 : memref<1x125xi32, #tpu.memory_space<vmem>> -> memref<125xi32, #tpu.memory_space<vmem>>
        %dma_start3A_284 = arith.constant 0 : i32
        %dma_start3A_285 = arith.constant 0 : i32
        %dma_start3A_286 = tpu.memref_slice %arg23[%dma_start3A_284, %dma_start3A_285] : memref<10240x64xbf16, #tpu.memory_space<vmem_shared>> -> memref<10240x64xbf16, #tpu.memory_space<vmem_shared>>
        tpu.enqueue_indirect_dma source(%arg11 : memref<125x64xbf16, #tpu.memory_space<vmem>>) target(%dma_start3A_286 : memref<10240x64xbf16, #tpu.memory_space<vmem_shared>>) offsets(%dma_start3A_283 : memref<125xi32, #tpu.memory_space<vmem>>) semaphore(%run_scoped3A_280 : memref<!tpu.dma_semaphore, #tpu.memory_space<semaphore_mem>>) {add = true}
        %dma_wait3A_287 = arith.constant 0 : i32
        %dma_wait3A_288 = tpu.memref_slice %arg6[%add3A_199, %dma_wait3A_287] : memref<160x125xi32, #tpu.memory_space<vmem>> -> memref<1x125xi32, #tpu.memory_space<vmem>>
        %dma_wait3A_289 = tpu.memref_squeeze %dma_wait3A_288 : memref<1x125xi32, #tpu.memory_space<vmem>> -> memref<125xi32, #tpu.memory_space<vmem>>
        %dma_wait3A_290 = arith.constant 0 : i32
        %dma_wait3A_291 = arith.constant 0 : i32
        %dma_wait3A_292 = tpu.memref_slice %arg23[%dma_wait3A_290, %dma_wait3A_291] : memref<10240x64xbf16, #tpu.memory_space<vmem_shared>> -> memref<10240x64xbf16, #tpu.memory_space<vmem_shared>>
        tpu.wait_indirect_dma semaphore(%run_scoped3A_280 : memref<!tpu.dma_semaphore, #tpu.memory_space<semaphore_mem>>) src(%arg11 : memref<125x64xbf16, #tpu.memory_space<vmem>>) dst(%dma_wait3A_292 : memref<10240x64xbf16, #tpu.memory_space<vmem_shared>>)
        tpu.yield
      }) : () -> ()
      %add3A_210 = arith.constant 8 : i32
      %add3A_211 = arith.addi %add3A_199, %add3A_210 : i32
      %lt3A_212 = arith.constant 160 : i32
      %lt3A_213 = arith.cmpi slt, %add3A_211, %lt3A_212 : i32
      %convert_element_type3A_214 = arith.extui %lt3A_213 : i1 to i32
      %cond3A_215 = arith.constant 0 : i32
      %cond3A_216 = arith.cmpi ne, %convert_element_type3A_214, %cond3A_215 : i32
      scf.if %cond3A_216 {
        %add3A_280 = arith.constant 8 : i32
        %add3A_281 = arith.addi %add3A_199, %add3A_280 : i32
        %dma_start3A_282 = arith.constant 0 : i32
        %dma_start3A_283 = tpu.memref_slice %arg5[%add3A_281, %dma_start3A_282] : memref<160x125xi32, #tpu.memory_space<vmem>> -> memref<1x125xi32, #tpu.memory_space<vmem>>
        %dma_start3A_284 = tpu.memref_squeeze %dma_start3A_283 : memref<1x125xi32, #tpu.memory_space<vmem>> -> memref<125xi32, #tpu.memory_space<vmem>>
        %dma_start3A_285 = arith.constant 0 : i32
        %dma_start3A_286 = arith.constant 0 : i32
        %dma_start3A_287 = tpu.memref_slice %arg2[%arg0, %dma_start3A_285, %dma_start3A_286] : memref<2x10240x64xbf16, #tpu.memory_space<hbm>> -> memref<1x10240x64xbf16, #tpu.memory_space<hbm>>
        %dma_start3A_288 = tpu.memref_squeeze %dma_start3A_287 : memref<1x10240x64xbf16, #tpu.memory_space<hbm>> -> memref<10240x64xbf16, #tpu.memory_space<hbm>>
        %dma_start3A_289 = arith.constant 0 : i32
        %dma_start3A_290 = arith.constant 0 : i32
        %dma_start3A_291 = tpu.memref_slice %dma_start3A_288[%dma_start3A_289, %dma_start3A_290] : memref<10240x64xbf16, #tpu.memory_space<hbm>> -> memref<10240x64xbf16, #tpu.memory_space<hbm>>
        tpu.enqueue_indirect_dma source(%dma_start3A_291 : memref<10240x64xbf16, #tpu.memory_space<hbm>>) target(%arg11 : memref<125x64xbf16, #tpu.memory_space<vmem>>) offsets(%dma_start3A_284 : memref<125xi32, #tpu.memory_space<vmem>>) semaphore(%arg19 : memref<!tpu.dma_semaphore, #tpu.memory_space<semaphore_mem>>)
      } else {
      }
      %mul3A_217 = arith.constant 8 : i32
      %mul3A_218 = arith.muli %scan3A_115, %mul3A_217 : i32
      %add3A_219 = arith.constant 5 : i32
      %add3A_220 = arith.addi %mul3A_218, %add3A_219 : i32
      %dma_wait3A_221 = arith.constant 0 : i32
      %dma_wait3A_222 = tpu.memref_slice %arg5[%add3A_220, %dma_wait3A_221] : memref<160x125xi32, #tpu.memory_space<vmem>> -> memref<1x125xi32, #tpu.memory_space<vmem>>
      %dma_wait3A_223 = tpu.memref_squeeze %dma_wait3A_222 : memref<1x125xi32, #tpu.memory_space<vmem>> -> memref<125xi32, #tpu.memory_space<vmem>>
      %dma_wait3A_224 = arith.constant 0 : i32
      %dma_wait3A_225 = arith.constant 0 : i32
      %dma_wait3A_226 = tpu.memref_slice %arg2[%arg0, %dma_wait3A_224, %dma_wait3A_225] : memref<2x10240x64xbf16, #tpu.memory_space<hbm>> -> memref<1x10240x64xbf16, #tpu.memory_space<hbm>>
      %dma_wait3A_227 = tpu.memref_squeeze %dma_wait3A_226 : memref<1x10240x64xbf16, #tpu.memory_space<hbm>> -> memref<10240x64xbf16, #tpu.memory_space<hbm>>
      %dma_wait3A_228 = arith.constant 0 : i32
      %dma_wait3A_229 = arith.constant 0 : i32
      %dma_wait3A_230 = tpu.memref_slice %dma_wait3A_227[%dma_wait3A_228, %dma_wait3A_229] : memref<10240x64xbf16, #tpu.memory_space<hbm>> -> memref<10240x64xbf16, #tpu.memory_space<hbm>>
      tpu.wait_indirect_dma semaphore(%arg20 : memref<!tpu.dma_semaphore, #tpu.memory_space<semaphore_mem>>) src(%dma_wait3A_230 : memref<10240x64xbf16, #tpu.memory_space<hbm>>) dst(%arg12 : memref<125x64xbf16, #tpu.memory_space<vmem>>)
      "tpu.region"() ({
        %run_scoped3A_280 = tpu.sem_alloc : memref<!tpu.dma_semaphore, #tpu.memory_space<semaphore_mem>>
        %dma_start3A_281 = arith.constant 0 : i32
        %dma_start3A_282 = tpu.memref_slice %arg6[%add3A_220, %dma_start3A_281] : memref<160x125xi32, #tpu.memory_space<vmem>> -> memref<1x125xi32, #tpu.memory_space<vmem>>
        %dma_start3A_283 = tpu.memref_squeeze %dma_start3A_282 : memref<1x125xi32, #tpu.memory_space<vmem>> -> memref<125xi32, #tpu.memory_space<vmem>>
        %dma_start3A_284 = arith.constant 0 : i32
        %dma_start3A_285 = arith.constant 0 : i32
        %dma_start3A_286 = tpu.memref_slice %arg23[%dma_start3A_284, %dma_start3A_285] : memref<10240x64xbf16, #tpu.memory_space<vmem_shared>> -> memref<10240x64xbf16, #tpu.memory_space<vmem_shared>>
        tpu.enqueue_indirect_dma source(%arg12 : memref<125x64xbf16, #tpu.memory_space<vmem>>) target(%dma_start3A_286 : memref<10240x64xbf16, #tpu.memory_space<vmem_shared>>) offsets(%dma_start3A_283 : memref<125xi32, #tpu.memory_space<vmem>>) semaphore(%run_scoped3A_280 : memref<!tpu.dma_semaphore, #tpu.memory_space<semaphore_mem>>) {add = true}
        %dma_wait3A_287 = arith.constant 0 : i32
        %dma_wait3A_288 = tpu.memref_slice %arg6[%add3A_220, %dma_wait3A_287] : memref<160x125xi32, #tpu.memory_space<vmem>> -> memref<1x125xi32, #tpu.memory_space<vmem>>
        %dma_wait3A_289 = tpu.memref_squeeze %dma_wait3A_288 : memref<1x125xi32, #tpu.memory_space<vmem>> -> memref<125xi32, #tpu.memory_space<vmem>>
        %dma_wait3A_290 = arith.constant 0 : i32
        %dma_wait3A_291 = arith.constant 0 : i32
        %dma_wait3A_292 = tpu.memref_slice %arg23[%dma_wait3A_290, %dma_wait3A_291] : memref<10240x64xbf16, #tpu.memory_space<vmem_shared>> -> memref<10240x64xbf16, #tpu.memory_space<vmem_shared>>
        tpu.wait_indirect_dma semaphore(%run_scoped3A_280 : memref<!tpu.dma_semaphore, #tpu.memory_space<semaphore_mem>>) src(%arg12 : memref<125x64xbf16, #tpu.memory_space<vmem>>) dst(%dma_wait3A_292 : memref<10240x64xbf16, #tpu.memory_space<vmem_shared>>)
        tpu.yield
      }) : () -> ()
      %add3A_231 = arith.constant 8 : i32
      %add3A_232 = arith.addi %add3A_220, %add3A_231 : i32
      %lt3A_233 = arith.constant 160 : i32
      %lt3A_234 = arith.cmpi slt, %add3A_232, %lt3A_233 : i32
      %convert_element_type3A_235 = arith.extui %lt3A_234 : i1 to i32
      %cond3A_236 = arith.constant 0 : i32
      %cond3A_237 = arith.cmpi ne, %convert_element_type3A_235, %cond3A_236 : i32
      scf.if %cond3A_237 {
        %add3A_280 = arith.constant 8 : i32
        %add3A_281 = arith.addi %add3A_220, %add3A_280 : i32
        %dma_start3A_282 = arith.constant 0 : i32
        %dma_start3A_283 = tpu.memref_slice %arg5[%add3A_281, %dma_start3A_282] : memref<160x125xi32, #tpu.memory_space<vmem>> -> memref<1x125xi32, #tpu.memory_space<vmem>>
        %dma_start3A_284 = tpu.memref_squeeze %dma_start3A_283 : memref<1x125xi32, #tpu.memory_space<vmem>> -> memref<125xi32, #tpu.memory_space<vmem>>
        %dma_start3A_285 = arith.constant 0 : i32
        %dma_start3A_286 = arith.constant 0 : i32
        %dma_start3A_287 = tpu.memref_slice %arg2[%arg0, %dma_start3A_285, %dma_start3A_286] : memref<2x10240x64xbf16, #tpu.memory_space<hbm>> -> memref<1x10240x64xbf16, #tpu.memory_space<hbm>>
        %dma_start3A_288 = tpu.memref_squeeze %dma_start3A_287 : memref<1x10240x64xbf16, #tpu.memory_space<hbm>> -> memref<10240x64xbf16, #tpu.memory_space<hbm>>
        %dma_start3A_289 = arith.constant 0 : i32
        %dma_start3A_290 = arith.constant 0 : i32
        %dma_start3A_291 = tpu.memref_slice %dma_start3A_288[%dma_start3A_289, %dma_start3A_290] : memref<10240x64xbf16, #tpu.memory_space<hbm>> -> memref<10240x64xbf16, #tpu.memory_space<hbm>>
        tpu.enqueue_indirect_dma source(%dma_start3A_291 : memref<10240x64xbf16, #tpu.memory_space<hbm>>) target(%arg12 : memref<125x64xbf16, #tpu.memory_space<vmem>>) offsets(%dma_start3A_284 : memref<125xi32, #tpu.memory_space<vmem>>) semaphore(%arg20 : memref<!tpu.dma_semaphore, #tpu.memory_space<semaphore_mem>>)
      } else {
      }
      %mul3A_238 = arith.constant 8 : i32
      %mul3A_239 = arith.muli %scan3A_115, %mul3A_238 : i32
      %add3A_240 = arith.constant 6 : i32
      %add3A_241 = arith.addi %mul3A_239, %add3A_240 : i32
      %dma_wait3A_242 = arith.constant 0 : i32
      %dma_wait3A_243 = tpu.memref_slice %arg5[%add3A_241, %dma_wait3A_242] : memref<160x125xi32, #tpu.memory_space<vmem>> -> memref<1x125xi32, #tpu.memory_space<vmem>>
      %dma_wait3A_244 = tpu.memref_squeeze %dma_wait3A_243 : memref<1x125xi32, #tpu.memory_space<vmem>> -> memref<125xi32, #tpu.memory_space<vmem>>
      %dma_wait3A_245 = arith.constant 0 : i32
      %dma_wait3A_246 = arith.constant 0 : i32
      %dma_wait3A_247 = tpu.memref_slice %arg2[%arg0, %dma_wait3A_245, %dma_wait3A_246] : memref<2x10240x64xbf16, #tpu.memory_space<hbm>> -> memref<1x10240x64xbf16, #tpu.memory_space<hbm>>
      %dma_wait3A_248 = tpu.memref_squeeze %dma_wait3A_247 : memref<1x10240x64xbf16, #tpu.memory_space<hbm>> -> memref<10240x64xbf16, #tpu.memory_space<hbm>>
      %dma_wait3A_249 = arith.constant 0 : i32
      %dma_wait3A_250 = arith.constant 0 : i32
      %dma_wait3A_251 = tpu.memref_slice %dma_wait3A_248[%dma_wait3A_249, %dma_wait3A_250] : memref<10240x64xbf16, #tpu.memory_space<hbm>> -> memref<10240x64xbf16, #tpu.memory_space<hbm>>
      tpu.wait_indirect_dma semaphore(%arg21 : memref<!tpu.dma_semaphore, #tpu.memory_space<semaphore_mem>>) src(%dma_wait3A_251 : memref<10240x64xbf16, #tpu.memory_space<hbm>>) dst(%arg13 : memref<125x64xbf16, #tpu.memory_space<vmem>>)
      "tpu.region"() ({
        %run_scoped3A_280 = tpu.sem_alloc : memref<!tpu.dma_semaphore, #tpu.memory_space<semaphore_mem>>
        %dma_start3A_281 = arith.constant 0 : i32
        %dma_start3A_282 = tpu.memref_slice %arg6[%add3A_241, %dma_start3A_281] : memref<160x125xi32, #tpu.memory_space<vmem>> -> memref<1x125xi32, #tpu.memory_space<vmem>>
        %dma_start3A_283 = tpu.memref_squeeze %dma_start3A_282 : memref<1x125xi32, #tpu.memory_space<vmem>> -> memref<125xi32, #tpu.memory_space<vmem>>
        %dma_start3A_284 = arith.constant 0 : i32
        %dma_start3A_285 = arith.constant 0 : i32
        %dma_start3A_286 = tpu.memref_slice %arg23[%dma_start3A_284, %dma_start3A_285] : memref<10240x64xbf16, #tpu.memory_space<vmem_shared>> -> memref<10240x64xbf16, #tpu.memory_space<vmem_shared>>
        tpu.enqueue_indirect_dma source(%arg13 : memref<125x64xbf16, #tpu.memory_space<vmem>>) target(%dma_start3A_286 : memref<10240x64xbf16, #tpu.memory_space<vmem_shared>>) offsets(%dma_start3A_283 : memref<125xi32, #tpu.memory_space<vmem>>) semaphore(%run_scoped3A_280 : memref<!tpu.dma_semaphore, #tpu.memory_space<semaphore_mem>>) {add = true}
        %dma_wait3A_287 = arith.constant 0 : i32
        %dma_wait3A_288 = tpu.memref_slice %arg6[%add3A_241, %dma_wait3A_287] : memref<160x125xi32, #tpu.memory_space<vmem>> -> memref<1x125xi32, #tpu.memory_space<vmem>>
        %dma_wait3A_289 = tpu.memref_squeeze %dma_wait3A_288 : memref<1x125xi32, #tpu.memory_space<vmem>> -> memref<125xi32, #tpu.memory_space<vmem>>
        %dma_wait3A_290 = arith.constant 0 : i32
        %dma_wait3A_291 = arith.constant 0 : i32
        %dma_wait3A_292 = tpu.memref_slice %arg23[%dma_wait3A_290, %dma_wait3A_291] : memref<10240x64xbf16, #tpu.memory_space<vmem_shared>> -> memref<10240x64xbf16, #tpu.memory_space<vmem_shared>>
        tpu.wait_indirect_dma semaphore(%run_scoped3A_280 : memref<!tpu.dma_semaphore, #tpu.memory_space<semaphore_mem>>) src(%arg13 : memref<125x64xbf16, #tpu.memory_space<vmem>>) dst(%dma_wait3A_292 : memref<10240x64xbf16, #tpu.memory_space<vmem_shared>>)
        tpu.yield
      }) : () -> ()
      %add3A_252 = arith.constant 8 : i32
      %add3A_253 = arith.addi %add3A_241, %add3A_252 : i32
      %lt3A_254 = arith.constant 160 : i32
      %lt3A_255 = arith.cmpi slt, %add3A_253, %lt3A_254 : i32
      %convert_element_type3A_256 = arith.extui %lt3A_255 : i1 to i32
      %cond3A_257 = arith.constant 0 : i32
      %cond3A_258 = arith.cmpi ne, %convert_element_type3A_256, %cond3A_257 : i32
      scf.if %cond3A_258 {
        %add3A_280 = arith.constant 8 : i32
        %add3A_281 = arith.addi %add3A_241, %add3A_280 : i32
        %dma_start3A_282 = arith.constant 0 : i32
        %dma_start3A_283 = tpu.memref_slice %arg5[%add3A_281, %dma_start3A_282] : memref<160x125xi32, #tpu.memory_space<vmem>> -> memref<1x125xi32, #tpu.memory_space<vmem>>
        %dma_start3A_284 = tpu.memref_squeeze %dma_start3A_283 : memref<1x125xi32, #tpu.memory_space<vmem>> -> memref<125xi32, #tpu.memory_space<vmem>>
        %dma_start3A_285 = arith.constant 0 : i32
        %dma_start3A_286 = arith.constant 0 : i32
        %dma_start3A_287 = tpu.memref_slice %arg2[%arg0, %dma_start3A_285, %dma_start3A_286] : memref<2x10240x64xbf16, #tpu.memory_space<hbm>> -> memref<1x10240x64xbf16, #tpu.memory_space<hbm>>
        %dma_start3A_288 = tpu.memref_squeeze %dma_start3A_287 : memref<1x10240x64xbf16, #tpu.memory_space<hbm>> -> memref<10240x64xbf16, #tpu.memory_space<hbm>>
        %dma_start3A_289 = arith.constant 0 : i32
        %dma_start3A_290 = arith.constant 0 : i32
        %dma_start3A_291 = tpu.memref_slice %dma_start3A_288[%dma_start3A_289, %dma_start3A_290] : memref<10240x64xbf16, #tpu.memory_space<hbm>> -> memref<10240x64xbf16, #tpu.memory_space<hbm>>
        tpu.enqueue_indirect_dma source(%dma_start3A_291 : memref<10240x64xbf16, #tpu.memory_space<hbm>>) target(%arg13 : memref<125x64xbf16, #tpu.memory_space<vmem>>) offsets(%dma_start3A_284 : memref<125xi32, #tpu.memory_space<vmem>>) semaphore(%arg21 : memref<!tpu.dma_semaphore, #tpu.memory_space<semaphore_mem>>)
      } else {
      }
      %mul3A_259 = arith.constant 8 : i32
      %mul3A_260 = arith.muli %scan3A_115, %mul3A_259 : i32
      %add3A_261 = arith.constant 7 : i32
      %add3A_262 = arith.addi %mul3A_260, %add3A_261 : i32
      %dma_wait3A_263 = arith.constant 0 : i32
      %dma_wait3A_264 = tpu.memref_slice %arg5[%add3A_262, %dma_wait3A_263] : memref<160x125xi32, #tpu.memory_space<vmem>> -> memref<1x125xi32, #tpu.memory_space<vmem>>
      %dma_wait3A_265 = tpu.memref_squeeze %dma_wait3A_264 : memref<1x125xi32, #tpu.memory_space<vmem>> -> memref<125xi32, #tpu.memory_space<vmem>>
      %dma_wait3A_266 = arith.constant 0 : i32
      %dma_wait3A_267 = arith.constant 0 : i32
      %dma_wait3A_268 = tpu.memref_slice %arg2[%arg0, %dma_wait3A_266, %dma_wait3A_267] : memref<2x10240x64xbf16, #tpu.memory_space<hbm>> -> memref<1x10240x64xbf16, #tpu.memory_space<hbm>>
      %dma_wait3A_269 = tpu.memref_squeeze %dma_wait3A_268 : memref<1x10240x64xbf16, #tpu.memory_space<hbm>> -> memref<10240x64xbf16, #tpu.memory_space<hbm>>
      %dma_wait3A_270 = arith.constant 0 : i32
      %dma_wait3A_271 = arith.constant 0 : i32
      %dma_wait3A_272 = tpu.memref_slice %dma_wait3A_269[%dma_wait3A_270, %dma_wait3A_271] : memref<10240x64xbf16, #tpu.memory_space<hbm>> -> memref<10240x64xbf16, #tpu.memory_space<hbm>>
      tpu.wait_indirect_dma semaphore(%arg22 : memref<!tpu.dma_semaphore, #tpu.memory_space<semaphore_mem>>) src(%dma_wait3A_272 : memref<10240x64xbf16, #tpu.memory_space<hbm>>) dst(%arg14 : memref<125x64xbf16, #tpu.memory_space<vmem>>)
      "tpu.region"() ({
        %run_scoped3A_280 = tpu.sem_alloc : memref<!tpu.dma_semaphore, #tpu.memory_space<semaphore_mem>>
        %dma_start3A_281 = arith.constant 0 : i32
        %dma_start3A_282 = tpu.memref_slice %arg6[%add3A_262, %dma_start3A_281] : memref<160x125xi32, #tpu.memory_space<vmem>> -> memref<1x125xi32, #tpu.memory_space<vmem>>
        %dma_start3A_283 = tpu.memref_squeeze %dma_start3A_282 : memref<1x125xi32, #tpu.memory_space<vmem>> -> memref<125xi32, #tpu.memory_space<vmem>>
        %dma_start3A_284 = arith.constant 0 : i32
        %dma_start3A_285 = arith.constant 0 : i32
        %dma_start3A_286 = tpu.memref_slice %arg23[%dma_start3A_284, %dma_start3A_285] : memref<10240x64xbf16, #tpu.memory_space<vmem_shared>> -> memref<10240x64xbf16, #tpu.memory_space<vmem_shared>>
        tpu.enqueue_indirect_dma source(%arg14 : memref<125x64xbf16, #tpu.memory_space<vmem>>) target(%dma_start3A_286 : memref<10240x64xbf16, #tpu.memory_space<vmem_shared>>) offsets(%dma_start3A_283 : memref<125xi32, #tpu.memory_space<vmem>>) semaphore(%run_scoped3A_280 : memref<!tpu.dma_semaphore, #tpu.memory_space<semaphore_mem>>) {add = true}
        %dma_wait3A_287 = arith.constant 0 : i32
        %dma_wait3A_288 = tpu.memref_slice %arg6[%add3A_262, %dma_wait3A_287] : memref<160x125xi32, #tpu.memory_space<vmem>> -> memref<1x125xi32, #tpu.memory_space<vmem>>
        %dma_wait3A_289 = tpu.memref_squeeze %dma_wait3A_288 : memref<1x125xi32, #tpu.memory_space<vmem>> -> memref<125xi32, #tpu.memory_space<vmem>>
        %dma_wait3A_290 = arith.constant 0 : i32
        %dma_wait3A_291 = arith.constant 0 : i32
        %dma_wait3A_292 = tpu.memref_slice %arg23[%dma_wait3A_290, %dma_wait3A_291] : memref<10240x64xbf16, #tpu.memory_space<vmem_shared>> -> memref<10240x64xbf16, #tpu.memory_space<vmem_shared>>
        tpu.wait_indirect_dma semaphore(%run_scoped3A_280 : memref<!tpu.dma_semaphore, #tpu.memory_space<semaphore_mem>>) src(%arg14 : memref<125x64xbf16, #tpu.memory_space<vmem>>) dst(%dma_wait3A_292 : memref<10240x64xbf16, #tpu.memory_space<vmem_shared>>)
        tpu.yield
      }) : () -> ()
      %add3A_273 = arith.constant 8 : i32
      %add3A_274 = arith.addi %add3A_262, %add3A_273 : i32
      %lt3A_275 = arith.constant 160 : i32
      %lt3A_276 = arith.cmpi slt, %add3A_274, %lt3A_275 : i32
      %convert_element_type3A_277 = arith.extui %lt3A_276 : i1 to i32
      %cond3A_278 = arith.constant 0 : i32
      %cond3A_279 = arith.cmpi ne, %convert_element_type3A_277, %cond3A_278 : i32
      scf.if %cond3A_279 {
        %add3A_280 = arith.constant 8 : i32
        %add3A_281 = arith.addi %add3A_262, %add3A_280 : i32
        %dma_start3A_282 = arith.constant 0 : i32
        %dma_start3A_283 = tpu.memref_slice %arg5[%add3A_281, %dma_start3A_282] : memref<160x125xi32, #tpu.memory_space<vmem>> -> memref<1x125xi32, #tpu.memory_space<vmem>>
        %dma_start3A_284 = tpu.memref_squeeze %dma_start3A_283 : memref<1x125xi32, #tpu.memory_space<vmem>> -> memref<125xi32, #tpu.memory_space<vmem>>
        %dma_start3A_285 = arith.constant 0 : i32
        %dma_start3A_286 = arith.constant 0 : i32
        %dma_start3A_287 = tpu.memref_slice %arg2[%arg0, %dma_start3A_285, %dma_start3A_286] : memref<2x10240x64xbf16, #tpu.memory_space<hbm>> -> memref<1x10240x64xbf16, #tpu.memory_space<hbm>>
        %dma_start3A_288 = tpu.memref_squeeze %dma_start3A_287 : memref<1x10240x64xbf16, #tpu.memory_space<hbm>> -> memref<10240x64xbf16, #tpu.memory_space<hbm>>
        %dma_start3A_289 = arith.constant 0 : i32
        %dma_start3A_290 = arith.constant 0 : i32
        %dma_start3A_291 = tpu.memref_slice %dma_start3A_288[%dma_start3A_289, %dma_start3A_290] : memref<10240x64xbf16, #tpu.memory_space<hbm>> -> memref<10240x64xbf16, #tpu.memory_space<hbm>>
        tpu.enqueue_indirect_dma source(%dma_start3A_291 : memref<10240x64xbf16, #tpu.memory_space<hbm>>) target(%arg14 : memref<125x64xbf16, #tpu.memory_space<vmem>>) offsets(%dma_start3A_284 : memref<125xi32, #tpu.memory_space<vmem>>) semaphore(%arg22 : memref<!tpu.dma_semaphore, #tpu.memory_space<semaphore_mem>>)
      } else {
      }
    }
    %scan3A_111 = arith.constant 20 : i32
    %barrier3A_112 = arith.constant 0 : index
    tpu.barrier barrier_id(%barrier3A_112)
    %mul3A_113 = arith.constant 64 : i32
    %mul3A_114 = arith.muli %arg0, %mul3A_113 : i32
    "tpu.region"() ({
      %run_scoped3A_115 = tpu.sem_alloc : memref<!tpu.dma_semaphore, #tpu.memory_space<semaphore_mem>>
      %dma_start3A_116 = tpu.memref_slice %arg4[%mul3A_0, %mul3A_114] : memref<10240x128xbf16, #tpu.memory_space<hbm>> -> memref<640x64xbf16, #tpu.memory_space<hbm>>
      %dma_start3A_117 = arith.constant 0 : i32
      %dma_start3A_118 = tpu.memref_slice %arg23[%mul3A_0, %dma_start3A_117] : memref<10240x64xbf16, #tpu.memory_space<vmem_shared>> -> memref<640x64xbf16, #tpu.memory_space<vmem_shared>>
      tpu.enqueue_dma source(%dma_start3A_118 : memref<640x64xbf16, #tpu.memory_space<vmem_shared>>) target(%dma_start3A_116 : memref<640x64xbf16, #tpu.memory_space<hbm>>) target_semaphore(%run_scoped3A_115 : memref<!tpu.dma_semaphore, #tpu.memory_space<semaphore_mem>>)
      %dma_wait3A = tpu.memref_slice %arg4[%mul3A_0, %mul3A_114] : memref<10240x128xbf16, #tpu.memory_space<hbm>> -> memref<640x64xbf16, #tpu.memory_space<hbm>>
      %dma_wait3A_119 = arith.constant 0 : i32
      %dma_wait3A_120 = tpu.memref_slice %arg23[%mul3A_0, %dma_wait3A_119] : memref<10240x64xbf16, #tpu.memory_space<vmem_shared>> -> memref<640x64xbf16, #tpu.memory_space<vmem_shared>>
      tpu.wait_dma2 semaphore(%run_scoped3A_115 : memref<!tpu.dma_semaphore, #tpu.memory_space<semaphore_mem>>) src(%dma_wait3A_120 : memref<640x64xbf16, #tpu.memory_space<vmem_shared>>) dst(%dma_wait3A : memref<640x64xbf16, #tpu.memory_space<hbm>>)
      tpu.yield
    }) : () -> ()
    return
  }
}

module attributes {stable_mosaic.version = 14 : i64} {
  func.func @_tc1a_body(%arg0: i32, %arg1: memref<1000x128xf32, #tpu.memory_space<vmem>>, %arg2: memref<128x128xf32, #tpu.memory_space<vmem>>, %arg3: memref<1000x128xf32, #tpu.memory_space<vmem>>) attributes {dimension_semantics = [#tpu.dimension_semantics<arbitrary>], iteration_bounds = array<i64: 10>, scalar_prefetch = 0 : i64, scratch_operands = 0 : i64, tpu.core_type = #tpu.core_type<tc>, window_params = [{transform_indices = @transform_0, window_bounds = array<i64: 1000, 128>}, {pipeline_mode = #tpu.pipeline_mode<synchronous>, transform_indices = @transform_1, window_bounds = array<i64: 128, 128>}, {transform_indices = @transform_2, window_bounds = array<i64: 1000, 128>}]} {
    %get3A = arith.constant 0 : index
    %get3A_0 = arith.constant 0 : index
    %get3A_1 = vector.load %arg1[%get3A, %get3A_0] : memref<1000x128xf32, #tpu.memory_space<vmem>>, vector<1000x128xf32>
    %get3A_2 = arith.constant 0 : index
    %get3A_3 = arith.constant 0 : index
    %get3A_4 = vector.load %arg2[%get3A_2, %get3A_3] : memref<128x128xf32, #tpu.memory_space<vmem>>, vector<128x128xf32>
    %dot_general3A = arith.constant dense<0.000000e+00> : vector<1000x128xf32>
    %dot_general3A_5 = tpu.matmul %get3A_1, %get3A_4, %dot_general3A {dimension_numbers = #tpu.dot_dimension_numbers<[1], [1], [0], [0], [0, 0, 1, 0], [], []>, transpose_lhs_hint = false} : vector<1000x128xf32>, vector<128x128xf32>, vector<1000x128xf32> -> vector<1000x128xf32>
    %swap3A = arith.constant 0 : index
    %swap3A_6 = arith.constant 0 : index
    %swap3A_7 = vector.load %arg3[%swap3A, %swap3A_6] : memref<1000x128xf32, #tpu.memory_space<vmem>>, vector<1000x128xf32>
    tpu.vector_store %arg3[%swap3A, %swap3A_6], %dot_general3A_5 {strides = array<i32>} : memref<1000x128xf32, #tpu.memory_space<vmem>>, vector<1000x128xf32>,
    return
  }
  func.func @transform_0(%arg0: i32) -> (i32, i32) {
    %c0_i32 = arith.constant 0 : i32
    %c0_i32_0 = arith.constant 0 : i32
    return %arg0, %c0_i32 : i32, i32
  }
  func.func @transform_1(%arg0: i32) -> (i32, i32) {
    %c0_i32 = arith.constant 0 : i32
    %c0_i32_0 = arith.constant 0 : i32
    %c0_i32_1 = arith.constant 0 : i32
    return %c0_i32, %c0_i32_0 : i32, i32
  }
  func.func @transform_2(%arg0: i32) -> (i32, i32) {
    %c0_i32 = arith.constant 0 : i32
    %c0_i32_0 = arith.constant 0 : i32
    return %arg0, %c0_i32 : i32, i32
  }
}

module attributes {stable_mosaic.version = 14 : i64} {
  func.func @_tc1b_body(%arg0: i32, %arg1: memref<2x2048xf32, #tpu.memory_space<vmem>>, %arg2: memref<2048x128xf32, #tpu.memory_space<vmem>>, %arg3: memref<2x2048x64xbf16, #tpu.memory_space<vmem>>, %arg4: memref<2048xf32, #tpu.memory_space<vmem>>) attributes {dimension_semantics = [#tpu.dimension_semantics<arbitrary>], iteration_bounds = array<i64: 5>, scalar_prefetch = 0 : i64, scratch_operands = 0 : i64, tpu.core_type = #tpu.core_type<tc>, window_params = [{transform_indices = @transform_0, window_bounds = array<i64: 2, 2048>}, {transform_indices = @transform_1, window_bounds = array<i64: 2048, 128>}, {transform_indices = @transform_2, window_bounds = array<i64: 2, 2048, 64>}, {transform_indices = @transform_3, window_bounds = array<i64: 2048>}]} {
    %get3A = arith.constant 0 : index
    %get3A_0 = arith.constant 0 : index
    %get3A_1 = vector.load %arg1[%get3A, %get3A_0] : memref<2x2048xf32, #tpu.memory_space<vmem>>, vector<1x2048xf32>
    %get3A_2 = vector.shape_cast %get3A_1 : vector<1x2048xf32> to vector<2048xf32>
    %get3A_3 = arith.constant 1 : index
    %get3A_4 = arith.constant 0 : index
    %get3A_5 = vector.load %arg1[%get3A_3, %get3A_4] : memref<2x2048xf32, #tpu.memory_space<vmem>>, vector<1x2048xf32>
    %get3A_6 = vector.shape_cast %get3A_5 : vector<1x2048xf32> to vector<2048xf32>
    %add3A = arith.addf %get3A_2, %get3A_6 : vector<2048xf32>
    %add3A_7 = arith.constant 1.000000e+00 : f32
    %add3A_8 = vector.broadcast %add3A_7 : f32 to vector<2048xf32>
    %add3A_9 = arith.addf %add3A, %add3A_8 : vector<2048xf32>
    %rsqrt3A = math.rsqrt %add3A_9 : vector<2048xf32>
    %get3A_10 = arith.constant 0 : index
    %get3A_11 = arith.constant 0 : index
    %get3A_12 = vector.load %arg2[%get3A_10, %get3A_11] : memref<2048x128xf32, #tpu.memory_space<vmem>>, vector<2048x128xf32>
    %broadcast_in_dim3A = vector.shape_cast %rsqrt3A : vector<2048xf32> to vector<2048x1xf32>
    %mul3A = vector.broadcast %broadcast_in_dim3A : vector<2048x1xf32> to vector<2048x128xf32>
    %mul3A_13 = arith.mulf %get3A_12, %mul3A : vector<2048x128xf32>
    %convert_element_type3A = arith.truncf %mul3A_13 : vector<2048x128xf32> to vector<2048x128xbf16>
    %slice3A = vector.extract_strided_slice %convert_element_type3A {offsets = [0, 0], sizes = [2048, 64], strides = [1, 1]} : vector<2048x128xbf16> to vector<2048x64xbf16>
    %swap3A = arith.constant 0 : index
    %swap3A_14 = arith.constant 0 : index
    %swap3A_15 = arith.constant 0 : index
    %swap3A_16 = vector.load %arg3[%swap3A, %swap3A_14, %swap3A_15] : memref<2x2048x64xbf16, #tpu.memory_space<vmem>>, vector<1x2048x64xbf16>
    %swap3A_17 = vector.shape_cast %swap3A_16 : vector<1x2048x64xbf16> to vector<2048x64xbf16>
    %swap3A_18 = vector.shape_cast %slice3A : vector<2048x64xbf16> to vector<1x2048x64xbf16>
    tpu.vector_store %arg3[%swap3A, %swap3A_14, %swap3A_15], %swap3A_18 {strides = array<i32>} : memref<2x2048x64xbf16, #tpu.memory_space<vmem>>, vector<1x2048x64xbf16>,
    %slice3A_19 = vector.extract_strided_slice %convert_element_type3A {offsets = [0, 64], sizes = [2048, 64], strides = [1, 1]} : vector<2048x128xbf16> to vector<2048x64xbf16>
    %swap3A_20 = arith.constant 1 : index
    %swap3A_21 = arith.constant 0 : index
    %swap3A_22 = arith.constant 0 : index
    %swap3A_23 = vector.load %arg3[%swap3A_20, %swap3A_21, %swap3A_22] : memref<2x2048x64xbf16, #tpu.memory_space<vmem>>, vector<1x2048x64xbf16>
    %swap3A_24 = vector.shape_cast %swap3A_23 : vector<1x2048x64xbf16> to vector<2048x64xbf16>
    %swap3A_25 = vector.shape_cast %slice3A_19 : vector<2048x64xbf16> to vector<1x2048x64xbf16>
    tpu.vector_store %arg3[%swap3A_20, %swap3A_21, %swap3A_22], %swap3A_25 {strides = array<i32>} : memref<2x2048x64xbf16, #tpu.memory_space<vmem>>, vector<1x2048x64xbf16>,
    %swap3A_26 = arith.constant 0 : index
    %swap3A_27 = vector.load %arg4[%swap3A_26] : memref<2048xf32, #tpu.memory_space<vmem>>, vector<2048xf32>
    tpu.vector_store %arg4[%swap3A_26], %rsqrt3A {strides = array<i32>} : memref<2048xf32, #tpu.memory_space<vmem>>, vector<2048xf32>,
    return
  }
  func.func @transform_0(%arg0: i32) -> (i32, i32) {
    %c0_i32 = arith.constant 0 : i32
    %c0_i32_0 = arith.constant 0 : i32
    return %c0_i32, %arg0 : i32, i32
  }
  func.func @transform_1(%arg0: i32) -> (i32, i32) {
    %c0_i32 = arith.constant 0 : i32
    %c0_i32_0 = arith.constant 0 : i32
    return %arg0, %c0_i32 : i32, i32
  }
  func.func @transform_2(%arg0: i32) -> (i32, i32, i32) {
    %c0_i32 = arith.constant 0 : i32
    %c0_i32_0 = arith.constant 0 : i32
    %c0_i32_1 = arith.constant 0 : i32
    return %c0_i32, %arg0, %c0_i32_0 : i32, i32, i32
  }
  func.func @transform_3(%arg0: i32) -> i32 {
    %c0_i32 = arith.constant 0 : i32
    return %arg0 : i32
  }
}

module attributes {stable_mosaic.version = 14 : i64} {
  func.func @_tc2_body(%arg0: i32, %arg1: memref<2048x128xbf16, #tpu.memory_space<vmem>>, %arg2: memref<2x2048x64xbf16, #tpu.memory_space<vmem>>, %arg3: memref<2048xf32, #tpu.memory_space<vmem>>, %arg4: memref<128xf32, #tpu.memory_space<vmem>>, %arg5: memref<128x128xf32, #tpu.memory_space<vmem>>, %arg6: memref<2x2048x64xbf16, #tpu.memory_space<vmem>>) attributes {dimension_semantics = [#tpu.dimension_semantics<arbitrary>], iteration_bounds = array<i64: 5>, scalar_prefetch = 0 : i64, scratch_operands = 0 : i64, tpu.core_type = #tpu.core_type<tc>, window_params = [{transform_indices = @transform_0, window_bounds = array<i64: 2048, 128>}, {transform_indices = @transform_1, window_bounds = array<i64: 2, 2048, 64>}, {transform_indices = @transform_2, window_bounds = array<i64: 2048>}, {pipeline_mode = #tpu.pipeline_mode<synchronous>, transform_indices = @transform_3, window_bounds = array<i64: 128>}, {pipeline_mode = #tpu.pipeline_mode<synchronous>, transform_indices = @transform_4, window_bounds = array<i64: 128, 128>}, {transform_indices = @transform_5, window_bounds = array<i64: 2, 2048, 64>}]} {
    %get3A = arith.constant 0 : index
    %get3A_0 = vector.load %arg3[%get3A] : memref<2048xf32, #tpu.memory_space<vmem>>, vector<2048xf32>
    %get3A_1 = arith.constant 0 : index
    %get3A_2 = arith.constant 0 : index
    %get3A_3 = arith.constant 0 : index
    %get3A_4 = vector.load %arg2[%get3A_1, %get3A_2, %get3A_3] : memref<2x2048x64xbf16, #tpu.memory_space<vmem>>, vector<1x2048x64xbf16>
    %get3A_5 = vector.shape_cast %get3A_4 : vector<1x2048x64xbf16> to vector<2048x64xbf16>
    %get3A_6 = arith.constant 1 : index
    %get3A_7 = arith.constant 0 : index
    %get3A_8 = arith.constant 0 : index
    %get3A_9 = vector.load %arg2[%get3A_6, %get3A_7, %get3A_8] : memref<2x2048x64xbf16, #tpu.memory_space<vmem>>, vector<1x2048x64xbf16>
    %get3A_10 = vector.shape_cast %get3A_9 : vector<1x2048x64xbf16> to vector<2048x64xbf16>
    %concatenate3A = tpu.concatenate %get3A_5, %get3A_10 in 1 : vector<2048x64xbf16>, vector<2048x64xbf16> -> vector<2048x128xbf16>
    %convert_element_type3A = arith.extf %concatenate3A : vector<2048x128xbf16> to vector<2048x128xf32>
    %get3A_11 = arith.constant 0 : index
    %get3A_12 = arith.constant 0 : index
    %get3A_13 = vector.load %arg1[%get3A_11, %get3A_12] : memref<2048x128xbf16, #tpu.memory_space<vmem>>, vector<2048x128xbf16>
    %convert_element_type3A_14 = arith.extf %get3A_13 : vector<2048x128xbf16> to vector<2048x128xf32>
    %add3A = arith.addf %convert_element_type3A_14, %convert_element_type3A : vector<2048x128xf32>
    %broadcast_in_dim3A = vector.shape_cast %get3A_0 : vector<2048xf32> to vector<2048x1xf32>
    %mul3A = vector.broadcast %broadcast_in_dim3A : vector<2048x1xf32> to vector<2048x128xf32>
    %mul3A_15 = arith.mulf %add3A, %mul3A : vector<2048x128xf32>
    %get3A_16 = arith.constant 0 : index
    %get3A_17 = vector.load %arg4[%get3A_16] : memref<128xf32, #tpu.memory_space<vmem>>, vector<128xf32>
    %broadcast_in_dim3A_18 = vector.shape_cast %get3A_17 : vector<128xf32> to vector<1x128xf32>
    %add3A_19 = vector.broadcast %broadcast_in_dim3A_18 : vector<1x128xf32> to vector<2048x128xf32>
    %add3A_20 = arith.addf %mul3A_15, %add3A_19 : vector<2048x128xf32>
    %max3A = arith.constant 0.000000e+00 : f32
    %max3A_21 = vector.broadcast %max3A : f32 to vector<2048x128xf32>
    %max3A_22 = arith.maximumf %add3A_20, %max3A_21 : vector<2048x128xf32>
    %get3A_23 = arith.constant 0 : index
    %get3A_24 = arith.constant 0 : index
    %get3A_25 = vector.load %arg5[%get3A_23, %get3A_24] : memref<128x128xf32, #tpu.memory_space<vmem>>, vector<128x128xf32>
    %dot_general3A = arith.constant dense<0.000000e+00> : vector<2048x128xf32>
    %dot_general3A_26 = tpu.matmul %max3A_22, %get3A_25, %dot_general3A {dimension_numbers = #tpu.dot_dimension_numbers<[1], [1], [0], [0], [0, 0, 1, 0], [], []>, transpose_lhs_hint = false} : vector<2048x128xf32>, vector<128x128xf32>, vector<2048x128xf32> -> vector<2048x128xf32>
    %broadcast_in_dim3A_27 = vector.shape_cast %get3A_0 : vector<2048xf32> to vector<2048x1xf32>
    %mul3A_28 = vector.broadcast %broadcast_in_dim3A_27 : vector<2048x1xf32> to vector<2048x128xf32>
    %mul3A_29 = arith.mulf %dot_general3A_26, %mul3A_28 : vector<2048x128xf32>
    %convert_element_type3A_30 = arith.truncf %mul3A_29 : vector<2048x128xf32> to vector<2048x128xbf16>
    %slice3A = vector.extract_strided_slice %convert_element_type3A_30 {offsets = [0, 0], sizes = [2048, 64], strides = [1, 1]} : vector<2048x128xbf16> to vector<2048x64xbf16>
    %swap3A = arith.constant 0 : index
    %swap3A_31 = arith.constant 0 : index
    %swap3A_32 = arith.constant 0 : index
    %swap3A_33 = vector.load %arg6[%swap3A, %swap3A_31, %swap3A_32] : memref<2x2048x64xbf16, #tpu.memory_space<vmem>>, vector<1x2048x64xbf16>
    %swap3A_34 = vector.shape_cast %swap3A_33 : vector<1x2048x64xbf16> to vector<2048x64xbf16>
    %swap3A_35 = vector.shape_cast %slice3A : vector<2048x64xbf16> to vector<1x2048x64xbf16>
    tpu.vector_store %arg6[%swap3A, %swap3A_31, %swap3A_32], %swap3A_35 {strides = array<i32>} : memref<2x2048x64xbf16, #tpu.memory_space<vmem>>, vector<1x2048x64xbf16>,
    %slice3A_36 = vector.extract_strided_slice %convert_element_type3A_30 {offsets = [0, 64], sizes = [2048, 64], strides = [1, 1]} : vector<2048x128xbf16> to vector<2048x64xbf16>
    %swap3A_37 = arith.constant 1 : index
    %swap3A_38 = arith.constant 0 : index
    %swap3A_39 = arith.constant 0 : index
    %swap3A_40 = vector.load %arg6[%swap3A_37, %swap3A_38, %swap3A_39] : memref<2x2048x64xbf16, #tpu.memory_space<vmem>>, vector<1x2048x64xbf16>
    %swap3A_41 = vector.shape_cast %swap3A_40 : vector<1x2048x64xbf16> to vector<2048x64xbf16>
    %swap3A_42 = vector.shape_cast %slice3A_36 : vector<2048x64xbf16> to vector<1x2048x64xbf16>
    tpu.vector_store %arg6[%swap3A_37, %swap3A_38, %swap3A_39], %swap3A_42 {strides = array<i32>} : memref<2x2048x64xbf16, #tpu.memory_space<vmem>>, vector<1x2048x64xbf16>,
    return
  }
  func.func @transform_0(%arg0: i32) -> (i32, i32) {
    %c0_i32 = arith.constant 0 : i32
    %c0_i32_0 = arith.constant 0 : i32
    return %arg0, %c0_i32 : i32, i32
  }
  func.func @transform_1(%arg0: i32) -> (i32, i32, i32) {
    %c0_i32 = arith.constant 0 : i32
    %c0_i32_0 = arith.constant 0 : i32
    %c0_i32_1 = arith.constant 0 : i32
    return %c0_i32, %arg0, %c0_i32_0 : i32, i32, i32
  }
  func.func @transform_2(%arg0: i32) -> i32 {
    %c0_i32 = arith.constant 0 : i32
    return %arg0 : i32
  }
  func.func @transform_3(%arg0: i32) -> i32 {
    %c0_i32 = arith.constant 0 : i32
    %c0_i32_0 = arith.constant 0 : i32
    return %c0_i32 : i32
  }
  func.func @transform_4(%arg0: i32) -> (i32, i32) {
    %c0_i32 = arith.constant 0 : i32
    %c0_i32_0 = arith.constant 0 : i32
    %c0_i32_1 = arith.constant 0 : i32
    return %c0_i32, %c0_i32_0 : i32, i32
  }
  func.func @transform_5(%arg0: i32) -> (i32, i32, i32) {
    %c0_i32 = arith.constant 0 : i32
    %c0_i32_0 = arith.constant 0 : i32
    %c0_i32_1 = arith.constant 0 : i32
    return %c0_i32, %arg0, %c0_i32_0 : i32, i32, i32
  }
}

module attributes {stable_mosaic.version = 14 : i64} {
  func.func @_tc3_body(%arg0: i32, %arg1: memref<2048x128xbf16, #tpu.memory_space<vmem>>, %arg2: memref<2x2048x64xbf16, #tpu.memory_space<vmem>>, %arg3: memref<2048xf32, #tpu.memory_space<vmem>>, %arg4: memref<128xf32, #tpu.memory_space<vmem>>, %arg5: memref<64x128xf32, #tpu.memory_space<vmem>>, %arg6: memref<64xf32, #tpu.memory_space<vmem>>, %arg7: memref<1x64xf32, #tpu.memory_space<vmem>>) attributes {dimension_semantics = [#tpu.dimension_semantics<arbitrary>], iteration_bounds = array<i64: 5>, scalar_prefetch = 0 : i64, scratch_operands = 0 : i64, tpu.core_type = #tpu.core_type<tc>, window_params = [{transform_indices = @transform_0, window_bounds = array<i64: 2048, 128>}, {transform_indices = @transform_1, window_bounds = array<i64: 2, 2048, 64>}, {transform_indices = @transform_2, window_bounds = array<i64: 2048>}, {pipeline_mode = #tpu.pipeline_mode<synchronous>, transform_indices = @transform_3, window_bounds = array<i64: 128>}, {pipeline_mode = #tpu.pipeline_mode<synchronous>, transform_indices = @transform_4, window_bounds = array<i64: 64, 128>}, {pipeline_mode = #tpu.pipeline_mode<synchronous>, transform_indices = @transform_5, window_bounds = array<i64: 64>}, {pipeline_mode = #tpu.pipeline_mode<synchronous>, transform_indices = @transform_6, window_bounds = array<i64: 1, 64>}]} {
    %get3A = arith.constant 0 : index
    %get3A_0 = vector.load %arg3[%get3A] : memref<2048xf32, #tpu.memory_space<vmem>>, vector<2048xf32>
    %get3A_1 = arith.constant 0 : index
    %get3A_2 = arith.constant 0 : index
    %get3A_3 = arith.constant 0 : index
    %get3A_4 = vector.load %arg2[%get3A_1, %get3A_2, %get3A_3] : memref<2x2048x64xbf16, #tpu.memory_space<vmem>>, vector<1x2048x64xbf16>
    %get3A_5 = vector.shape_cast %get3A_4 : vector<1x2048x64xbf16> to vector<2048x64xbf16>
    %get3A_6 = arith.constant 1 : index
    %get3A_7 = arith.constant 0 : index
    %get3A_8 = arith.constant 0 : index
    %get3A_9 = vector.load %arg2[%get3A_6, %get3A_7, %get3A_8] : memref<2x2048x64xbf16, #tpu.memory_space<vmem>>, vector<1x2048x64xbf16>
    %get3A_10 = vector.shape_cast %get3A_9 : vector<1x2048x64xbf16> to vector<2048x64xbf16>
    %concatenate3A = tpu.concatenate %get3A_5, %get3A_10 in 1 : vector<2048x64xbf16>, vector<2048x64xbf16> -> vector<2048x128xbf16>
    %convert_element_type3A = arith.extf %concatenate3A : vector<2048x128xbf16> to vector<2048x128xf32>
    %get3A_11 = arith.constant 0 : index
    %get3A_12 = arith.constant 0 : index
    %get3A_13 = vector.load %arg1[%get3A_11, %get3A_12] : memref<2048x128xbf16, #tpu.memory_space<vmem>>, vector<2048x128xbf16>
    %convert_element_type3A_14 = arith.extf %get3A_13 : vector<2048x128xbf16> to vector<2048x128xf32>
    %add3A = arith.addf %convert_element_type3A_14, %convert_element_type3A : vector<2048x128xf32>
    %broadcast_in_dim3A = vector.shape_cast %get3A_0 : vector<2048xf32> to vector<2048x1xf32>
    %mul3A = vector.broadcast %broadcast_in_dim3A : vector<2048x1xf32> to vector<2048x128xf32>
    %mul3A_15 = arith.mulf %add3A, %mul3A : vector<2048x128xf32>
    %get3A_16 = arith.constant 0 : index
    %get3A_17 = vector.load %arg4[%get3A_16] : memref<128xf32, #tpu.memory_space<vmem>>, vector<128xf32>
    %broadcast_in_dim3A_18 = vector.shape_cast %get3A_17 : vector<128xf32> to vector<1x128xf32>
    %add3A_19 = vector.broadcast %broadcast_in_dim3A_18 : vector<1x128xf32> to vector<2048x128xf32>
    %add3A_20 = arith.addf %mul3A_15, %add3A_19 : vector<2048x128xf32>
    %max3A = arith.constant 0.000000e+00 : f32
    %max3A_21 = vector.broadcast %max3A : f32 to vector<2048x128xf32>
    %max3A_22 = arith.maximumf %add3A_20, %max3A_21 : vector<2048x128xf32>
    %get3A_23 = arith.constant 0 : index
    %get3A_24 = arith.constant 0 : index
    %get3A_25 = vector.load %arg5[%get3A_23, %get3A_24] : memref<64x128xf32, #tpu.memory_space<vmem>>, vector<64x128xf32>
    %dot_general3A = arith.constant dense<0.000000e+00> : vector<2048x64xf32>
    %dot_general3A_26 = tpu.matmul %max3A_22, %get3A_25, %dot_general3A {dimension_numbers = #tpu.dot_dimension_numbers<[1], [1], [0], [0], [0, 0, 1, 0], [], []>, transpose_lhs_hint = false} : vector<2048x128xf32>, vector<64x128xf32>, vector<2048x64xf32> -> vector<2048x64xf32>
    %get3A_27 = arith.constant 0 : index
    %get3A_28 = vector.load %arg6[%get3A_27] : memref<64xf32, #tpu.memory_space<vmem>>, vector<64xf32>
    %broadcast_in_dim3A_29 = vector.shape_cast %get3A_28 : vector<64xf32> to vector<1x64xf32>
    %add3A_30 = vector.broadcast %broadcast_in_dim3A_29 : vector<1x64xf32> to vector<2048x64xf32>
    %add3A_31 = arith.addf %dot_general3A_26, %add3A_30 : vector<2048x64xf32>
    %max3A_32 = arith.constant 0.000000e+00 : f32
    %max3A_33 = vector.broadcast %max3A_32 : f32 to vector<2048x64xf32>
    %max3A_34 = arith.maximumf %add3A_31, %max3A_33 : vector<2048x64xf32>
    %mul3A_35 = arith.constant 2048 : i32
    %mul3A_36 = arith.muli %arg0, %mul3A_35 : i32
    %iota3A = tpu.iota {dimensions = array<i32: 0>} : vector<2048x1xi32>
    %add3A_37 = vector.broadcast %mul3A_36 : i32 to vector<2048x1xi32>
    %add3A_38 = arith.addi %add3A_37, %iota3A : vector<2048x1xi32>
    %lt3A = arith.constant 10000 : i32
    %lt3A_39 = vector.broadcast %lt3A : i32 to vector<2048x1xi32>
    %lt3A_40 = arith.cmpi slt, %add3A_38, %lt3A_39 : vector<2048x1xi32>
    %jit3A = arith.constant 0.000000e+00 : f32
    %broadcast_in_dim3A_41 = vector.shape_cast %lt3A_40 : vector<2048x1xi1> to vector<2048x1xi1>
    %broadcast_in_dim3A_42 = vector.broadcast %broadcast_in_dim3A_41 : vector<2048x1xi1> to vector<2048x64xi1>
    %broadcast_in_dim3A_43 = vector.broadcast %jit3A : f32 to vector<2048x64xf32>
    %select_n3A = arith.select %broadcast_in_dim3A_42, %max3A_34, %broadcast_in_dim3A_43 : vector<2048x64xi1>, vector<2048x64xf32>
    %reduce_sum3A = arith.constant dense<0.000000e+00> : vector<64xf32>
    %reduce_sum3A_44 = vector.multi_reduction <add>, %select_n3A, %reduce_sum3A [0] : vector<2048x64xf32> to vector<64xf32>
    %broadcast_in_dim3A_45 = vector.shape_cast %reduce_sum3A_44 : vector<64xf32> to vector<1x64xf32>
    %eq3A = arith.constant 0 : i32
    %eq3A_46 = arith.cmpi eq, %arg0, %eq3A : i32
    %convert_element_type3A_47 = arith.extui %eq3A_46 : i1 to i32
    %cond3A = arith.constant 0 : i32
    %cond3A_48 = arith.cmpi ne, %convert_element_type3A_47, %cond3A : i32
    scf.if %cond3A_48 {
      %swap3A = arith.constant 0 : index
      %swap3A_58 = arith.constant 0 : index
      %swap3A_59 = vector.load %arg7[%swap3A, %swap3A_58] : memref<1x64xf32, #tpu.memory_space<vmem>>, vector<1x64xf32>
      tpu.vector_store %arg7[%swap3A, %swap3A_58], %broadcast_in_dim3A_45 {strides = array<i32>} : memref<1x64xf32, #tpu.memory_space<vmem>>, vector<1x64xf32>,
    } else {
    }
    %gt3A = arith.constant 0 : i32
    %gt3A_49 = arith.cmpi sgt, %arg0, %gt3A : i32
    %convert_element_type3A_50 = arith.extui %gt3A_49 : i1 to i32
    %cond3A_51 = arith.constant 0 : i32
    %cond3A_52 = arith.cmpi ne, %convert_element_type3A_50, %cond3A_51 : i32
    scf.if %cond3A_52 {
      %get3A_58 = arith.constant 0 : index
      %get3A_59 = arith.constant 0 : index
      %get3A_60 = vector.load %arg7[%get3A_58, %get3A_59] : memref<1x64xf32, #tpu.memory_space<vmem>>, vector<1x64xf32>
      %add3A_61 = arith.addf %get3A_60, %broadcast_in_dim3A_45 : vector<1x64xf32>
      %swap3A = arith.constant 0 : index
      %swap3A_62 = arith.constant 0 : index
      %swap3A_63 = vector.load %arg7[%swap3A, %swap3A_62] : memref<1x64xf32, #tpu.memory_space<vmem>>, vector<1x64xf32>
      tpu.vector_store %arg7[%swap3A, %swap3A_62], %add3A_61 {strides = array<i32>} : memref<1x64xf32, #tpu.memory_space<vmem>>, vector<1x64xf32>,
    } else {
    }
    %eq3A_53 = arith.constant 4 : i32
    %eq3A_54 = arith.cmpi eq, %arg0, %eq3A_53 : i32
    %convert_element_type3A_55 = arith.extui %eq3A_54 : i1 to i32
    %cond3A_56 = arith.constant 0 : i32
    %cond3A_57 = arith.cmpi ne, %convert_element_type3A_55, %cond3A_56 : i32
    scf.if %cond3A_57 {
      %get3A_58 = arith.constant 0 : index
      %get3A_59 = arith.constant 0 : index
      %get3A_60 = vector.load %arg7[%get3A_58, %get3A_59] : memref<1x64xf32, #tpu.memory_space<vmem>>, vector<1x64xf32>
      %logistic3A = arith.negf %get3A_60 : vector<1x64xf32>
      %logistic3A_61 = math.exp %logistic3A : vector<1x64xf32>
      %logistic3A_62 = arith.constant 1.000000e+00 : f32
      %logistic3A_63 = vector.broadcast %logistic3A_62 : f32 to vector<1x64xf32>
      %logistic3A_64 = arith.addf %logistic3A_63, %logistic3A_61 : vector<1x64xf32>
      %logistic3A_65 = arith.divf %logistic3A_63, %logistic3A_64 : vector<1x64xf32>
      %swap3A = arith.constant 0 : index
      %swap3A_66 = arith.constant 0 : index
      %swap3A_67 = vector.load %arg7[%swap3A, %swap3A_66] : memref<1x64xf32, #tpu.memory_space<vmem>>, vector<1x64xf32>
      tpu.vector_store %arg7[%swap3A, %swap3A_66], %logistic3A_65 {strides = array<i32>} : memref<1x64xf32, #tpu.memory_space<vmem>>, vector<1x64xf32>,
    } else {
    }
    return
  }
  func.func @transform_0(%arg0: i32) -> (i32, i32) {
    %c0_i32 = arith.constant 0 : i32
    %c0_i32_0 = arith.constant 0 : i32
    return %arg0, %c0_i32 : i32, i32
  }
  func.func @transform_1(%arg0: i32) -> (i32, i32, i32) {
    %c0_i32 = arith.constant 0 : i32
    %c0_i32_0 = arith.constant 0 : i32
    %c0_i32_1 = arith.constant 0 : i32
    return %c0_i32, %arg0, %c0_i32_0 : i32, i32, i32
  }
  func.func @transform_2(%arg0: i32) -> i32 {
    %c0_i32 = arith.constant 0 : i32
    return %arg0 : i32
  }
  func.func @transform_3(%arg0: i32) -> i32 {
    %c0_i32 = arith.constant 0 : i32
    %c0_i32_0 = arith.constant 0 : i32
    return %c0_i32 : i32
  }
  func.func @transform_4(%arg0: i32) -> (i32, i32) {
    %c0_i32 = arith.constant 0 : i32
    %c0_i32_0 = arith.constant 0 : i32
    %c0_i32_1 = arith.constant 0 : i32
    return %c0_i32, %c0_i32_0 : i32, i32
  }
  func.func @transform_5(%arg0: i32) -> i32 {
    %c0_i32 = arith.constant 0 : i32
    %c0_i32_0 = arith.constant 0 : i32
    return %c0_i32 : i32
  }
  func.func @transform_6(%arg0: i32) -> (i32, i32) {
    %c0_i32 = arith.constant 0 : i32
    %c0_i32_0 = arith.constant 0 : i32
    %c0_i32_1 = arith.constant 0 : i32
    return %c0_i32, %c0_i32_0 : i32, i32
  }
}

</mosaic_0001>

<sc_bundles>
// kernel: kernel.12.cloned.1.call-start
scs
__scs_entry_jumppad:
0x0: {  	(pc) =	sbr.rel $0x88, $3  }
0x1: {  	(tag) =	ssettag $0x0;
	lr =	simm.s32 $0x1  }
0x2: {  	[smem:$0x3F99] =	sst lr;
	_ =	strace $0xD0000000  }
0x3: {  	_ = 	snop  }
0x4: {  	_ = 	snop  }
0x5: {  	_ = 	snop  }
0x6: {  	_ = 	snop  }
0x7: {  	_ = 	snop  }
__scs_overlays_trampoline_lowered:
0x8: {  	[smem:$0x3FA8] =	sst s0  }
0x9: {  	[smem:$0x3FA9] =	sst s1  }
0xa: {  	[smem:$0x3FAA] =	sst s2  }
0xb: {  	[smem:$0x3FAB] =	sst s3  }
0xc: {  	[smem:$0x3FAC] =	sst s4  }
0xd: {  	[smem:$0x3FAD] =	sst s5  }
0xe: {  	[smem:$0x3FAE] =	sst s6  }
0xf: {  	[smem:$0x3FAF] =	sst s7  }
0x10: {  	[smem:$0x3FB0] =	sst s8  }
0x11: {  	[smem:$0x3FB1] =	sst s9;
	s0 =	simm.s32 @!p0 $0x0  }
0x12: {  	s1 =	sld [smem:$0x3F97];
	s0 =	simm.s32 @p0 $0x1  }
0x13: {  	[smem:$0x3FB2] =	sst s0;
	s0 =	simm.s32 @!p1 $0x0  }
0x14: {  	s2 =	sld [smem:$0x3F96];
	s0 =	simm.s32 @p1 $0x1  }
0x15: {  	[smem:$0x3FB3] =	sst s0;
	s0 =	simm.s32 @!p2 $0x0  }
0x16: {  	s3 =	sld [smem:$0x3FDB];
	s0 =	simm.s32 @p2 $0x1  }
0x17: {  	s4 =	simm.s32 $0x1BF5;
	[smem:$0x3FB5] =	sst s0  }
0x18: {  	s0 =	sld [smem:$0x3F98];
	_ =	swait.ge [sflag:s4], $0x0  }
0x19: {  	s7 =	sld [smem:$0x3F99]  }
0x1a: {  	s8 =	sadd.s32 $0xFFFFE003, lr  }
0x1b: {  	s9 =	sadd.s32 $0xFFFFFEF7, lr;
	s5 =	simm.s32 $0xFFFFFFFF;
	p2 =	slt.u32 s8, $0xFFFFF086  }
0x1c: {  	p1 =	slt.u32 s9, $0xF7A;
	s5 =	simm.s32 @!p2 $0x0  }
0x1d: {  	s5 =	simm.s32 @p1 $0x1;
	p0 =	seq.s32 s7, s2  }
0x1e: {  	s7 =	smul.u32 @!p0 $0xF7A, s2;
	p2 =	seq.s32 @!p0 s5, $0x0  }
0x1f: {  	s9 =	smul.u32 $0xF7A, s1;
	s8 =	simm.s32 @!p0 $0x1BF5;
	p2 =	por !p2, p0  }
0x20: {  	[sflag:s8] =	ssyncset.s32 @!p0 $0xFFFFF086;
	s6 =	sadd.s32 @!p0 s3, s7;
	s7 =	simm.s32 @!p0 $0x108  }
0x21: {  	s3 =	sadd.s32 s3, s9;
	s6 =	sadd.s32 @!p0 $0x88, s6;
	s7 =	simm.s32 @p2 $0x1082  }
0x22: {  	[simem:s7], [sflag:s8] =	dma.local @!p0 [hbm:s6], $0xF7A  }
0x23: {  	s9 =	sor.u32 $0xD0000000, s2;
	s6 =	simm.s32 $0x108;
	_ =	swait.ge @!p0 [sflag:s8], $0x0  }
0x24: {  	s3 =	sadd.s32 $0x88, s3;
	s6 =	simm.s32 @!p1 $0x1082;
	[sflag:s4] =	ssyncset.s32 $0xFFFFF086  }
0x25: {  	[simem:s6], [sflag:s4] =	dma.local [hbm:s3], $0xF7A  }
0x26: {  	[smem:$0x3F99] =	sst s1;
	(tag) =	ssettag s2;
	_ =	strace s9  }
0x27: {  	s1 =	sld [smem:$0x3FA9]  }
0x28: {  	s2 =	sld [smem:$0x3FAA]  }
0x29: {  	s4 =	sld [smem:$0x3FAC]  }
0x2a: {  	p0 =	seq.s32 s5, $0x0;
	s5 =	sld [smem:$0x3FAD]  }
0x2b: {  	s6 =	sld [smem:$0x3FAE]  }
0x2c: {  	s7 =	sld [smem:$0x3FAF]  }
0x2d: {  	s3 =	simm.s32 $0x108;
	s8 =	sld [smem:$0x3FB0]  }
0x2e: {  	s3 =	simm.s32 @!p0 $0x1082;
	s9 =	sld [smem:$0x3FB1]  }
0x2f: {  	lr =	sadd.s32 s0, s3;
	s0 =	sld [smem:$0x3FA8]  }
0x30: {  	s3 =	sld [smem:$0x3FAB]  }
0x31: {  	[smem:$0x3FB4] =	sst s10  }
0x32: {  	s10 =	sld [smem:$0x3FB2];
	_ =	sdelay $0x3  }
0x33: {  	p0 =	seq.s32 s10, $0x1;
	s10 =	sld [smem:$0x3FB4];
	_ =	sdelay $0x3  }
0x34: {  	[smem:$0x3FB4] =	sst s10  }
0x35: {  	s10 =	sld [smem:$0x3FB3];
	_ =	sdelay $0x3  }
0x36: {  	p1 =	seq.s32 s10, $0x1;
	s10 =	sld [smem:$0x3FB4];
	_ =	sdelay $0x3  }
0x37: {  	[smem:$0x3FB4] =	sst s10  }
0x38: {  	s10 =	sld [smem:$0x3FB5]  }
0x39: {  	_ = 	snop;
	(pc) =	sbr.ind lr, $3  }
0x3a: {  	_ = 	snop  }
0x3b: {  	_ = 	snop  }
0x3c: {  	p2 =	seq.s32 s10, $0x1;
	s10 =	sld [smem:$0x3FB4]  }
0x3d: {  	_ =	shalt  }
0x3e: {  	_ =	shalt  }
0x3f: {  	_ =	shalt  }
0x40: {  	_ =	shalt  }
0x41: {  	_ =	shalt  }
0x42: {  	_ =	shalt  }
0x43: {  	_ =	shalt  }
0x44: {  	_ =	shalt  }
0x45: {  	_ =	shalt  }
0x46: {  	_ =	shalt  }
0x47: {  	_ =	shalt  }
0x48: {  	_ =	shalt  }
0x49: {  	_ =	shalt  }
0x4a: {  	_ =	shalt  }
0x4b: {  	_ =	shalt  }
0x4c: {  	_ =	shalt  }
0x4d: {  	_ =	shalt  }
0x4e: {  	_ =	shalt  }
0x4f: {  	_ =	shalt  }
0x50: {  	_ =	shalt  }
0x51: {  	_ =	shalt  }
0x52: {  	_ =	shalt  }
0x53: {  	_ =	shalt  }
0x54: {  	_ =	shalt  }
0x55: {  	_ =	shalt  }
0x56: {  	_ =	shalt  }
0x57: {  	_ =	shalt  }
0x58: {  	_ =	shalt  }
0x59: {  	_ =	shalt  }
0x5a: {  	_ =	shalt  }
0x5b: {  	_ =	shalt  }
0x5c: {  	_ =	shalt  }
0x5d: {  	_ =	shalt  }
0x5e: {  	_ =	shalt  }
0x5f: {  	_ =	shalt  }
0x60: {  	_ =	shalt  }
0x61: {  	_ =	shalt  }
0x62: {  	_ =	shalt  }
0x63: {  	_ =	shalt  }
0x64: {  	_ =	shalt  }
0x65: {  	_ =	shalt  }
0x66: {  	_ =	shalt  }
0x67: {  	_ =	shalt  }
0x68: {  	_ =	shalt  }
0x69: {  	_ =	shalt  }
0x6a: {  	_ =	shalt  }
0x6b: {  	_ =	shalt  }
0x6c: {  	_ =	shalt  }
0x6d: {  	_ =	shalt  }
0x6e: {  	_ =	shalt  }
0x6f: {  	_ =	shalt  }
0x70: {  	_ =	shalt  }
0x71: {  	_ =	shalt  }
0x72: {  	_ =	shalt  }
0x73: {  	_ =	shalt  }
0x74: {  	_ =	shalt  }
0x75: {  	_ =	shalt  }
0x76: {  	_ =	shalt  }
0x77: {  	_ =	shalt  }
0x78: {  	_ =	shalt  }
0x79: {  	_ =	shalt  }
0x7a: {  	_ =	shalt  }
0x7b: {  	_ =	shalt  }
0x7c: {  	_ =	shalt  }
0x7d: {  	_ =	shalt  }
0x7e: {  	_ =	shalt  }
0x7f: {  	_ =	shalt  }
0x80: {  	_ =	shalt  }
0x81: {  	_ =	shalt  }
0x82: {  	_ =	shalt  }
0x83: {  	_ =	shalt  }
0x84: {  	_ =	shalt  }
0x85: {  	_ =	shalt  }
0x86: {  	_ =	shalt  }
0x87: {  	_ =	shalt  }
.Lfunc_end0:
.L_simem_size_0:
called_computation.1_lowered:
.L_overlay_start_0:
0x88: {  	s2 =	sld [smem:$0x3FD9]  }
0x89: {  	s3 =	sld [smem:$0x3FFE];
	_ =	sdelay $0x1  }
0x8a: {  	s1 =	srdreg.scid  }
0x8b: {  	s0 =	sand.u32 $0x1, s1  }
0x8c: {  	s16 =	sshll.u32 s0, $0xA;
	s2 =	sadd.s32 s3, s2  }
0x8d: {  	s2 =	sadd.s32 s2, s16  }
0x8e: {  	[smem:$0x3FC0] =	sst s2  }
0x8f: {  	_ = 	snop  }
0x90: {  	(tm) =	ssettm $0x1  }
0x91: {  	s17 =	sld [smem:$0x3FFB];
	_ =	sdelay $0x3  }
0x92: {  	_ =	strace s17  }
0x93: {  	s2 =	sld [smem:$0x3FFC];
	_ =	sdelay $0x3  }
0x94: {  	_ =	strace s2  }
0x95: {  	s2 =	sld [smem:$0x3FFD];
	_ =	sdelay $0x3  }
0x96: {  	_ =	strace s2  }
0x97: {  	_ =	strace $0x8FFFFFFF  }
0x98: {  	s18 =	sld [smem:$0x3FDB];
	_ =	sdelay $0x1  }
0x99: {  	s19 =	simm.s32 $_scs_section_size  }
0x9a: {  	s4 =	simm.s32 $_size__tile_overlayer_lowered;
	s5 =	simm.s32 $_tile_overlayer_lowered  }
0x9b: {  	s22 =	simm.s32 $0x1BFF;
	s21 =	sshll.u32 s5, $0x1;
	s2 =	sadd.s32 s19, s18  }
0x9c: {  	s6 =	simm.s32 $0x0;
	s20 =	sshll.u32 s4, $0x1;
	s4 =	sadd.s32 s21, s2  }
0x9d: {  	[timem:s6], [sflag:s22] =	dma.local [hbm:s4], s20  }
0x9e: {  	_ =	swait.ge [sflag:s22], s20  }
0x9f: {  	s3 =	ssub.s32 $0x0, s20;
	[sflag:s22] =	ssyncset.done $0x0  }
0xa0: {  	[sflag:s22] =	ssyncadd.s32 s3;
	_ =	sdelay $0x1  }
0xa1: {  	s23 =	simm.s32 $0x1B8B  }
0xa2: {  	_ =	swait.ge [sflag:s23], $0x1  }
0xa3: {  	[sflag:s23] =	ssyncset.done $0x0  }
0xa4: {  	s25 =	simm.s32 $0x1B8E;
	s24 =	sld [smem:$0x3FFE];
	[sflag:s23] =	ssyncadd.s32 $0xFFFFFFFF  }
0xa5: {  	s26 =	simm.s32 $execute0_lowered;
	[smem:$0x3FD2] =	sst s25  }
0xa6: {  	s4 =	sshll.u32 s26, $0x1;
	_ =	strace $0x80000049;
	[dreg:$0x1] =	wrdreg $0xFFFFFFFF  }
0xa7: {  	s28 =	simm.s32 $_size_execute0_lowered;
	s2 =	sadd.s32 s2, s4;
	[dreg:$0x0] =	wrdreg $0x0  }
0xa8: {  	s4 =	sshll.u32 s28, $0x1;
	[dreg:$0x2] =	wrdreg s2  }
0xa9: {  	[dreg:$0x3] =	wrdreg s4  }
0xaa: {  	[dreg:$0x4] =	wrdreg $0xC0  }
0xab: {  	_ =	task [dreg:s6], $0x5FFFF  }
0xac: {  	[dreg:$0x1] =	wrdreg $0xFFFFFFFF  }
0xad: {  	[dreg:$0x0] =	wrdreg $0x60  }
0xae: {  	[dreg:$0x2] =	wrdreg s24  }
0xaf: {  	[dreg:$0x3] =	wrdreg $0x11D000  }
0xb0: {  	[dreg:$0x4] =	wrdreg $0x9  }
0xb1: {  	_ =	task.clear_ibuf [dreg:s6], $0x5FFFF;
	_ =	strace $0x90000049  }
0xb2: {  	s29 =	simm.s32 $0x9;
	_ =	strace $0x8000004B  }
0xb3: {  	_ =	swait.ge [sflag:s29], $0x1  }
0xb4: {  	[sflag:s29] =	ssyncadd.s32 $0xFFFFFFFF  }
0xb5: {  	_ =	strace $0x9000004B  }
0xb6: {  	_ =	sfence  }
0xb7: {  	s30 =	sld [smem:$0x0];
	_ =	sdelay $0x2  }
0xb8: {  	s31 =	sshll.u32 s1, $0xD;
	s1 =	sshrl.u32 s1, $0x2  }
0xb9: {  	s3 =	sand.u32 $0x4000, s31;
	s1 =	sadd.s32 s1, s30  }
0xba: {  	s0 =	sor.u32 s3, s0;
	s1 =	sshll.u32 s1, $0x11  }
0xbb: {  	s0 =	sor.u32 s1, s0  }
0xbc: {  	s0 =	sadd.s32 $0x8F2B, s0  }
0xbd: {  	[sflag:s0] =	ssyncadd.remote.s32 $0x1  }
0xbe: {  	_ =	sfence.sel $0xFFFF  }
0xbf: {  	[dreg:$0x0] =	wrdreg $0xFFFFFFFF;
	(pc) =	sbr.abs _section_cstart, $3  }
0xc0: {  	[dreg:$0x1] =	wrdreg $0xFFFFFFFF  }
0xc1: {  	_ =	task.clear_ibuf [dreg:s6], $0x2FFFF;
	_ =	strace $0x9FFFFFFF  }
0xc2: {  	(tm) =	ssettm $0x7FFFFFFF  }
0xc3: {  	_ =	shalt  }
tec
execute0_lowered:
.L_overlay_start_1:
0x0: {  	(tag) =	ssettag $0x1  }
0x1: {  	s0 =	rddreg [dreg:$0x0]  }
0x2: {  	s2 =	rddreg [dreg:$0x1]  }
0x3: {  	s1 =	srdreg.scid;
	s6 =	stileid.u32;
	s3 =	simm.s32 $0x0  }
0x4: {  	s15 =	simm.s32 $0xA000;
	s16 =	simm.s32 $0x9;
	s18 =	simm.s32 $0x7D  }
0x5: {  	s22 =	simm.s32 $0xBF40;
	s31 =	simm.s32 $0xFDC0;
	s17 =	simm.s32 $0x1  }
0x6: {  	s19 =	simm.s32 $0x3;
	s20 =	simm.s32 $0x5;
	s4 =	smul.u32 $0x5000, s6  }
0x7: {  	s21 =	simm.s32 $0x7;
	s1 =	sand.u32 $0x1, s1;
	s6 =	smul.u32 $0x14000, s6  }
0x8: {  	s23 =	simm.s32 $0x8;
	[smem:$0x7FF] =	sst s3;
	s5 =	smul.u32 $0xA000, s1  }
0x9: {  	_ =	strace $0x8000004A;
	s26 =	sshll.u32 s1, $0x6;
	s1 =	ssub.s32 $0x2, s1  }
0xa: {  	s4 =	sshrl.u32 s4, $0x3;
	s8 =	sshrl.u32 s1, $0x1;
	s5 =	sadd.s32 s5, s0  }
0xb: {  	s11 =	sadd.s32 s4, s0;
	s4 =	sor.u32 s26, s6;
	s6 =	sshrl.u32 s6, $0x2  }
0xc: {  	s1 =	ssub.s32 s1, s8;
	s26 =	simm.s32 $0xDE80;
	s7 =	sshrl.u32 s4, $0x4  }
0xd: {  	s4 =	sadd.s32 s6, s2;
	s10 =	sadd.s32 $0x2200, s11;
	s11 =	sadd.s32 $0xC200, s11  }
.Ltmp0:
0xe: {  	s12 =	sadd.s32 $0x16200, s5;
	s6 =	sadd.s32 $0xFA0, s4;
	(pc) =	sbr.rel .LBB2_1-.Ltmp0, $4  }
0xf: {  	s14 =	smax.u32 s1, $0x1;
	s28 =	sadd.s32 $0x1F40, s4;
	[dreg:$0x3] =	wrdreg s6  }
0x10: {  	s1 =	simm.s32 $0x10D60;
	s29 =	sadd.s32 $0x2EE0, s4;
	[dreg:$0x4] =	wrdreg s28  }
0x11: {  	s0 =	sadd.s32 s7, s0;
	s30 =	sadd.s32 $0x3E80, s4;
	[dreg:$0x5] =	wrdreg s29  }
0x12: {  	v0 =	vimm.bf16 $0.0e+00;
	s9 =	sadd.s32 $0x4E20, s4;
	[dreg:$0x6] =	wrdreg s30;
	s13 =	sadd.s32 $0x2A200, s0  }
.LBB2_6:
0x13: {  	_ =	swait.ge [sflag:s23], $0xFA0  }
0x14: {  	[sflag:s23] =	ssyncset.done $0x0  }
0x15: {  	[sflag:s23] =	ssyncadd.s32 $0xFFFFF060  }
0x16: {  	[spmem:s2] =	stream.indirect.scatter.add.bf16 [tilespmem:s1], [sflag:$0x9], $0x20, s0, s18, $0xb8;
	[tilespmem:$0x16D00] =	vst v63  }
0x17: {  	s30 =	stileid.u32;
	s5 =	sshrl.u32 s4, $0x3;
	_ =	swait.ge [sflag:s16], $0xFA0  }
0x18: {  	s6 =	simm.s32 $0x4;
	s3 =	sadd.s32 $0x1, s3;
	[sflag:s16] =	ssyncset.done $0x0  }
0x19: {  	p0 =	sne.s32 s3, s14;
	s0 =	sshll.u32 s30, $0x6;
	[sflag:s16] =	ssyncadd.s32 $0xFFFFF060  }
.Ltmp1:
0x1a: {  	s0 =	sor.u32 $0x1C09, s0;
	[bflag:$0x0] =	sbarrier.arrive $0xFFFF;
	(pc) =	sbr.rel @!p0 .LBB2_7-.Ltmp1, $4  }
0x1b: {  	[hbm:s13@s23], [sflag:s0] =	dma.strided [spmem:s5@s6], $0xA00, s17, $0x4   }
0x1c: {  	_ =	swait.ge [sflag:s16], $0xA00  }
0x1d: {  	[sflag:s16] =	ssyncset.done $0x0  }
0x1e: {  	[sflag:s16] =	ssyncadd.s32 $0xFFFFF600  }
.LBB2_1:
0x1f: {  	s0 =	simm.s32 $0x80;
	s5 =	simm.s32 $0x0  }
.LBB2_2:
0x20: {  	p0 =	sne.s32 s0, $0x3E00;
	[tilespmem:s5+$0xA000] =	vst v0;
	s6 =	smov.u32 s0;
	s0 =	sadd.s32 $0x80, s0  }
.Ltmp2:
0x21: {  	[tilespmem:s5+$0xA010] =	vst v0;
	(pc) =	sbr.rel @p0 .LBB2_2-.Ltmp2, $2  }
0x22: {  	_ =	sdelay $0x2  }
0x23: {  	s5 =	sshra.s32 s6, $0x2  }
0x24: {  	[tilespmem:s5+$0xA000] =	vst v0  }
0x25: {  	[tilespmem:s5+$0xA010] =	vst v0  }
0x26: {  	[spmem:s4] =	stream.linear.scatter [tilespmem:s15], [sflag:$0x9], $0xFA0, $0x38;
	[tilespmem:$0x16D00] =	vst v63  }
0x27: {  	_ =	swait.ge [sflag:s16], $0xFA0  }
0x28: {  	[sflag:s16] =	ssyncset.done $0x0  }
0x29: {  	s0 =	rddreg [dreg:$0x3];
	[sflag:s16] =	ssyncadd.s32 $0xFFFFF060  }
0x2a: {  	[spmem:s0] =	stream.linear.scatter [tilespmem:s15], [sflag:$0x9], $0xFA0, $0x38;
	[tilespmem:$0x16D00] =	vst v63  }
0x2b: {  	_ =	swait.ge [sflag:s16], $0xFA0  }
0x2c: {  	[sflag:s16] =	ssyncset.done $0x0  }
0x2d: {  	s8 =	rddreg [dreg:$0x4];
	[sflag:s16] =	ssyncadd.s32 $0xFFFFF060  }
0x2e: {  	[spmem:s8] =	stream.linear.scatter [tilespmem:s15], [sflag:$0x9], $0xFA0, $0x38;
	[tilespmem:$0x16D00] =	vst v63  }
0x2f: {  	_ =	swait.ge [sflag:s16], $0xFA0  }
0x30: {  	[sflag:s16] =	ssyncset.done $0x0  }
0x31: {  	s24 =	rddreg [dreg:$0x5];
	[sflag:s16] =	ssyncadd.s32 $0xFFFFF060  }
0x32: {  	[spmem:s24] =	stream.linear.scatter [tilespmem:s15], [sflag:$0x9], $0xFA0, $0x38;
	[tilespmem:$0x16D00] =	vst v63  }
0x33: {  	_ =	swait.ge [sflag:s16], $0xFA0  }
0x34: {  	[sflag:s16] =	ssyncset.done $0x0  }
0x35: {  	s25 =	rddreg [dreg:$0x6];
	[sflag:s16] =	ssyncadd.s32 $0xFFFFF060  }
0x36: {  	[spmem:s25] =	stream.linear.scatter [tilespmem:s15], [sflag:$0x9], $0xFA0, $0x38;
	[tilespmem:$0x16D00] =	vst v63  }
0x37: {  	_ =	swait.ge [sflag:s16], $0xFA0  }
0x38: {  	[sflag:s16] =	ssyncset.done $0x0  }
0x39: {  	[sflag:s16] =	ssyncadd.s32 $0xFFFFF060  }
0x3a: {  	[spmem:s9] =	stream.linear.scatter [tilespmem:s15], [sflag:$0x9], $0x1E0, $0x38;
	[tilespmem:$0x16D00] =	vst v63  }
0x3b: {  	_ =	swait.ge [sflag:s16], $0x1E0  }
0x3c: {  	[sflag:s16] =	ssyncset.done $0x0  }
0x3d: {  	s25 =	simm.s32 $0x0;
	[sflag:s16] =	ssyncadd.s32 $0xFFFFFE20  }
0x3e: {  	[tilespmem:s25], [sflag:$0x9] =	stream.linear.gather [hbm4b:s10+s25], $0x5000, $0x38;
	[tilespmem:$0x16D00] =	vst v63  }
0x3f: {  	_ =	swait.ge [sflag:s16], $0x5000  }
0x40: {  	[sflag:s16] =	ssyncset.done $0x0  }
0x41: {  	s28 =	simm.s32 $0x5000;
	[sflag:s16] =	ssyncadd.s32 $0xFFFFB000  }
0x42: {  	[tilespmem:s28], [sflag:$0x9] =	stream.linear.gather [hbm4b:s11+s25], $0x5000, $0x38;
	[tilespmem:$0x16D00] =	vst v63  }
0x43: {  	_ =	swait.ge [sflag:s16], $0x5000  }
0x44: {  	[sflag:s16] =	ssyncset.done $0x0  }
0x45: {  	[sflag:s16] =	ssyncadd.s32 $0xFFFFB000  }
0x46: {  	[bflag:$0x0] =	sbarrier.arrive $0xFFFF  }
0x47: {  	[tilespmem:s15], [sflag:$0x1] =	stream.indirect.gather [hbm4b:s12+s18], $0x20, s25, s18, $0xb8;
	[tilespmem:$0x16D00] =	vst v63  }
0x48: {  	s29 =	simm.s32 $0x80;
	s30 =	simm.s32 $0xAFA0  }
0x49: {  	[tilespmem:s30], [sflag:$0x2] =	stream.indirect.gather [hbm4b:s12+s18], $0x20, s29, s18, $0xb8;
	[tilespmem:$0x16D00] =	vst v63  }
0x4a: {  	s5 =	simm.s32 $0x100  }
0x4b: {  	[tilespmem:s22], [sflag:$0x3] =	stream.indirect.gather [hbm4b:s12+s18], $0x20, s5, s18, $0xb8;
	[tilespmem:$0x16D00] =	vst v63  }
0x4c: {  	s6 =	simm.s32 $0x180;
	s7 =	simm.s32 $0xCEE0  }
0x4d: {  	[tilespmem:s7], [sflag:$0x4] =	stream.indirect.gather [hbm4b:s12+s18], $0x20, s6, s18, $0xb8;
	[tilespmem:$0x16D00] =	vst v63  }
0x4e: {  	s8 =	simm.s32 $0x200  }
0x4f: {  	[tilespmem:s26], [sflag:$0x5] =	stream.indirect.gather [hbm4b:s12+s18], $0x20, s8, s18, $0xb8;
	[tilespmem:$0x16D00] =	vst v63  }
0x50: {  	s24 =	simm.s32 $0x280;
	s28 =	simm.s32 $0xEE20  }
0x51: {  	[tilespmem:s28], [sflag:$0x6] =	stream.indirect.gather [hbm4b:s12+s18], $0x20, s24, s18, $0xb8;
	[tilespmem:$0x16D00] =	vst v63  }
0x52: {  	s29 =	simm.s32 $0x300  }
0x53: {  	[tilespmem:s31], [sflag:$0x7] =	stream.indirect.gather [hbm4b:s12+s18], $0x20, s29, s18, $0xb8;
	[tilespmem:$0x16D00] =	vst v63  }
0x54: {  	s30 =	simm.s32 $0x380  }
0x55: {  	[tilespmem:s1], [sflag:$0x8] =	stream.indirect.gather [hbm4b:s12+s18], $0x20, s30, s18, $0xb8;
	[tilespmem:$0x16D00] =	vst v63  }
.LBB2_4:
0x56: {  	_ =	swait.ge [sflag:s17], $0xFA0  }
0x57: {  	s28 =	sshra.s32 s25, $0x2;
	[sflag:s17] =	ssyncset.done $0x0  }
0x58: {  	s0 =	sadd.s32 $0x5000, s28;
	[sflag:s17] =	ssyncadd.s32 $0xFFFFF060  }
0x59: {  	[spmem:s2] =	stream.indirect.scatter.add.bf16 [tilespmem:s15], [sflag:$0x9], $0x20, s0, s18, $0xb8;
	[tilespmem:$0x16D00] =	vst v63  }
0x5a: {  	_ =	swait.ge [sflag:s16], $0xFA0  }
0x5b: {  	p0 =	seq.s32 s25, $0x13000;
	[sflag:s16] =	ssyncset.done $0x0  }
0x5c: {  	s0 =	simm.s32 @p0 $0x2;
	[sflag:s16] =	ssyncadd.s32 $0xFFFFF060  }
0x5d: {  	_ =	swait.ge @p0 [sflag:s0], $0xFA0  }
0x5e: {  	[sflag:s0] =	ssyncset.done @p0 $0x0  }
0x5f: {  	[sflag:s0] =	ssyncadd.s32 @p0 $0xFFFFF060;
	s0 =	sshra.s32 @p0 s25, $0x2  }
0x60: {  	s24 =	simm.s32 @p0 $0x7D;
	s6 =	simm.s32 @p0 $0xAFA0;
	s5 =	sadd.s32 @p0 $0x5080, s0  }
0x61: {  	[spmem:s2] =	stream.indirect.scatter.add.bf16 @p0 [tilespmem:s6], [sflag:$0x9], $0x20, s5, s24, $0xb8;
	[tilespmem:$0x16D00] =	vst v63  }
0x62: {  	s5 =	simm.s32 @p0 $0x9  }
0x63: {  	_ =	swait.ge @p0 [sflag:s5], $0xFA0  }
0x64: {  	s29 =	sshra.s32 @!p0 s25, $0x2;
	s30 =	simm.s32 @!p0 $0x7D;
	[sflag:s5] =	ssyncset.done @p0 $0x0  }
0x65: {  	s7 =	simm.s32 @!p0 $0xA000;
	s6 =	sadd.s32 @!p0 $0x400, s29;
	[sflag:s5] =	ssyncadd.s32 @p0 $0xFFFFF060  }
0x66: {  	[tilespmem:s7], [sflag:$0x1] =	stream.indirect.gather @!p0 [hbm4b:s12+s30], $0x20, s6, s30, $0xb8;
	[tilespmem:$0x16D00] =	vst v63  }
0x67: {  	s6 =	simm.s32 @!p0 $0x2  }
0x68: {  	_ =	swait.ge @!p0 [sflag:s6], $0xFA0  }
0x69: {  	[sflag:s6] =	ssyncset.done @!p0 $0x0  }
0x6a: {  	s7 =	simm.s32 @!p0 $0xAFA0;
	[sflag:s6] =	ssyncadd.s32 @!p0 $0xFFFFF060;
	s6 =	sadd.s32 @!p0 $0x5080, s29  }
0x6b: {  	[spmem:s2] =	stream.indirect.scatter.add.bf16 @!p0 [tilespmem:s7], [sflag:$0x9], $0x20, s6, s30, $0xb8;
	[tilespmem:$0x16D00] =	vst v63  }
0x6c: {  	s6 =	simm.s32 @!p0 $0x9  }
0x6d: {  	_ =	swait.ge @!p0 [sflag:s6], $0xFA0  }
0x6e: {  	[sflag:s6] =	ssyncset.done @!p0 $0x0  }
0x6f: {  	s8 =	sadd.s32 @!p0 $0x480, s29;
	[sflag:s6] =	ssyncadd.s32 @!p0 $0xFFFFF060  }
0x70: {  	[tilespmem:s7], [sflag:$0x2] =	stream.indirect.gather @!p0 [hbm4b:s12+s30], $0x20, s8, s30, $0xb8;
	[tilespmem:$0x16D00] =	vst v63  }
0x71: {  	_ =	swait.ge [sflag:s19], $0xFA0  }
0x72: {  	[sflag:s19] =	ssyncset.done $0x0  }
0x73: {  	s8 =	sadd.s32 $0x5100, s28;
	[sflag:s19] =	ssyncadd.s32 $0xFFFFF060  }
0x74: {  	[spmem:s2] =	stream.indirect.scatter.add.bf16 [tilespmem:s22], [sflag:$0x9], $0x20, s8, s18, $0xb8;
	[tilespmem:$0x16D00] =	vst v63  }
0x75: {  	_ =	swait.ge [sflag:s16], $0xFA0  }
0x76: {  	[sflag:s16] =	ssyncset.done $0x0  }
0x77: {  	s7 =	simm.s32 @p0 $0x4;
	[sflag:s16] =	ssyncadd.s32 $0xFFFFF060  }
0x78: {  	_ =	swait.ge @p0 [sflag:s7], $0xFA0  }
0x79: {  	[sflag:s7] =	ssyncset.done @p0 $0x0  }
0x7a: {  	s8 =	simm.s32 @p0 $0xCEE0;
	[sflag:s7] =	ssyncadd.s32 @p0 $0xFFFFF060;
	s7 =	sadd.s32 @p0 $0x5180, s0  }
0x7b: {  	[spmem:s2] =	stream.indirect.scatter.add.bf16 @p0 [tilespmem:s8], [sflag:$0x9], $0x20, s7, s24, $0xb8;
	[tilespmem:$0x16D00] =	vst v63  }
0x7c: {  	_ =	swait.ge @p0 [sflag:s5], $0xFA0  }
0x7d: {  	[sflag:s5] =	ssyncset.done @p0 $0x0  }
0x7e: {  	s7 =	sadd.s32 @!p0 $0x500, s29;
	s8 =	simm.s32 @!p0 $0xBF40;
	[sflag:s5] =	ssyncadd.s32 @p0 $0xFFFFF060  }
0x7f: {  	[tilespmem:s8], [sflag:$0x3] =	stream.indirect.gather @!p0 [hbm4b:s12+s30], $0x20, s7, s30, $0xb8;
	[tilespmem:$0x16D00] =	vst v63  }
0x80: {  	s7 =	simm.s32 @!p0 $0x4  }
0x81: {  	_ =	swait.ge @!p0 [sflag:s7], $0xFA0  }
0x82: {  	[sflag:s7] =	ssyncset.done @!p0 $0x0  }
0x83: {  	s8 =	simm.s32 @!p0 $0xCEE0;
	[sflag:s7] =	ssyncadd.s32 @!p0 $0xFFFFF060;
	s7 =	sadd.s32 @!p0 $0x5180, s29  }
0x84: {  	[spmem:s2] =	stream.indirect.scatter.add.bf16 @!p0 [tilespmem:s8], [sflag:$0x9], $0x20, s7, s30, $0xb8;
	[tilespmem:$0x16D00] =	vst v63  }
0x85: {  	_ =	swait.ge @!p0 [sflag:s6], $0xFA0  }
0x86: {  	[sflag:s6] =	ssyncset.done @!p0 $0x0  }
0x87: {  	s7 =	sadd.s32 @!p0 $0x580, s29;
	[sflag:s6] =	ssyncadd.s32 @!p0 $0xFFFFF060  }
0x88: {  	[tilespmem:s8], [sflag:$0x4] =	stream.indirect.gather @!p0 [hbm4b:s12+s30], $0x20, s7, s30, $0xb8;
	[tilespmem:$0x16D00] =	vst v63  }
0x89: {  	_ =	swait.ge [sflag:s20], $0xFA0  }
0x8a: {  	[sflag:s20] =	ssyncset.done $0x0  }
0x8b: {  	s8 =	sadd.s32 $0x5200, s28;
	[sflag:s20] =	ssyncadd.s32 $0xFFFFF060  }
0x8c: {  	[spmem:s2] =	stream.indirect.scatter.add.bf16 [tilespmem:s26], [sflag:$0x9], $0x20, s8, s18, $0xb8;
	[tilespmem:$0x16D00] =	vst v63  }
0x8d: {  	_ =	swait.ge [sflag:s16], $0xFA0  }
0x8e: {  	[sflag:s16] =	ssyncset.done $0x0  }
0x8f: {  	s7 =	simm.s32 @p0 $0x6;
	[sflag:s16] =	ssyncadd.s32 $0xFFFFF060  }
0x90: {  	_ =	swait.ge @p0 [sflag:s7], $0xFA0  }
0x91: {  	[sflag:s7] =	ssyncset.done @p0 $0x0  }
0x92: {  	s0 =	sadd.s32 @p0 $0x5280, s0;
	[sflag:s7] =	ssyncadd.s32 @p0 $0xFFFFF060;
	s7 =	simm.s32 @p0 $0xEE20  }
0x93: {  	[spmem:s2] =	stream.indirect.scatter.add.bf16 @p0 [tilespmem:s7], [sflag:$0x9], $0x20, s0, s24, $0xb8;
	[tilespmem:$0x16D00] =	vst v63  }
0x94: {  	_ =	swait.ge @p0 [sflag:s5], $0xFA0  }
0x95: {  	[sflag:s5] =	ssyncset.done @p0 $0x0  }
0x96: {  	s0 =	sadd.s32 @!p0 $0x600, s29;
	[sflag:s5] =	ssyncadd.s32 @p0 $0xFFFFF060;
	s5 =	simm.s32 @!p0 $0xDE80  }
0x97: {  	[tilespmem:s5], [sflag:$0x5] =	stream.indirect.gather @!p0 [hbm4b:s12+s30], $0x20, s0, s30, $0xb8;
	[tilespmem:$0x16D00] =	vst v63  }
0x98: {  	s0 =	simm.s32 @!p0 $0x6  }
0x99: {  	_ =	swait.ge @!p0 [sflag:s0], $0xFA0  }
0x9a: {  	[sflag:s0] =	ssyncset.done @!p0 $0x0  }
0x9b: {  	s5 =	simm.s32 @!p0 $0xEE20;
	[sflag:s0] =	ssyncadd.s32 @!p0 $0xFFFFF060;
	s0 =	sadd.s32 @!p0 $0x5280, s29  }
0x9c: {  	[spmem:s2] =	stream.indirect.scatter.add.bf16 @!p0 [tilespmem:s5], [sflag:$0x9], $0x20, s0, s30, $0xb8;
	[tilespmem:$0x16D00] =	vst v63  }
0x9d: {  	_ =	swait.ge @!p0 [sflag:s6], $0xFA0  }
0x9e: {  	[sflag:s6] =	ssyncset.done @!p0 $0x0  }
0x9f: {  	s0 =	sadd.s32 @!p0 $0x680, s29;
	[sflag:s6] =	ssyncadd.s32 @!p0 $0xFFFFF060  }
0xa0: {  	[tilespmem:s5], [sflag:$0x6] =	stream.indirect.gather @!p0 [hbm4b:s12+s30], $0x20, s0, s30, $0xb8;
	[tilespmem:$0x16D00] =	vst v63  }
0xa1: {  	_ =	swait.ge [sflag:s21], $0xFA0  }
0xa2: {  	[sflag:s21] =	ssyncset.done $0x0  }
.Ltmp3:
0xa3: {  	s30 =	sadd.s32 $0x5300, s28;
	[sflag:s21] =	ssyncadd.s32 $0xFFFFF060;
	(pc) =	sbr.rel @p0 .LBB2_6-.Ltmp3, $4  }
0xa4: {  	[spmem:s2] =	stream.indirect.scatter.add.bf16 [tilespmem:s31], [sflag:$0x9], $0x20, s30, s18, $0xb8;
	[tilespmem:$0x16D00] =	vst v63  }
0xa5: {  	_ =	swait.ge [sflag:s16], $0xFA0  }
0xa6: {  	[sflag:s16] =	ssyncset.done $0x0  }
0xa7: {  	s0 =	sadd.s32 $0x5380, s28;
	[sflag:s16] =	ssyncadd.s32 $0xFFFFF060  }
0xa8: {  	s5 =	sadd.s32 $0x700, s28  }
0xa9: {  	[tilespmem:s31], [sflag:$0x7] =	stream.indirect.gather [hbm4b:s12+s18], $0x20, s5, s18, $0xb8;
	[tilespmem:$0x16D00] =	vst v63  }
0xaa: {  	_ =	swait.ge [sflag:s23], $0xFA0  }
0xab: {  	[sflag:s23] =	ssyncset.done $0x0  }
0xac: {  	[sflag:s23] =	ssyncadd.s32 $0xFFFFF060  }
0xad: {  	[spmem:s2] =	stream.indirect.scatter.add.bf16 [tilespmem:s1], [sflag:$0x9], $0x20, s0, s18, $0xb8;
	[tilespmem:$0x16D00] =	vst v63  }
.Ltmp4:
0xae: {  	_ = 	snop;
	(pc) =	sbr.rel .LBB2_4-.Ltmp4, $4  }
0xaf: {  	_ =	swait.ge [sflag:s16], $0xFA0  }
0xb0: {  	[sflag:s16] =	ssyncset.done $0x0  }
0xb1: {  	s30 =	sadd.s32 $0x780, s28;
	s25 =	sadd.s32 $0x1000, s25;
	[sflag:s16] =	ssyncadd.s32 $0xFFFFF060  }
0xb2: {  	[tilespmem:s1], [sflag:$0x8] =	stream.indirect.gather [hbm4b:s12+s18], $0x20, s30, s18, $0xb8;
	[tilespmem:$0x16D00] =	vst v63  }
.LBB2_7:
0xb3: {  	_ =	sfence.sel $0x180000  }
0xb4: {  	[bflag:$0x0] =	sbarrier.arrive $0xFFFF  }
0xb5: {  	_ =	strace $0x9000004A  }
0xb6: {  	s0 =	stileid.u32;
	[bflag:$0x2] =	sbarrier.arrive $0xFFFF  }
0xb7: {  	p0 =	sne.s32 s0, $0x0;
	s0 =	rddreg [dreg:$0x2]  }
0xb8: {  	s0 =	sadd.s32 @!p0 $0x100000, s0  }
0xb9: {  	[sflag:s0] =	ssyncadd.tile.s32 @!p0 $0x1;
	_ =	shalt  }
.Lfunc_end2:
_tile_overlayer_lowered:
.L_overlay_start_2:
0xba: {  	(tag) =	ssettag $0x2  }
0xbb: {  	s0 =	rddreg [dreg:$0x0];
	s2 =	stileid.u32  }
0xbc: {  	s1 =	rddreg [dreg:$0x1];
	p0 =	sne.s32 s2, $0x0  }
0xbd: {  	s3 =	rddreg [dreg:$0x2];
	[bflag:$0x3] =	sbarrier.arrive $0xFFFF;
	s2 =	simm.s32 @!p0 $0x1C09  }
0xbe: {  	[timem:s3], [sflag:s2] =	dma.local @!p0 [hbm:s0], s1  }
0xbf: {  	s0 =	simm.s32 @!p0 $0x9  }
0xc0: {  	_ =	swait.ge @!p0 [sflag:s0], s1  }
0xc1: {  	s1 =	ssub.s32 @!p0 $0x0, s1;
	[sflag:s0] =	ssyncset.done @!p0 $0x0  }
0xc2: {  	[sflag:s0] =	ssyncadd.s32 @!p0 s1  }
0xc3: {  	[bflag:$0x3] =	sbarrier.arrive $0xFFFF  }
0xc4: {  	_ =	shalt  }

// kernel: kernel.15.cloned.1.call-start
scs
__scs_entry_jumppad:
0x0: {  	(pc) =	sbr.rel $0x88, $3  }
0x1: {  	(tag) =	ssettag $0x0;
	lr =	simm.s32 $0x1  }
0x2: {  	[smem:$0x3F99] =	sst lr;
	_ =	strace $0xD0000000  }
0x3: {  	_ = 	snop  }
0x4: {  	_ = 	snop  }
0x5: {  	_ = 	snop  }
0x6: {  	_ = 	snop  }
0x7: {  	_ = 	snop  }
__scs_overlays_trampoline_lowered:
0x8: {  	[smem:$0x3FA8] =	sst s0  }
0x9: {  	[smem:$0x3FA9] =	sst s1  }
0xa: {  	[smem:$0x3FAA] =	sst s2  }
0xb: {  	[smem:$0x3FAB] =	sst s3  }
0xc: {  	[smem:$0x3FAC] =	sst s4  }
0xd: {  	[smem:$0x3FAD] =	sst s5  }
0xe: {  	[smem:$0x3FAE] =	sst s6  }
0xf: {  	[smem:$0x3FAF] =	sst s7  }
0x10: {  	[smem:$0x3FB0] =	sst s8  }
0x11: {  	[smem:$0x3FB1] =	sst s9;
	s0 =	simm.s32 @!p0 $0x0  }
0x12: {  	s1 =	sld [smem:$0x3F97];
	s0 =	simm.s32 @p0 $0x1  }
0x13: {  	[smem:$0x3FB2] =	sst s0;
	s0 =	simm.s32 @!p1 $0x0  }
0x14: {  	s2 =	sld [smem:$0x3F96];
	s0 =	simm.s32 @p1 $0x1  }
0x15: {  	[smem:$0x3FB3] =	sst s0;
	s0 =	simm.s32 @!p2 $0x0  }
0x16: {  	s3 =	sld [smem:$0x3FDB];
	s0 =	simm.s32 @p2 $0x1  }
0x17: {  	s4 =	simm.s32 $0x1BF5;
	[smem:$0x3FB5] =	sst s0  }
0x18: {  	s0 =	sld [smem:$0x3F98];
	_ =	swait.ge [sflag:s4], $0x0  }
0x19: {  	s7 =	sld [smem:$0x3F99]  }
0x1a: {  	s8 =	sadd.s32 $0xFFFFE003, lr  }
0x1b: {  	s9 =	sadd.s32 $0xFFFFFEF7, lr;
	s5 =	simm.s32 $0xFFFFFFFF;
	p2 =	slt.u32 s8, $0xFFFFF086  }
0x1c: {  	p1 =	slt.u32 s9, $0xF7A;
	s5 =	simm.s32 @!p2 $0x0  }
0x1d: {  	s5 =	simm.s32 @p1 $0x1;
	p0 =	seq.s32 s7, s2  }
0x1e: {  	s7 =	smul.u32 @!p0 $0xF7A, s2;
	p2 =	seq.s32 @!p0 s5, $0x0  }
0x1f: {  	s9 =	smul.u32 $0xF7A, s1;
	s8 =	simm.s32 @!p0 $0x1BF5;
	p2 =	por !p2, p0  }
0x20: {  	[sflag:s8] =	ssyncset.s32 @!p0 $0xFFFFF086;
	s6 =	sadd.s32 @!p0 s3, s7;
	s7 =	simm.s32 @!p0 $0x108  }
0x21: {  	s3 =	sadd.s32 s3, s9;
	s6 =	sadd.s32 @!p0 $0x88, s6;
	s7 =	simm.s32 @p2 $0x1082  }
0x22: {  	[simem:s7], [sflag:s8] =	dma.local @!p0 [hbm:s6], $0xF7A  }
0x23: {  	s9 =	sor.u32 $0xD0000000, s2;
	s6 =	simm.s32 $0x108;
	_ =	swait.ge @!p0 [sflag:s8], $0x0  }
0x24: {  	s3 =	sadd.s32 $0x88, s3;
	s6 =	simm.s32 @!p1 $0x1082;
	[sflag:s4] =	ssyncset.s32 $0xFFFFF086  }
0x25: {  	[simem:s6], [sflag:s4] =	dma.local [hbm:s3], $0xF7A  }
0x26: {  	[smem:$0x3F99] =	sst s1;
	(tag) =	ssettag s2;
	_ =	strace s9  }
0x27: {  	s1 =	sld [smem:$0x3FA9]  }
0x28: {  	s2 =	sld [smem:$0x3FAA]  }
0x29: {  	s4 =	sld [smem:$0x3FAC]  }
0x2a: {  	p0 =	seq.s32 s5, $0x0;
	s5 =	sld [smem:$0x3FAD]  }
0x2b: {  	s6 =	sld [smem:$0x3FAE]  }
0x2c: {  	s7 =	sld [smem:$0x3FAF]  }
0x2d: {  	s3 =	simm.s32 $0x108;
	s8 =	sld [smem:$0x3FB0]  }
0x2e: {  	s3 =	simm.s32 @!p0 $0x1082;
	s9 =	sld [smem:$0x3FB1]  }
0x2f: {  	lr =	sadd.s32 s0, s3;
	s0 =	sld [smem:$0x3FA8]  }
0x30: {  	s3 =	sld [smem:$0x3FAB]  }
0x31: {  	[smem:$0x3FB4] =	sst s10  }
0x32: {  	s10 =	sld [smem:$0x3FB2];
	_ =	sdelay $0x3  }
0x33: {  	p0 =	seq.s32 s10, $0x1;
	s10 =	sld [smem:$0x3FB4];
	_ =	sdelay $0x3  }
0x34: {  	[smem:$0x3FB4] =	sst s10  }
0x35: {  	s10 =	sld [smem:$0x3FB3];
	_ =	sdelay $0x3  }
0x36: {  	p1 =	seq.s32 s10, $0x1;
	s10 =	sld [smem:$0x3FB4];
	_ =	sdelay $0x3  }
0x37: {  	[smem:$0x3FB4] =	sst s10  }
0x38: {  	s10 =	sld [smem:$0x3FB5]  }
0x39: {  	_ = 	snop;
	(pc) =	sbr.ind lr, $3  }
0x3a: {  	_ = 	snop  }
0x3b: {  	_ = 	snop  }
0x3c: {  	p2 =	seq.s32 s10, $0x1;
	s10 =	sld [smem:$0x3FB4]  }
0x3d: {  	_ =	shalt  }
0x3e: {  	_ =	shalt  }
0x3f: {  	_ =	shalt  }
0x40: {  	_ =	shalt  }
0x41: {  	_ =	shalt  }
0x42: {  	_ =	shalt  }
0x43: {  	_ =	shalt  }
0x44: {  	_ =	shalt  }
0x45: {  	_ =	shalt  }
0x46: {  	_ =	shalt  }
0x47: {  	_ =	shalt  }
0x48: {  	_ =	shalt  }
0x49: {  	_ =	shalt  }
0x4a: {  	_ =	shalt  }
0x4b: {  	_ =	shalt  }
0x4c: {  	_ =	shalt  }
0x4d: {  	_ =	shalt  }
0x4e: {  	_ =	shalt  }
0x4f: {  	_ =	shalt  }
0x50: {  	_ =	shalt  }
0x51: {  	_ =	shalt  }
0x52: {  	_ =	shalt  }
0x53: {  	_ =	shalt  }
0x54: {  	_ =	shalt  }
0x55: {  	_ =	shalt  }
0x56: {  	_ =	shalt  }
0x57: {  	_ =	shalt  }
0x58: {  	_ =	shalt  }
0x59: {  	_ =	shalt  }
0x5a: {  	_ =	shalt  }
0x5b: {  	_ =	shalt  }
0x5c: {  	_ =	shalt  }
0x5d: {  	_ =	shalt  }
0x5e: {  	_ =	shalt  }
0x5f: {  	_ =	shalt  }
0x60: {  	_ =	shalt  }
0x61: {  	_ =	shalt  }
0x62: {  	_ =	shalt  }
0x63: {  	_ =	shalt  }
0x64: {  	_ =	shalt  }
0x65: {  	_ =	shalt  }
0x66: {  	_ =	shalt  }
0x67: {  	_ =	shalt  }
0x68: {  	_ =	shalt  }
0x69: {  	_ =	shalt  }
0x6a: {  	_ =	shalt  }
0x6b: {  	_ =	shalt  }
0x6c: {  	_ =	shalt  }
0x6d: {  	_ =	shalt  }
0x6e: {  	_ =	shalt  }
0x6f: {  	_ =	shalt  }
0x70: {  	_ =	shalt  }
0x71: {  	_ =	shalt  }
0x72: {  	_ =	shalt  }
0x73: {  	_ =	shalt  }
0x74: {  	_ =	shalt  }
0x75: {  	_ =	shalt  }
0x76: {  	_ =	shalt  }
0x77: {  	_ =	shalt  }
0x78: {  	_ =	shalt  }
0x79: {  	_ =	shalt  }
0x7a: {  	_ =	shalt  }
0x7b: {  	_ =	shalt  }
0x7c: {  	_ =	shalt  }
0x7d: {  	_ =	shalt  }
0x7e: {  	_ =	shalt  }
0x7f: {  	_ =	shalt  }
0x80: {  	_ =	shalt  }
0x81: {  	_ =	shalt  }
0x82: {  	_ =	shalt  }
0x83: {  	_ =	shalt  }
0x84: {  	_ =	shalt  }
0x85: {  	_ =	shalt  }
0x86: {  	_ =	shalt  }
0x87: {  	_ =	shalt  }
.Lfunc_end0:
.L_simem_size_0:
called_computation.2_lowered:
.L_overlay_start_0:
0x88: {  	s2 =	sld [smem:$0x3FD9]  }
0x89: {  	s3 =	sld [smem:$0x3FFE];
	_ =	sdelay $0x1  }
0x8a: {  	s1 =	srdreg.scid  }
0x8b: {  	s0 =	sand.u32 $0x1, s1  }
0x8c: {  	s16 =	sshll.u32 s0, $0xA;
	s2 =	sadd.s32 s3, s2  }
0x8d: {  	s2 =	sadd.s32 s2, s16  }
0x8e: {  	[smem:$0x3FC0] =	sst s2  }
0x8f: {  	_ = 	snop  }
0x90: {  	(tm) =	ssettm $0x1  }
0x91: {  	s17 =	sld [smem:$0x3FFB];
	_ =	sdelay $0x3  }
0x92: {  	_ =	strace s17  }
0x93: {  	s2 =	sld [smem:$0x3FFC];
	_ =	sdelay $0x3  }
0x94: {  	_ =	strace s2  }
0x95: {  	s2 =	sld [smem:$0x3FFD];
	_ =	sdelay $0x3  }
0x96: {  	_ =	strace s2  }
0x97: {  	_ =	strace $0x8FFFFFFF  }
0x98: {  	s18 =	sld [smem:$0x3FDB];
	_ =	sdelay $0x1  }
0x99: {  	s19 =	simm.s32 $_scs_section_size  }
0x9a: {  	s4 =	simm.s32 $_size__tile_overlayer_lowered;
	s5 =	simm.s32 $_tile_overlayer_lowered  }
0x9b: {  	s22 =	simm.s32 $0x1BFF;
	s21 =	sshll.u32 s5, $0x1;
	s2 =	sadd.s32 s19, s18  }
0x9c: {  	s6 =	simm.s32 $0x0;
	s20 =	sshll.u32 s4, $0x1;
	s4 =	sadd.s32 s21, s2  }
0x9d: {  	[timem:s6], [sflag:s22] =	dma.local [hbm:s4], s20  }
0x9e: {  	_ =	swait.ge [sflag:s22], s20  }
0x9f: {  	s3 =	ssub.s32 $0x0, s20;
	[sflag:s22] =	ssyncset.done $0x0  }
0xa0: {  	[sflag:s22] =	ssyncadd.s32 s3;
	_ =	sdelay $0x1  }
0xa1: {  	s23 =	simm.s32 $0x1B8B  }
0xa2: {  	_ =	swait.ge [sflag:s23], $0x1  }
0xa3: {  	[sflag:s23] =	ssyncset.done $0x0  }
0xa4: {  	s25 =	simm.s32 $0x1B8E;
	s24 =	sld [smem:$0x3FFE];
	[sflag:s23] =	ssyncadd.s32 $0xFFFFFFFF  }
0xa5: {  	s26 =	simm.s32 $execute0_lowered;
	[smem:$0x3FD2] =	sst s25  }
0xa6: {  	s4 =	sshll.u32 s26, $0x1;
	_ =	strace $0x8000004C;
	[dreg:$0x1] =	wrdreg $0xFFFFFFFF  }
0xa7: {  	s28 =	simm.s32 $_size_execute0_lowered;
	s2 =	sadd.s32 s2, s4;
	[dreg:$0x0] =	wrdreg $0x0  }
0xa8: {  	s4 =	sshll.u32 s28, $0x1;
	[dreg:$0x2] =	wrdreg s2  }
0xa9: {  	[dreg:$0x3] =	wrdreg s4  }
0xaa: {  	[dreg:$0x4] =	wrdreg $0xC0  }
0xab: {  	_ =	task [dreg:s6], $0x5FFFF  }
0xac: {  	[dreg:$0x1] =	wrdreg $0xFFFFFFFF  }
0xad: {  	[dreg:$0x0] =	wrdreg $0x60  }
0xae: {  	[dreg:$0x2] =	wrdreg s24  }
0xaf: {  	[dreg:$0x3] =	wrdreg $0x11D000  }
0xb0: {  	[dreg:$0x4] =	wrdreg $0x9  }
0xb1: {  	_ =	task.clear_ibuf [dreg:s6], $0x5FFFF;
	_ =	strace $0x9000004C  }
0xb2: {  	s29 =	simm.s32 $0x9;
	_ =	strace $0x8000004E  }
0xb3: {  	_ =	swait.ge [sflag:s29], $0x1  }
0xb4: {  	[sflag:s29] =	ssyncadd.s32 $0xFFFFFFFF  }
0xb5: {  	_ =	strace $0x9000004E  }
0xb6: {  	_ =	sfence  }
0xb7: {  	s30 =	sld [smem:$0x0];
	_ =	sdelay $0x2  }
0xb8: {  	s31 =	sshll.u32 s1, $0xD;
	s1 =	sshrl.u32 s1, $0x2  }
0xb9: {  	s3 =	sand.u32 $0x4000, s31;
	s1 =	sadd.s32 s1, s30  }
0xba: {  	s0 =	sor.u32 s3, s0;
	s1 =	sshll.u32 s1, $0x11  }
0xbb: {  	s0 =	sor.u32 s1, s0  }
0xbc: {  	s0 =	sadd.s32 $0x8F2B, s0  }
0xbd: {  	[sflag:s0] =	ssyncadd.remote.s32 $0x1  }
0xbe: {  	_ =	sfence.sel $0xFFFF  }
0xbf: {  	[dreg:$0x0] =	wrdreg $0xFFFFFFFF;
	(pc) =	sbr.abs _section_cstart, $3  }
0xc0: {  	[dreg:$0x1] =	wrdreg $0xFFFFFFFF  }
0xc1: {  	_ =	task.clear_ibuf [dreg:s6], $0x2FFFF;
	_ =	strace $0x9FFFFFFF  }
0xc2: {  	(tm) =	ssettm $0x7FFFFFFF  }
0xc3: {  	_ =	shalt  }
tec
execute0_lowered:
.L_overlay_start_1:
0x0: {  	(tag) =	ssettag $0x1  }
0x1: {  	s0 =	rddreg [dreg:$0x0]  }
0x2: {  	s2 =	rddreg [dreg:$0x1]  }
0x3: {  	s1 =	srdreg.scid;
	s6 =	stileid.u32;
	s3 =	simm.s32 $0x0  }
0x4: {  	s15 =	simm.s32 $0xA000;
	s16 =	simm.s32 $0x9;
	s18 =	simm.s32 $0x7D  }
0x5: {  	s22 =	simm.s32 $0xBF40;
	s31 =	simm.s32 $0xFDC0;
	s17 =	simm.s32 $0x1  }
0x6: {  	s19 =	simm.s32 $0x3;
	s20 =	simm.s32 $0x5;
	s4 =	smul.u32 $0x5000, s6  }
0x7: {  	s21 =	simm.s32 $0x7;
	s1 =	sand.u32 $0x1, s1;
	s6 =	smul.u32 $0x14000, s6  }
0x8: {  	s23 =	simm.s32 $0x8;
	[smem:$0x7FF] =	sst s3;
	s5 =	smul.u32 $0xA000, s1  }
0x9: {  	_ =	strace $0x8000004D;
	s26 =	sshll.u32 s1, $0x6;
	s1 =	ssub.s32 $0x2, s1  }
0xa: {  	s4 =	sshrl.u32 s4, $0x3;
	s8 =	sshrl.u32 s1, $0x1;
	s5 =	sadd.s32 s5, s0  }
0xb: {  	s11 =	sadd.s32 s4, s0;
	s4 =	sor.u32 s26, s6;
	s6 =	sshrl.u32 s6, $0x2  }
0xc: {  	s1 =	ssub.s32 s1, s8;
	s26 =	simm.s32 $0xDE80;
	s7 =	sshrl.u32 s4, $0x4  }
0xd: {  	s4 =	sadd.s32 s6, s2;
	s10 =	sadd.s32 $0x2200, s11;
	s11 =	sadd.s32 $0xC200, s11  }
.Ltmp0:
0xe: {  	s12 =	sadd.s32 $0x16200, s5;
	s6 =	sadd.s32 $0xFA0, s4;
	(pc) =	sbr.rel .LBB2_1-.Ltmp0, $4  }
0xf: {  	s14 =	smax.u32 s1, $0x1;
	s28 =	sadd.s32 $0x1F40, s4;
	[dreg:$0x3] =	wrdreg s6  }
0x10: {  	s1 =	simm.s32 $0x10D60;
	s29 =	sadd.s32 $0x2EE0, s4;
	[dreg:$0x4] =	wrdreg s28  }
0x11: {  	s0 =	sadd.s32 s7, s0;
	s30 =	sadd.s32 $0x3E80, s4;
	[dreg:$0x5] =	wrdreg s29  }
0x12: {  	v0 =	vimm.bf16 $0.0e+00;
	s9 =	sadd.s32 $0x4E20, s4;
	[dreg:$0x6] =	wrdreg s30;
	s13 =	sadd.s32 $0x2A200, s0  }
.LBB2_6:
0x13: {  	_ =	swait.ge [sflag:s23], $0xFA0  }
0x14: {  	[sflag:s23] =	ssyncset.done $0x0  }
0x15: {  	[sflag:s23] =	ssyncadd.s32 $0xFFFFF060  }
0x16: {  	[spmem:s2] =	stream.indirect.scatter.add.bf16 [tilespmem:s1], [sflag:$0x9], $0x20, s0, s18, $0xb8;
	[tilespmem:$0x16D00] =	vst v63  }
0x17: {  	s30 =	stileid.u32;
	s5 =	sshrl.u32 s4, $0x3;
	_ =	swait.ge [sflag:s16], $0xFA0  }
0x18: {  	s6 =	simm.s32 $0x4;
	s3 =	sadd.s32 $0x1, s3;
	[sflag:s16] =	ssyncset.done $0x0  }
0x19: {  	p0 =	sne.s32 s3, s14;
	s0 =	sshll.u32 s30, $0x6;
	[sflag:s16] =	ssyncadd.s32 $0xFFFFF060  }
.Ltmp1:
0x1a: {  	s0 =	sor.u32 $0x1C09, s0;
	[bflag:$0x0] =	sbarrier.arrive $0xFFFF;
	(pc) =	sbr.rel @!p0 .LBB2_7-.Ltmp1, $4  }
0x1b: {  	[hbm:s13@s23], [sflag:s0] =	dma.strided [spmem:s5@s6], $0xA00, s17, $0x4   }
0x1c: {  	_ =	swait.ge [sflag:s16], $0xA00  }
0x1d: {  	[sflag:s16] =	ssyncset.done $0x0  }
0x1e: {  	[sflag:s16] =	ssyncadd.s32 $0xFFFFF600  }
.LBB2_1:
0x1f: {  	s0 =	simm.s32 $0x80;
	s5 =	simm.s32 $0x0  }
.LBB2_2:
0x20: {  	p0 =	sne.s32 s0, $0x3E00;
	[tilespmem:s5+$0xA000] =	vst v0;
	s6 =	smov.u32 s0;
	s0 =	sadd.s32 $0x80, s0  }
.Ltmp2:
0x21: {  	[tilespmem:s5+$0xA010] =	vst v0;
	(pc) =	sbr.rel @p0 .LBB2_2-.Ltmp2, $2  }
0x22: {  	_ =	sdelay $0x2  }
0x23: {  	s5 =	sshra.s32 s6, $0x2  }
0x24: {  	[tilespmem:s5+$0xA000] =	vst v0  }
0x25: {  	[tilespmem:s5+$0xA010] =	vst v0  }
0x26: {  	[spmem:s4] =	stream.linear.scatter [tilespmem:s15], [sflag:$0x9], $0xFA0, $0x38;
	[tilespmem:$0x16D00] =	vst v63  }
0x27: {  	_ =	swait.ge [sflag:s16], $0xFA0  }
0x28: {  	[sflag:s16] =	ssyncset.done $0x0  }
0x29: {  	s0 =	rddreg [dreg:$0x3];
	[sflag:s16] =	ssyncadd.s32 $0xFFFFF060  }
0x2a: {  	[spmem:s0] =	stream.linear.scatter [tilespmem:s15], [sflag:$0x9], $0xFA0, $0x38;
	[tilespmem:$0x16D00] =	vst v63  }
0x2b: {  	_ =	swait.ge [sflag:s16], $0xFA0  }
0x2c: {  	[sflag:s16] =	ssyncset.done $0x0  }
0x2d: {  	s8 =	rddreg [dreg:$0x4];
	[sflag:s16] =	ssyncadd.s32 $0xFFFFF060  }
0x2e: {  	[spmem:s8] =	stream.linear.scatter [tilespmem:s15], [sflag:$0x9], $0xFA0, $0x38;
	[tilespmem:$0x16D00] =	vst v63  }
0x2f: {  	_ =	swait.ge [sflag:s16], $0xFA0  }
0x30: {  	[sflag:s16] =	ssyncset.done $0x0  }
0x31: {  	s24 =	rddreg [dreg:$0x5];
	[sflag:s16] =	ssyncadd.s32 $0xFFFFF060  }
0x32: {  	[spmem:s24] =	stream.linear.scatter [tilespmem:s15], [sflag:$0x9], $0xFA0, $0x38;
	[tilespmem:$0x16D00] =	vst v63  }
0x33: {  	_ =	swait.ge [sflag:s16], $0xFA0  }
0x34: {  	[sflag:s16] =	ssyncset.done $0x0  }
0x35: {  	s25 =	rddreg [dreg:$0x6];
	[sflag:s16] =	ssyncadd.s32 $0xFFFFF060  }
0x36: {  	[spmem:s25] =	stream.linear.scatter [tilespmem:s15], [sflag:$0x9], $0xFA0, $0x38;
	[tilespmem:$0x16D00] =	vst v63  }
0x37: {  	_ =	swait.ge [sflag:s16], $0xFA0  }
0x38: {  	[sflag:s16] =	ssyncset.done $0x0  }
0x39: {  	[sflag:s16] =	ssyncadd.s32 $0xFFFFF060  }
0x3a: {  	[spmem:s9] =	stream.linear.scatter [tilespmem:s15], [sflag:$0x9], $0x1E0, $0x38;
	[tilespmem:$0x16D00] =	vst v63  }
0x3b: {  	_ =	swait.ge [sflag:s16], $0x1E0  }
0x3c: {  	[sflag:s16] =	ssyncset.done $0x0  }
0x3d: {  	s25 =	simm.s32 $0x0;
	[sflag:s16] =	ssyncadd.s32 $0xFFFFFE20  }
0x3e: {  	[tilespmem:s25], [sflag:$0x9] =	stream.linear.gather [hbm4b:s10+s25], $0x5000, $0x38;
	[tilespmem:$0x16D00] =	vst v63  }
0x3f: {  	_ =	swait.ge [sflag:s16], $0x5000  }
0x40: {  	[sflag:s16] =	ssyncset.done $0x0  }
0x41: {  	s28 =	simm.s32 $0x5000;
	[sflag:s16] =	ssyncadd.s32 $0xFFFFB000  }
0x42: {  	[tilespmem:s28], [sflag:$0x9] =	stream.linear.gather [hbm4b:s11+s25], $0x5000, $0x38;
	[tilespmem:$0x16D00] =	vst v63  }
0x43: {  	_ =	swait.ge [sflag:s16], $0x5000  }
0x44: {  	[sflag:s16] =	ssyncset.done $0x0  }
0x45: {  	[sflag:s16] =	ssyncadd.s32 $0xFFFFB000  }
0x46: {  	[bflag:$0x0] =	sbarrier.arrive $0xFFFF  }
0x47: {  	[tilespmem:s15], [sflag:$0x1] =	stream.indirect.gather [hbm4b:s12+s18], $0x20, s25, s18, $0xb8;
	[tilespmem:$0x16D00] =	vst v63  }
0x48: {  	s29 =	simm.s32 $0x80;
	s30 =	simm.s32 $0xAFA0  }
0x49: {  	[tilespmem:s30], [sflag:$0x2] =	stream.indirect.gather [hbm4b:s12+s18], $0x20, s29, s18, $0xb8;
	[tilespmem:$0x16D00] =	vst v63  }
0x4a: {  	s5 =	simm.s32 $0x100  }
0x4b: {  	[tilespmem:s22], [sflag:$0x3] =	stream.indirect.gather [hbm4b:s12+s18], $0x20, s5, s18, $0xb8;
	[tilespmem:$0x16D00] =	vst v63  }
0x4c: {  	s6 =	simm.s32 $0x180;
	s7 =	simm.s32 $0xCEE0  }
0x4d: {  	[tilespmem:s7], [sflag:$0x4] =	stream.indirect.gather [hbm4b:s12+s18], $0x20, s6, s18, $0xb8;
	[tilespmem:$0x16D00] =	vst v63  }
0x4e: {  	s8 =	simm.s32 $0x200  }
0x4f: {  	[tilespmem:s26], [sflag:$0x5] =	stream.indirect.gather [hbm4b:s12+s18], $0x20, s8, s18, $0xb8;
	[tilespmem:$0x16D00] =	vst v63  }
0x50: {  	s24 =	simm.s32 $0x280;
	s28 =	simm.s32 $0xEE20  }
0x51: {  	[tilespmem:s28], [sflag:$0x6] =	stream.indirect.gather [hbm4b:s12+s18], $0x20, s24, s18, $0xb8;
	[tilespmem:$0x16D00] =	vst v63  }
0x52: {  	s29 =	simm.s32 $0x300  }
0x53: {  	[tilespmem:s31], [sflag:$0x7] =	stream.indirect.gather [hbm4b:s12+s18], $0x20, s29, s18, $0xb8;
	[tilespmem:$0x16D00] =	vst v63  }
0x54: {  	s30 =	simm.s32 $0x380  }
0x55: {  	[tilespmem:s1], [sflag:$0x8] =	stream.indirect.gather [hbm4b:s12+s18], $0x20, s30, s18, $0xb8;
	[tilespmem:$0x16D00] =	vst v63  }
.LBB2_4:
0x56: {  	_ =	swait.ge [sflag:s17], $0xFA0  }
0x57: {  	s28 =	sshra.s32 s25, $0x2;
	[sflag:s17] =	ssyncset.done $0x0  }
0x58: {  	s0 =	sadd.s32 $0x5000, s28;
	[sflag:s17] =	ssyncadd.s32 $0xFFFFF060  }
0x59: {  	[spmem:s2] =	stream.indirect.scatter.add.bf16 [tilespmem:s15], [sflag:$0x9], $0x20, s0, s18, $0xb8;
	[tilespmem:$0x16D00] =	vst v63  }
0x5a: {  	_ =	swait.ge [sflag:s16], $0xFA0  }
0x5b: {  	p0 =	seq.s32 s25, $0x13000;
	[sflag:s16] =	ssyncset.done $0x0  }
0x5c: {  	s0 =	simm.s32 @p0 $0x2;
	[sflag:s16] =	ssyncadd.s32 $0xFFFFF060  }
0x5d: {  	_ =	swait.ge @p0 [sflag:s0], $0xFA0  }
0x5e: {  	[sflag:s0] =	ssyncset.done @p0 $0x0  }
0x5f: {  	[sflag:s0] =	ssyncadd.s32 @p0 $0xFFFFF060;
	s0 =	sshra.s32 @p0 s25, $0x2  }
0x60: {  	s24 =	simm.s32 @p0 $0x7D;
	s6 =	simm.s32 @p0 $0xAFA0;
	s5 =	sadd.s32 @p0 $0x5080, s0  }
0x61: {  	[spmem:s2] =	stream.indirect.scatter.add.bf16 @p0 [tilespmem:s6], [sflag:$0x9], $0x20, s5, s24, $0xb8;
	[tilespmem:$0x16D00] =	vst v63  }
0x62: {  	s5 =	simm.s32 @p0 $0x9  }
0x63: {  	_ =	swait.ge @p0 [sflag:s5], $0xFA0  }
0x64: {  	s29 =	sshra.s32 @!p0 s25, $0x2;
	s30 =	simm.s32 @!p0 $0x7D;
	[sflag:s5] =	ssyncset.done @p0 $0x0  }
0x65: {  	s7 =	simm.s32 @!p0 $0xA000;
	s6 =	sadd.s32 @!p0 $0x400, s29;
	[sflag:s5] =	ssyncadd.s32 @p0 $0xFFFFF060  }
0x66: {  	[tilespmem:s7], [sflag:$0x1] =	stream.indirect.gather @!p0 [hbm4b:s12+s30], $0x20, s6, s30, $0xb8;
	[tilespmem:$0x16D00] =	vst v63  }
0x67: {  	s6 =	simm.s32 @!p0 $0x2  }
0x68: {  	_ =	swait.ge @!p0 [sflag:s6], $0xFA0  }
0x69: {  	[sflag:s6] =	ssyncset.done @!p0 $0x0  }
0x6a: {  	s7 =	simm.s32 @!p0 $0xAFA0;
	[sflag:s6] =	ssyncadd.s32 @!p0 $0xFFFFF060;
	s6 =	sadd.s32 @!p0 $0x5080, s29  }
0x6b: {  	[spmem:s2] =	stream.indirect.scatter.add.bf16 @!p0 [tilespmem:s7], [sflag:$0x9], $0x20, s6, s30, $0xb8;
	[tilespmem:$0x16D00] =	vst v63  }
0x6c: {  	s6 =	simm.s32 @!p0 $0x9  }
0x6d: {  	_ =	swait.ge @!p0 [sflag:s6], $0xFA0  }
0x6e: {  	[sflag:s6] =	ssyncset.done @!p0 $0x0  }
0x6f: {  	s8 =	sadd.s32 @!p0 $0x480, s29;
	[sflag:s6] =	ssyncadd.s32 @!p0 $0xFFFFF060  }
0x70: {  	[tilespmem:s7], [sflag:$0x2] =	stream.indirect.gather @!p0 [hbm4b:s12+s30], $0x20, s8, s30, $0xb8;
	[tilespmem:$0x16D00] =	vst v63  }
0x71: {  	_ =	swait.ge [sflag:s19], $0xFA0  }
0x72: {  	[sflag:s19] =	ssyncset.done $0x0  }
0x73: {  	s8 =	sadd.s32 $0x5100, s28;
	[sflag:s19] =	ssyncadd.s32 $0xFFFFF060  }
0x74: {  	[spmem:s2] =	stream.indirect.scatter.add.bf16 [tilespmem:s22], [sflag:$0x9], $0x20, s8, s18, $0xb8;
	[tilespmem:$0x16D00] =	vst v63  }
0x75: {  	_ =	swait.ge [sflag:s16], $0xFA0  }
0x76: {  	[sflag:s16] =	ssyncset.done $0x0  }
0x77: {  	s7 =	simm.s32 @p0 $0x4;
	[sflag:s16] =	ssyncadd.s32 $0xFFFFF060  }
0x78: {  	_ =	swait.ge @p0 [sflag:s7], $0xFA0  }
0x79: {  	[sflag:s7] =	ssyncset.done @p0 $0x0  }
0x7a: {  	s8 =	simm.s32 @p0 $0xCEE0;
	[sflag:s7] =	ssyncadd.s32 @p0 $0xFFFFF060;
	s7 =	sadd.s32 @p0 $0x5180, s0  }
0x7b: {  	[spmem:s2] =	stream.indirect.scatter.add.bf16 @p0 [tilespmem:s8], [sflag:$0x9], $0x20, s7, s24, $0xb8;
	[tilespmem:$0x16D00] =	vst v63  }
0x7c: {  	_ =	swait.ge @p0 [sflag:s5], $0xFA0  }
0x7d: {  	[sflag:s5] =	ssyncset.done @p0 $0x0  }
0x7e: {  	s7 =	sadd.s32 @!p0 $0x500, s29;
	s8 =	simm.s32 @!p0 $0xBF40;
	[sflag:s5] =	ssyncadd.s32 @p0 $0xFFFFF060  }
0x7f: {  	[tilespmem:s8], [sflag:$0x3] =	stream.indirect.gather @!p0 [hbm4b:s12+s30], $0x20, s7, s30, $0xb8;
	[tilespmem:$0x16D00] =	vst v63  }
0x80: {  	s7 =	simm.s32 @!p0 $0x4  }
0x81: {  	_ =	swait.ge @!p0 [sflag:s7], $0xFA0  }
0x82: {  	[sflag:s7] =	ssyncset.done @!p0 $0x0  }
0x83: {  	s8 =	simm.s32 @!p0 $0xCEE0;
	[sflag:s7] =	ssyncadd.s32 @!p0 $0xFFFFF060;
	s7 =	sadd.s32 @!p0 $0x5180, s29  }
0x84: {  	[spmem:s2] =	stream.indirect.scatter.add.bf16 @!p0 [tilespmem:s8], [sflag:$0x9], $0x20, s7, s30, $0xb8;
	[tilespmem:$0x16D00] =	vst v63  }
0x85: {  	_ =	swait.ge @!p0 [sflag:s6], $0xFA0  }
0x86: {  	[sflag:s6] =	ssyncset.done @!p0 $0x0  }
0x87: {  	s7 =	sadd.s32 @!p0 $0x580, s29;
	[sflag:s6] =	ssyncadd.s32 @!p0 $0xFFFFF060  }
0x88: {  	[tilespmem:s8], [sflag:$0x4] =	stream.indirect.gather @!p0 [hbm4b:s12+s30], $0x20, s7, s30, $0xb8;
	[tilespmem:$0x16D00] =	vst v63  }
0x89: {  	_ =	swait.ge [sflag:s20], $0xFA0  }
0x8a: {  	[sflag:s20] =	ssyncset.done $0x0  }
0x8b: {  	s8 =	sadd.s32 $0x5200, s28;
	[sflag:s20] =	ssyncadd.s32 $0xFFFFF060  }
0x8c: {  	[spmem:s2] =	stream.indirect.scatter.add.bf16 [tilespmem:s26], [sflag:$0x9], $0x20, s8, s18, $0xb8;
	[tilespmem:$0x16D00] =	vst v63  }
0x8d: {  	_ =	swait.ge [sflag:s16], $0xFA0  }
0x8e: {  	[sflag:s16] =	ssyncset.done $0x0  }
0x8f: {  	s7 =	simm.s32 @p0 $0x6;
	[sflag:s16] =	ssyncadd.s32 $0xFFFFF060  }
0x90: {  	_ =	swait.ge @p0 [sflag:s7], $0xFA0  }
0x91: {  	[sflag:s7] =	ssyncset.done @p0 $0x0  }
0x92: {  	s0 =	sadd.s32 @p0 $0x5280, s0;
	[sflag:s7] =	ssyncadd.s32 @p0 $0xFFFFF060;
	s7 =	simm.s32 @p0 $0xEE20  }
0x93: {  	[spmem:s2] =	stream.indirect.scatter.add.bf16 @p0 [tilespmem:s7], [sflag:$0x9], $0x20, s0, s24, $0xb8;
	[tilespmem:$0x16D00] =	vst v63  }
0x94: {  	_ =	swait.ge @p0 [sflag:s5], $0xFA0  }
0x95: {  	[sflag:s5] =	ssyncset.done @p0 $0x0  }
0x96: {  	s0 =	sadd.s32 @!p0 $0x600, s29;
	[sflag:s5] =	ssyncadd.s32 @p0 $0xFFFFF060;
	s5 =	simm.s32 @!p0 $0xDE80  }
0x97: {  	[tilespmem:s5], [sflag:$0x5] =	stream.indirect.gather @!p0 [hbm4b:s12+s30], $0x20, s0, s30, $0xb8;
	[tilespmem:$0x16D00] =	vst v63  }
0x98: {  	s0 =	simm.s32 @!p0 $0x6  }
0x99: {  	_ =	swait.ge @!p0 [sflag:s0], $0xFA0  }
0x9a: {  	[sflag:s0] =	ssyncset.done @!p0 $0x0  }
0x9b: {  	s5 =	simm.s32 @!p0 $0xEE20;
	[sflag:s0] =	ssyncadd.s32 @!p0 $0xFFFFF060;
	s0 =	sadd.s32 @!p0 $0x5280, s29  }
0x9c: {  	[spmem:s2] =	stream.indirect.scatter.add.bf16 @!p0 [tilespmem:s5], [sflag:$0x9], $0x20, s0, s30, $0xb8;
	[tilespmem:$0x16D00] =	vst v63  }
0x9d: {  	_ =	swait.ge @!p0 [sflag:s6], $0xFA0  }
0x9e: {  	[sflag:s6] =	ssyncset.done @!p0 $0x0  }
0x9f: {  	s0 =	sadd.s32 @!p0 $0x680, s29;
	[sflag:s6] =	ssyncadd.s32 @!p0 $0xFFFFF060  }
0xa0: {  	[tilespmem:s5], [sflag:$0x6] =	stream.indirect.gather @!p0 [hbm4b:s12+s30], $0x20, s0, s30, $0xb8;
	[tilespmem:$0x16D00] =	vst v63  }
0xa1: {  	_ =	swait.ge [sflag:s21], $0xFA0  }
0xa2: {  	[sflag:s21] =	ssyncset.done $0x0  }
.Ltmp3:
0xa3: {  	s30 =	sadd.s32 $0x5300, s28;
	[sflag:s21] =	ssyncadd.s32 $0xFFFFF060;
	(pc) =	sbr.rel @p0 .LBB2_6-.Ltmp3, $4  }
0xa4: {  	[spmem:s2] =	stream.indirect.scatter.add.bf16 [tilespmem:s31], [sflag:$0x9], $0x20, s30, s18, $0xb8;
	[tilespmem:$0x16D00] =	vst v63  }
0xa5: {  	_ =	swait.ge [sflag:s16], $0xFA0  }
0xa6: {  	[sflag:s16] =	ssyncset.done $0x0  }
0xa7: {  	s0 =	sadd.s32 $0x5380, s28;
	[sflag:s16] =	ssyncadd.s32 $0xFFFFF060  }
0xa8: {  	s5 =	sadd.s32 $0x700, s28  }
0xa9: {  	[tilespmem:s31], [sflag:$0x7] =	stream.indirect.gather [hbm4b:s12+s18], $0x20, s5, s18, $0xb8;
	[tilespmem:$0x16D00] =	vst v63  }
0xaa: {  	_ =	swait.ge [sflag:s23], $0xFA0  }
0xab: {  	[sflag:s23] =	ssyncset.done $0x0  }
0xac: {  	[sflag:s23] =	ssyncadd.s32 $0xFFFFF060  }
0xad: {  	[spmem:s2] =	stream.indirect.scatter.add.bf16 [tilespmem:s1], [sflag:$0x9], $0x20, s0, s18, $0xb8;
	[tilespmem:$0x16D00] =	vst v63  }
.Ltmp4:
0xae: {  	_ = 	snop;
	(pc) =	sbr.rel .LBB2_4-.Ltmp4, $4  }
0xaf: {  	_ =	swait.ge [sflag:s16], $0xFA0  }
0xb0: {  	[sflag:s16] =	ssyncset.done $0x0  }
0xb1: {  	s30 =	sadd.s32 $0x780, s28;
	s25 =	sadd.s32 $0x1000, s25;
	[sflag:s16] =	ssyncadd.s32 $0xFFFFF060  }
0xb2: {  	[tilespmem:s1], [sflag:$0x8] =	stream.indirect.gather [hbm4b:s12+s18], $0x20, s30, s18, $0xb8;
	[tilespmem:$0x16D00] =	vst v63  }
.LBB2_7:
0xb3: {  	_ =	sfence.sel $0x180000  }
0xb4: {  	[bflag:$0x0] =	sbarrier.arrive $0xFFFF  }
0xb5: {  	_ =	strace $0x9000004D  }
0xb6: {  	s0 =	stileid.u32;
	[bflag:$0x2] =	sbarrier.arrive $0xFFFF  }
0xb7: {  	p0 =	sne.s32 s0, $0x0;
	s0 =	rddreg [dreg:$0x2]  }
0xb8: {  	s0 =	sadd.s32 @!p0 $0x100000, s0  }
0xb9: {  	[sflag:s0] =	ssyncadd.tile.s32 @!p0 $0x1;
	_ =	shalt  }
.Lfunc_end2:
_tile_overlayer_lowered:
.L_overlay_start_2:
0xba: {  	(tag) =	ssettag $0x2  }
0xbb: {  	s0 =	rddreg [dreg:$0x0];
	s2 =	stileid.u32  }
0xbc: {  	s1 =	rddreg [dreg:$0x1];
	p0 =	sne.s32 s2, $0x0  }
0xbd: {  	s3 =	rddreg [dreg:$0x2];
	[bflag:$0x3] =	sbarrier.arrive $0xFFFF;
	s2 =	simm.s32 @!p0 $0x1C09  }
0xbe: {  	[timem:s3], [sflag:s2] =	dma.local @!p0 [hbm:s0], s1  }
0xbf: {  	s0 =	simm.s32 @!p0 $0x9  }
0xc0: {  	_ =	swait.ge @!p0 [sflag:s0], s1  }
0xc1: {  	s1 =	ssub.s32 @!p0 $0x0, s1;
	[sflag:s0] =	ssyncset.done @!p0 $0x0  }
0xc2: {  	[sflag:s0] =	ssyncadd.s32 @!p0 s1  }
0xc3: {  	[bflag:$0x3] =	sbarrier.arrive $0xFFFF  }
0xc4: {  	_ =	shalt  }

// kernel: kernel.9.cloned.1.call-start
scs
__scs_entry_jumppad:
0x0: {  	(pc) =	sbr.rel $0x88, $3  }
0x1: {  	(tag) =	ssettag $0x0;
	lr =	simm.s32 $0x1  }
0x2: {  	[smem:$0x3F99] =	sst lr;
	_ =	strace $0xD0000000  }
0x3: {  	_ = 	snop  }
0x4: {  	_ = 	snop  }
0x5: {  	_ = 	snop  }
0x6: {  	_ = 	snop  }
0x7: {  	_ = 	snop  }
__scs_overlays_trampoline_lowered:
0x8: {  	[smem:$0x3FA8] =	sst s0  }
0x9: {  	[smem:$0x3FA9] =	sst s1  }
0xa: {  	[smem:$0x3FAA] =	sst s2  }
0xb: {  	[smem:$0x3FAB] =	sst s3  }
0xc: {  	[smem:$0x3FAC] =	sst s4  }
0xd: {  	[smem:$0x3FAD] =	sst s5  }
0xe: {  	[smem:$0x3FAE] =	sst s6  }
0xf: {  	[smem:$0x3FAF] =	sst s7  }
0x10: {  	[smem:$0x3FB0] =	sst s8  }
0x11: {  	[smem:$0x3FB1] =	sst s9;
	s0 =	simm.s32 @!p0 $0x0  }
0x12: {  	s1 =	sld [smem:$0x3F97];
	s0 =	simm.s32 @p0 $0x1  }
0x13: {  	[smem:$0x3FB2] =	sst s0;
	s0 =	simm.s32 @!p1 $0x0  }
0x14: {  	s2 =	sld [smem:$0x3F96];
	s0 =	simm.s32 @p1 $0x1  }
0x15: {  	[smem:$0x3FB3] =	sst s0;
	s0 =	simm.s32 @!p2 $0x0  }
0x16: {  	s3 =	sld [smem:$0x3FDB];
	s0 =	simm.s32 @p2 $0x1  }
0x17: {  	s4 =	simm.s32 $0x1BF5;
	[smem:$0x3FB5] =	sst s0  }
0x18: {  	s0 =	sld [smem:$0x3F98];
	_ =	swait.ge [sflag:s4], $0x0  }
0x19: {  	s7 =	sld [smem:$0x3F99]  }
0x1a: {  	s8 =	sadd.s32 $0xFFFFE003, lr  }
0x1b: {  	s9 =	sadd.s32 $0xFFFFFEF7, lr;
	s5 =	simm.s32 $0xFFFFFFFF;
	p2 =	slt.u32 s8, $0xFFFFF086  }
0x1c: {  	p1 =	slt.u32 s9, $0xF7A;
	s5 =	simm.s32 @!p2 $0x0  }
0x1d: {  	s5 =	simm.s32 @p1 $0x1;
	p0 =	seq.s32 s7, s2  }
0x1e: {  	s7 =	smul.u32 @!p0 $0xF7A, s2;
	p2 =	seq.s32 @!p0 s5, $0x0  }
0x1f: {  	s9 =	smul.u32 $0xF7A, s1;
	s8 =	simm.s32 @!p0 $0x1BF5;
	p2 =	por !p2, p0  }
0x20: {  	[sflag:s8] =	ssyncset.s32 @!p0 $0xFFFFF086;
	s6 =	sadd.s32 @!p0 s3, s7;
	s7 =	simm.s32 @!p0 $0x108  }
0x21: {  	s3 =	sadd.s32 s3, s9;
	s6 =	sadd.s32 @!p0 $0x88, s6;
	s7 =	simm.s32 @p2 $0x1082  }
0x22: {  	[simem:s7], [sflag:s8] =	dma.local @!p0 [hbm:s6], $0xF7A  }
0x23: {  	s9 =	sor.u32 $0xD0000000, s2;
	s6 =	simm.s32 $0x108;
	_ =	swait.ge @!p0 [sflag:s8], $0x0  }
0x24: {  	s3 =	sadd.s32 $0x88, s3;
	s6 =	simm.s32 @!p1 $0x1082;
	[sflag:s4] =	ssyncset.s32 $0xFFFFF086  }
0x25: {  	[simem:s6], [sflag:s4] =	dma.local [hbm:s3], $0xF7A  }
0x26: {  	[smem:$0x3F99] =	sst s1;
	(tag) =	ssettag s2;
	_ =	strace s9  }
0x27: {  	s1 =	sld [smem:$0x3FA9]  }
0x28: {  	s2 =	sld [smem:$0x3FAA]  }
0x29: {  	s4 =	sld [smem:$0x3FAC]  }
0x2a: {  	p0 =	seq.s32 s5, $0x0;
	s5 =	sld [smem:$0x3FAD]  }
0x2b: {  	s6 =	sld [smem:$0x3FAE]  }
0x2c: {  	s7 =	sld [smem:$0x3FAF]  }
0x2d: {  	s3 =	simm.s32 $0x108;
	s8 =	sld [smem:$0x3FB0]  }
0x2e: {  	s3 =	simm.s32 @!p0 $0x1082;
	s9 =	sld [smem:$0x3FB1]  }
0x2f: {  	lr =	sadd.s32 s0, s3;
	s0 =	sld [smem:$0x3FA8]  }
0x30: {  	s3 =	sld [smem:$0x3FAB]  }
0x31: {  	[smem:$0x3FB4] =	sst s10  }
0x32: {  	s10 =	sld [smem:$0x3FB2];
	_ =	sdelay $0x3  }
0x33: {  	p0 =	seq.s32 s10, $0x1;
	s10 =	sld [smem:$0x3FB4];
	_ =	sdelay $0x3  }
0x34: {  	[smem:$0x3FB4] =	sst s10  }
0x35: {  	s10 =	sld [smem:$0x3FB3];
	_ =	sdelay $0x3  }
0x36: {  	p1 =	seq.s32 s10, $0x1;
	s10 =	sld [smem:$0x3FB4];
	_ =	sdelay $0x3  }
0x37: {  	[smem:$0x3FB4] =	sst s10  }
0x38: {  	s10 =	sld [smem:$0x3FB5]  }
0x39: {  	_ = 	snop;
	(pc) =	sbr.ind lr, $3  }
0x3a: {  	_ = 	snop  }
0x3b: {  	_ = 	snop  }
0x3c: {  	p2 =	seq.s32 s10, $0x1;
	s10 =	sld [smem:$0x3FB4]  }
0x3d: {  	_ =	shalt  }
0x3e: {  	_ =	shalt  }
0x3f: {  	_ =	shalt  }
0x40: {  	_ =	shalt  }
0x41: {  	_ =	shalt  }
0x42: {  	_ =	shalt  }
0x43: {  	_ =	shalt  }
0x44: {  	_ =	shalt  }
0x45: {  	_ =	shalt  }
0x46: {  	_ =	shalt  }
0x47: {  	_ =	shalt  }
0x48: {  	_ =	shalt  }
0x49: {  	_ =	shalt  }
0x4a: {  	_ =	shalt  }
0x4b: {  	_ =	shalt  }
0x4c: {  	_ =	shalt  }
0x4d: {  	_ =	shalt  }
0x4e: {  	_ =	shalt  }
0x4f: {  	_ =	shalt  }
0x50: {  	_ =	shalt  }
0x51: {  	_ =	shalt  }
0x52: {  	_ =	shalt  }
0x53: {  	_ =	shalt  }
0x54: {  	_ =	shalt  }
0x55: {  	_ =	shalt  }
0x56: {  	_ =	shalt  }
0x57: {  	_ =	shalt  }
0x58: {  	_ =	shalt  }
0x59: {  	_ =	shalt  }
0x5a: {  	_ =	shalt  }
0x5b: {  	_ =	shalt  }
0x5c: {  	_ =	shalt  }
0x5d: {  	_ =	shalt  }
0x5e: {  	_ =	shalt  }
0x5f: {  	_ =	shalt  }
0x60: {  	_ =	shalt  }
0x61: {  	_ =	shalt  }
0x62: {  	_ =	shalt  }
0x63: {  	_ =	shalt  }
0x64: {  	_ =	shalt  }
0x65: {  	_ =	shalt  }
0x66: {  	_ =	shalt  }
0x67: {  	_ =	shalt  }
0x68: {  	_ =	shalt  }
0x69: {  	_ =	shalt  }
0x6a: {  	_ =	shalt  }
0x6b: {  	_ =	shalt  }
0x6c: {  	_ =	shalt  }
0x6d: {  	_ =	shalt  }
0x6e: {  	_ =	shalt  }
0x6f: {  	_ =	shalt  }
0x70: {  	_ =	shalt  }
0x71: {  	_ =	shalt  }
0x72: {  	_ =	shalt  }
0x73: {  	_ =	shalt  }
0x74: {  	_ =	shalt  }
0x75: {  	_ =	shalt  }
0x76: {  	_ =	shalt  }
0x77: {  	_ =	shalt  }
0x78: {  	_ =	shalt  }
0x79: {  	_ =	shalt  }
0x7a: {  	_ =	shalt  }
0x7b: {  	_ =	shalt  }
0x7c: {  	_ =	shalt  }
0x7d: {  	_ =	shalt  }
0x7e: {  	_ =	shalt  }
0x7f: {  	_ =	shalt  }
0x80: {  	_ =	shalt  }
0x81: {  	_ =	shalt  }
0x82: {  	_ =	shalt  }
0x83: {  	_ =	shalt  }
0x84: {  	_ =	shalt  }
0x85: {  	_ =	shalt  }
0x86: {  	_ =	shalt  }
0x87: {  	_ =	shalt  }
.Lfunc_end0:
.L_simem_size_0:
called_computation_lowered:
.L_overlay_start_0:
0x88: {  	s2 =	sld [smem:$0x3FD9]  }
0x89: {  	s3 =	sld [smem:$0x3FFE];
	_ =	sdelay $0x1  }
0x8a: {  	s1 =	srdreg.scid  }
0x8b: {  	s0 =	sand.u32 $0x1, s1  }
0x8c: {  	s16 =	sshll.u32 s0, $0xA;
	s2 =	sadd.s32 s3, s2  }
0x8d: {  	s2 =	sadd.s32 s2, s16  }
0x8e: {  	[smem:$0x3FC0] =	sst s2  }
0x8f: {  	_ = 	snop  }
0x90: {  	(tm) =	ssettm $0x1  }
0x91: {  	s17 =	sld [smem:$0x3FFB];
	_ =	sdelay $0x3  }
0x92: {  	_ =	strace s17  }
0x93: {  	s2 =	sld [smem:$0x3FFC];
	_ =	sdelay $0x3  }
0x94: {  	_ =	strace s2  }
0x95: {  	s2 =	sld [smem:$0x3FFD];
	_ =	sdelay $0x3  }
0x96: {  	_ =	strace s2  }
0x97: {  	_ =	strace $0x8FFFFFFF  }
0x98: {  	s18 =	sld [smem:$0x3FDB];
	_ =	sdelay $0x1  }
0x99: {  	s19 =	simm.s32 $_scs_section_size  }
0x9a: {  	s4 =	simm.s32 $_size__tile_overlayer_lowered;
	s5 =	simm.s32 $_tile_overlayer_lowered  }
0x9b: {  	s22 =	simm.s32 $0x1BFF;
	s21 =	sshll.u32 s5, $0x1;
	s2 =	sadd.s32 s19, s18  }
0x9c: {  	s6 =	simm.s32 $0x0;
	s20 =	sshll.u32 s4, $0x1;
	s4 =	sadd.s32 s21, s2  }
0x9d: {  	[timem:s6], [sflag:s22] =	dma.local [hbm:s4], s20  }
0x9e: {  	_ =	swait.ge [sflag:s22], s20  }
0x9f: {  	s3 =	ssub.s32 $0x0, s20;
	[sflag:s22] =	ssyncset.done $0x0  }
0xa0: {  	[sflag:s22] =	ssyncadd.s32 s3;
	_ =	sdelay $0x1  }
0xa1: {  	s23 =	simm.s32 $0x1B8B  }
0xa2: {  	_ =	swait.ge [sflag:s23], $0x1  }
0xa3: {  	[sflag:s23] =	ssyncset.done $0x0  }
0xa4: {  	s25 =	simm.s32 $0x1B8E;
	s24 =	sld [smem:$0x3FFE];
	[sflag:s23] =	ssyncadd.s32 $0xFFFFFFFF  }
0xa5: {  	s26 =	simm.s32 $execute0_lowered;
	[smem:$0x3FD2] =	sst s25  }
0xa6: {  	s4 =	sshll.u32 s26, $0x1;
	_ =	strace $0x80000046;
	[dreg:$0x1] =	wrdreg $0xFFFFFFFF  }
0xa7: {  	s28 =	simm.s32 $_size_execute0_lowered;
	s2 =	sadd.s32 s2, s4;
	[dreg:$0x0] =	wrdreg $0x0  }
0xa8: {  	s4 =	sshll.u32 s28, $0x1;
	[dreg:$0x2] =	wrdreg s2  }
0xa9: {  	[dreg:$0x3] =	wrdreg s4  }
0xaa: {  	[dreg:$0x4] =	wrdreg $0xC0  }
0xab: {  	_ =	task [dreg:s6], $0x5FFFF  }
0xac: {  	[dreg:$0x1] =	wrdreg $0xFFFFFFFF  }
0xad: {  	[dreg:$0x0] =	wrdreg $0x60  }
0xae: {  	[dreg:$0x2] =	wrdreg s24  }
0xaf: {  	[dreg:$0x3] =	wrdreg $0x50500  }
0xb0: {  	[dreg:$0x4] =	wrdreg $0x9  }
0xb1: {  	_ =	task.clear_ibuf [dreg:s6], $0x5FFFF;
	_ =	strace $0x90000046  }
0xb2: {  	s29 =	simm.s32 $0x9;
	_ =	strace $0x80000048  }
0xb3: {  	_ =	swait.ge [sflag:s29], $0x1  }
0xb4: {  	[sflag:s29] =	ssyncadd.s32 $0xFFFFFFFF  }
0xb5: {  	_ =	strace $0x90000048  }
0xb6: {  	_ =	sfence  }
0xb7: {  	s30 =	sld [smem:$0x0];
	_ =	sdelay $0x2  }
0xb8: {  	s31 =	sshll.u32 s1, $0xD;
	s1 =	sshrl.u32 s1, $0x2  }
0xb9: {  	s3 =	sand.u32 $0x4000, s31;
	s1 =	sadd.s32 s1, s30  }
0xba: {  	s0 =	sor.u32 s3, s0;
	s1 =	sshll.u32 s1, $0x11  }
0xbb: {  	s0 =	sor.u32 s1, s0  }
0xbc: {  	s0 =	sadd.s32 $0x8F2B, s0  }
0xbd: {  	[sflag:s0] =	ssyncadd.remote.s32 $0x1  }
0xbe: {  	_ =	sfence.sel $0xFFFF  }
0xbf: {  	[dreg:$0x0] =	wrdreg $0xFFFFFFFF;
	(pc) =	sbr.abs _section_cstart, $3  }
0xc0: {  	[dreg:$0x1] =	wrdreg $0xFFFFFFFF  }
0xc1: {  	_ =	task.clear_ibuf [dreg:s6], $0x2FFFF;
	_ =	strace $0x9FFFFFFF  }
0xc2: {  	(tm) =	ssettm $0x7FFFFFFF  }
0xc3: {  	_ =	shalt  }
tec
execute0_lowered:
.L_overlay_start_1:
0x0: {  	(tag) =	ssettag $0x1  }
0x1: {  	s1 =	srdreg.scid  }
0x2: {  	s0 =	stileid.u32;
	s4 =	rddreg [dreg:$0x0]  }
0x3: {  	s2 =	rddreg [dreg:$0x1];
	s3 =	simm.s32 $0x0;
	s10 =	simm.s32 $0x50  }
0x4: {  	s5 =	sand.u32 $0x1, s1;
	s6 =	smul.u32 $0x5000, s0;
	s1 =	rddreg [dreg:$0x2]  }
0x5: {  	s11 =	simm.s32 $0x5000;
	[smem:$0x7FF] =	sst s3;
	s7 =	smul.u32 $0x2800, s5  }
0x6: {  	s8 =	smul.u32 $0x280, s0;
	s12 =	sshll.u32 s0, $0x6;
	_ =	strace $0x80000047  }
0x7: {  	s5 =	ssub.s32 $0x2, s5;
	s12 =	sor.u32 $0x1C01, s12;
	s6 =	sadd.s32 s7, s6  }
0x8: {  	s31 =	sshrl.u32 s5, $0x1;
	s7 =	sadd.s32 s8, s7;
	s6 =	sadd.s32 $0x50000, s6  }
0x9: {  	s9 =	ssub.s32 s5, s31;
	s7 =	sshrl.u32 s7, $0x3;
	s6 =	sshrl.u32 s6, $0x3  }
0xa: {  	v0 =	vimm.f32 $0.0e+00;
	v1 =	vlaneseq.u32;
	s7 =	sadd.s32 s7, s4;
	s6 =	sadd.s32 s6, s4;
	s4 =	sadd.s32 s8, s2  }
0xb: {  	v6 =	vimm.f32 $1.000000000e+00;
	vm0 =	vcmask $0x3F0C;
	v2 =	vor.u32 $0x10, v1;
	s8 =	simm.s32 $0x2800;
	s5 =	sadd.s32 $0x2200, s6;
	s6 =	sadd.s32 $0x16200, s7  }
0xc: {  	v3 =	vor.u32 $0x20, v1;
	v4 =	vor.u32 $0x30, v1;
	v5 =	vor.u32 $0x40, v1;
	s7 =	smax.u32 s9, $0x1;
	s9 =	simm.s32 $0x1;
	s13 =	sshrl.u32 s4, $0x3  }
.LBB2_1:
0xd: {  	s14 =	simm.s32 $0x0;
	s15 =	simm.s32 $0x200  }
.LBB2_2:
0xe: {  	p0 =	sne.s32 s15, $0x9E00;
	[tilespmem:s14+$0x2870] =	vst v0  }
0xf: {  	[tilespmem:s14+$0x2800] =	vst v0  }
0x10: {  	[tilespmem:s14+$0x2810] =	vst v0  }
.Ltmp0:
0x11: {  	[tilespmem:s14+$0x2820] =	vst v0;
	(pc) =	sbr.rel @p0 .LBB2_2-.Ltmp0, $4  }
0x12: {  	[tilespmem:s14+$0x2830] =	vst v0  }
0x13: {  	[tilespmem:s14+$0x2840] =	vst v0  }
0x14: {  	[tilespmem:s14+$0x2850] =	vst v0  }
0x15: {  	[tilespmem:s14+$0x2860] =	vst v0;
	s14 =	sshra.s32 s15, $0x2;
	s15 =	sadd.s32 $0x200, s15  }
0x16: {  	[tilespmem:s14+$0x2870] =	vst v0  }
0x17: {  	[tilespmem:s14+$0x2800] =	vst v0  }
0x18: {  	[tilespmem:s14+$0x2810] =	vst v0  }
0x19: {  	[tilespmem:s14+$0x2820] =	vst v0  }
0x1a: {  	[tilespmem:s14+$0x2830] =	vst v0  }
0x1b: {  	[tilespmem:s14+$0x2840] =	vst v0  }
0x1c: {  	[tilespmem:s14+$0x2850] =	vst v0  }
0x1d: {  	[tilespmem:s14+$0x2860] =	vst v0  }
0x1e: {  	[tilespmem:$0x5000] =	vst v1  }
0x1f: {  	[tilespmem:$0x5010] =	vst v2  }
0x20: {  	[tilespmem:$0x5020] =	vst v3  }
0x21: {  	[tilespmem:$0x5030] =	vst v4  }
0x22: {  	[tilespmem:$0x5040] =	vst v5  }
0x23: {  	[spmem:s4] =	stream.linear.scatter [tilespmem:s8], [sflag:$0x1], $0x280, $0x38;
	[tilespmem:$0x52D0] =	vst v63  }
0x24: {  	_ =	swait.ge [sflag:s9], $0x280  }
0x25: {  	[sflag:s9] =	ssyncset.done $0x0  }
0x26: {  	s14 =	simm.s32 $0x0;
	[sflag:s9] =	ssyncadd.s32 $0xFFFFFD80  }
0x27: {  	[tilespmem:s14], [sflag:$0x1] =	stream.linear.gather [hbm4b:s5+s14], $0x2800, $0x38;
	[tilespmem:$0x52D0] =	vst v63  }
0x28: {  	_ =	swait.ge [sflag:s9], $0x2800  }
0x29: {  	[sflag:s9] =	ssyncset.done $0x0  }
0x2a: {  	[sflag:s9] =	ssyncadd.s32 $0xFFFFD800  }
.LBB2_4:
0x2b: {  	s15 =	sshra.s32 s14, $0x2  }
0x2c: {  	v7 =	vld [tilespmem:s15+$0x0];
	_ =	sdelay $0x7  }
0x2d: {  	[tilespmem:v7+s8+$0x0] =	vst.idx.add.f32.msk $0xffff, v6  }
0x2e: {  	v7 =	vld [tilespmem:s15+$0x10];
	_ =	sdelay $0x7  }
0x2f: {  	[tilespmem:v7+s8+$0x0] =	vst.idx.add.f32.msk $0xffff, v6  }
0x30: {  	v7 =	vld [tilespmem:s15+$0x20];
	_ =	sdelay $0x7  }
0x31: {  	[tilespmem:v7+s8+$0x0] =	vst.idx.add.f32.msk $0xffff, v6  }
0x32: {  	v7 =	vld [tilespmem:s15+$0x30];
	_ =	sdelay $0x7  }
0x33: {  	[tilespmem:v7+s8+$0x0] =	vst.idx.add.f32.msk $0xffff, v6  }
0x34: {  	v7 =	vld [tilespmem:s15+$0x40];
	_ =	sdelay $0x7  }
0x35: {  	[tilespmem:v7+s8+$0x0] =	vst.idx.add.f32.msk $0xffff, v6  }
0x36: {  	v7 =	vld [tilespmem:s15+$0x50];
	_ =	sdelay $0x7  }
0x37: {  	[tilespmem:v7+s8+$0x0] =	vst.idx.add.f32.msk $0xffff, v6  }
0x38: {  	v7 =	vld [tilespmem:s15+$0x60];
	_ =	sdelay $0x7  }
0x39: {  	[tilespmem:v7+s8+$0x0] =	vst.idx.add.f32.msk $0xffff, v6  }
0x3a: {  	v7 =	vld [tilespmem:s15+$0x6D];
	_ =	sdelay $0x2  }
0x3b: {  	p0 =	sne.s32 s14, $0x9E00  }
.Ltmp1:
0x3c: {  	_ = 	snop;
	(pc) =	sbr.rel @p0 .LBB2_4-.Ltmp1, $2  }
0x3d: {  	_ =	sdelay $0x2  }
0x3e: {  	s14 =	sadd.s32 $0x200, s14;
	[tilespmem:v7+s8+$0x0] =	vst.idx.add.f32.msk vm0, v6  }
0x3f: {  	[bflag:$0x0] =	sbarrier.arrive $0xFFFF  }
0x40: {  	[spmem:s2] =	stream.indirect.scatter.add.f32 [tilespmem:s8], [sflag:$0x1], $0x80, s11, s10, $0xb8;
	[tilespmem:$0x52D0] =	vst v63  }
0x41: {  	_ =	swait.ge [sflag:s9], $0x2800  }
0x42: {  	s3 =	sadd.s32 $0x1, s3;
	[sflag:s9] =	ssyncset.done $0x0  }
0x43: {  	p0 =	sne.s32 s3, s7;
	[sflag:s9] =	ssyncadd.s32 $0xFFFFD800  }
.Ltmp2:
0x44: {  	[bflag:$0x0] =	sbarrier.arrive $0xFFFF;
	(pc) =	sbr.rel @p0 .LBB2_1-.Ltmp2, $4  }
0x45: {  	[hbm:s6], [sflag:s12] =	dma.local [spmem:s13], $0x50  }
0x46: {  	_ =	swait.ge [sflag:s9], $0x50  }
0x47: {  	[sflag:s9] =	ssyncset.done $0x0  }
0x48: {  	[sflag:s9] =	ssyncadd.s32 $0xFFFFFFB0  }
0x49: {  	_ =	sfence.sel $0x180000  }
0x4a: {  	[bflag:$0x0] =	sbarrier.arrive $0xFFFF  }
0x4b: {  	p0 =	sne.s32 s0, $0x0;
	_ =	strace $0x90000047  }
0x4c: {  	s0 =	sadd.s32 @!p0 $0x100000, s1;
	[bflag:$0x2] =	sbarrier.arrive $0xFFFF  }
0x4d: {  	[sflag:s0] =	ssyncadd.tile.s32 @!p0 $0x1;
	_ =	shalt  }
.Lfunc_end2:
_tile_overlayer_lowered:
.L_overlay_start_2:
0x4e: {  	(tag) =	ssettag $0x2  }
0x4f: {  	s0 =	rddreg [dreg:$0x0];
	s2 =	stileid.u32  }
0x50: {  	s1 =	rddreg [dreg:$0x1];
	p0 =	sne.s32 s2, $0x0  }
0x51: {  	s3 =	rddreg [dreg:$0x2];
	[bflag:$0x3] =	sbarrier.arrive $0xFFFF;
	s2 =	simm.s32 @!p0 $0x1C01  }
0x52: {  	[timem:s3], [sflag:s2] =	dma.local @!p0 [hbm:s0], s1  }
0x53: {  	s0 =	simm.s32 @!p0 $0x1  }
0x54: {  	_ =	swait.ge @!p0 [sflag:s0], s1  }
0x55: {  	s1 =	ssub.s32 @!p0 $0x0, s1;
	[sflag:s0] =	ssyncset.done @!p0 $0x0  }
0x56: {  	[sflag:s0] =	ssyncadd.s32 @!p0 s1  }
0x57: {  	[bflag:$0x3] =	sbarrier.arrive $0xFFFF  }
0x58: {  	_ =	shalt  }

</sc_bundles>
